<compile_context>
chip_gen: v7x
topology: tpu7x:2x2x1
jax: 0.10.2.dev20260603
libtpu: 0.0.44.dev20260713+nightly
codegen_flags: <defaults>
</compile_context>

<pallas_src>
import jax
import jax.numpy as jnp
from jax import lax
from jax.experimental import pallas as pl
from jax.experimental.pallas import tpu as pltpu
from jax.experimental.pallas import tpu_sc as plsc

P = 7
S = 2
SCALE = 0.0625
B, C, H, W = 2, 256, 64, 64
N = 512
NW = 32
CG = C // NW
NG = N // 16
L = 16
G = P * S
HW = H * W


def _axis_coords(g_idx, start, binsz, limit):
    gv = jnp.full((L,), g_idx, dtype=jnp.int32)
    g2 = gv // 2
    rem = gv - 2 * g2
    grid = g2.astype(jnp.float32) + rem.astype(jnp.float32) * 0.5 + 0.25
    t = start + grid * binsz
    ok = (t > -1.0) & (t < float(limit))
    tc = jnp.clip(t, 0.0, float(limit - 1))
    t0 = tc.astype(jnp.int32)
    lo = tc - t0.astype(jnp.float32)
    hi = 1.0 - lo
    lo = jnp.where(ok, lo, 0.0)
    hi = jnp.where(ok, hi, 0.0)
    t1 = jnp.minimum(t0 + 1, limit - 1)
    return t0, t1, hi, lo


def _sc_body(in_hbm, rois_hbm, out_hbm, feat_v, rois_v, xc_v, yc_v,
             outbuf_v, sem, osem):
    wid = lax.axis_index("s") * 2 + lax.axis_index("c")
    copies = [
        pltpu.async_copy(
            in_hbm.at[pl.ds((b * C + wid * CG) * HW, CG * HW)],
            feat_v.at[pl.ds(b * CG * HW, CG * HW)], sem)
        for b in range(B)
    ]
    copies.append(pltpu.async_copy(rois_hbm, rois_v, sem))
    for cp in copies:
        cp.wait()

    lane = lax.iota(jnp.int32, L)

    def group_body(g, _):
        par = g & 1
        @pl.when(g >= 2)
        def _wait_prev():
            pltpu.make_async_copy(
                outbuf_v.at[par],
                out_hbm.at[pl.ds(wid * (CG * P * P), CG * P * P),
                           pl.ds((g - 2) * 16, 16)],
                osem).wait()
        fbase = g * 80 + lane * 5
        bidx = plsc.load_gather(rois_v, [fbase]).astype(jnp.int32)
        x1 = plsc.load_gather(rois_v, [fbase + 1]) * SCALE - 0.5
        y1 = plsc.load_gather(rois_v, [fbase + 2]) * SCALE - 0.5
        x2 = plsc.load_gather(rois_v, [fbase + 3]) * SCALE - 0.5
        y2 = plsc.load_gather(rois_v, [fbase + 4]) * SCALE - 0.5
        bin_w = (x2 - x1) * (1.0 / P)
        bin_h = (y2 - y1) * (1.0 / P)
        bbase = bidx * (CG * HW)

        @plsc.parallel_loop(0, G, 1, unroll=2)
        def xprep_body(gx):
            px0, px1, phx, plx = _axis_coords(gx, x1, bin_w, W)
            xc_v[gx * 4 + 0] = px0
            xc_v[gx * 4 + 1] = px1
            xc_v[gx * 4 + 2] = lax.bitcast_convert_type(phx, jnp.int32)
            xc_v[gx * 4 + 3] = lax.bitcast_convert_type(plx, jnp.int32)

        @plsc.parallel_loop(0, G, 1, unroll=2)
        def yprep_body(gy):
            py0, py1, phy, ply = _axis_coords(gy, y1, bin_h, H)
            yc_v[gy * 4 + 0] = bbase + py0 * W
            yc_v[gy * 4 + 1] = bbase + py1 * W
            yc_v[gy * 4 + 2] = lax.bitcast_convert_type(phy * 0.25, jnp.int32)
            yc_v[gy * 4 + 3] = lax.bitcast_convert_type(ply * 0.25, jnp.int32)

        @plsc.parallel_loop(0, P * P, 1, unroll=2)
        def bin_body(bi):
            ph = bi // P
            pw = bi - ph * P
            ys = []
            xs = []
            for i in range(2):
                ry = (2 * ph + i) * 4
                ys.append((yc_v[ry + 0], yc_v[ry + 1],
                           lax.bitcast_convert_type(yc_v[ry + 2], jnp.float32),
                           lax.bitcast_convert_type(yc_v[ry + 3], jnp.float32)))
                rx = (2 * pw + i) * 4
                xs.append((xc_v[rx + 0], xc_v[rx + 1],
                           lax.bitcast_convert_type(xc_v[rx + 2], jnp.float32),
                           lax.bitcast_convert_type(xc_v[rx + 3], jnp.float32)))
            offs = []
            wts = []
            for iy in range(2):
                oy0, oy1, hy, ly = ys[iy]
                for ix in range(2):
                    ox0, ox1, hx, lx = xs[ix]
                    offs += [oy0 + ox0, oy0 + ox1, oy1 + ox0, oy1 + ox1]
                    wts += [hy * hx, hy * lx, ly * hx, ly * lx]
            for c in range(CG):
                cofs = jnp.full((L,), c * HW, dtype=jnp.int32)
                p = [wts[k] * plsc.load_gather(feat_v, [offs[k] + cofs])
                     for k in range(16)]
                while len(p) > 1:
                    p = [p[i] + p[i + 1] for i in range(0, len(p), 2)]
                outbuf_v[par, c * (P * P) + bi] = p[0]

        pltpu.async_copy(
            outbuf_v.at[par],
            out_hbm.at[pl.ds(wid * (CG * P * P), CG * P * P),
                       pl.ds(g * 16, 16)], osem)
        return 0

    lax.fori_loop(0, NG, group_body, 0)
    for g in (NG - 2, NG - 1):
        pltpu.make_async_copy(
            outbuf_v.at[g & 1],
            out_hbm.at[pl.ds(wid * (CG * P * P), CG * P * P),
                       pl.ds(g * 16, 16)],
            osem).wait()


@jax.jit
def kernel(inputs, rois):
    mesh = plsc.VectorSubcoreMesh(
        core_axis_name="c", subcore_axis_name="s", num_cores=2,
        num_subcores=16)
    f = pl.kernel(
        _sc_body,
        out_type=jax.ShapeDtypeStruct((C * P * P, N), jnp.float32),
        mesh=mesh,
        compiler_params=pltpu.CompilerParams(
            use_tc_tiling_on_sc=False, needs_layout_passes=False),
        scratch_types=[
            pltpu.VMEM((B * CG * HW,), jnp.float32),
            pltpu.VMEM((N * 5,), jnp.float32),
            pltpu.VMEM((G * 4, L), jnp.int32),
            pltpu.VMEM((G * 4, L), jnp.int32),
            pltpu.VMEM((2, CG * P * P, L), jnp.float32),
            pltpu.SemaphoreType.DMA,
            pltpu.SemaphoreType.DMA,
        ],
    )
    out_t = f(inputs.reshape(B * C * HW), rois.reshape(N * 5))
    return jnp.transpose(out_t.reshape(C, P, P, N), (3, 0, 1, 2))

# --- scband reference (transcript-rebuilt; emitter-appended) ---
"""Pipeline reference for scband-roialign-45586782880185 (READ-ONLY COPY).

The authoritative reference and input builder live on the scoring server;
editing this copy changes nothing except your own understanding.
"""

import jax, jax.numpy as jnp
import numpy as np

OUTPUT_SIZE = 7
SPATIAL_SCALE = 0.0625
SAMPLING_RATIO = 2
ALIGNED = True


def setup_inputs(seed: int = 0):
    key = jax.random.key(seed)
    k1, k2, k3, k4 = jax.random.split(key, 4)
    B, C, H, W = 2, 256, 64, 64
    N = 512
    inputs = jax.random.normal(k1, (B, C, H, W), dtype=jnp.float32)
    img_w = W / SPATIAL_SCALE
    img_h = H / SPATIAL_SCALE
    c1 = jax.random.uniform(k2, (N, 2), dtype=jnp.float32)
    c2 = jax.random.uniform(k3, (N, 2), dtype=jnp.float32)
    x1 = jnp.minimum(c1[:, 0], c2[:, 0]) * img_w
    x2 = jnp.maximum(c1[:, 0], c2[:, 0]) * img_w
    y1 = jnp.minimum(c1[:, 1], c2[:, 1]) * img_h
    y2 = jnp.maximum(c1[:, 1], c2[:, 1]) * img_h
    bidx = jax.random.randint(k4, (N,), 0, B).astype(jnp.float32)
    rois = jnp.stack([bidx, x1, y1, x2, y2], axis=1)
    return {"inputs": inputs, "rois": rois}


def _roi_align(inputs, rois):
    B, C, H, W = inputs.shape
    N = rois.shape[0]
    P = OUTPUT_SIZE
    S = SAMPLING_RATIO
    offset = 0.5 if ALIGNED else 0.0
    batch_idx = rois[:, 0].astype(jnp.int32)
    start_w = rois[:, 1] * SPATIAL_SCALE - offset
    start_h = rois[:, 2] * SPATIAL_SCALE - offset
    end_w = rois[:, 3] * SPATIAL_SCALE - offset
    end_h = rois[:, 4] * SPATIAL_SCALE - offset
    roi_w = end_w - start_w
    roi_h = end_h - start_h
    if not ALIGNED:
        roi_w = jnp.maximum(roi_w, 1.0)
        roi_h = jnp.maximum(roi_h, 1.0)
    bin_h = roi_h / P
    bin_w = roi_w / P
    # sample-point fractional positions along one axis: (ph + (iy+0.5)/S) for ph in [0,P), iy in [0,S)
    grid = (jnp.arange(P, dtype=jnp.float32)[:, None] + (jnp.arange(S, dtype=jnp.float32)[None, :] + 0.5) / S).reshape(-1)
    ys = start_h[:, None] + grid[None, :] * bin_h[:, None]  # [N, P*S]
    xs = start_w[:, None] + grid[None, :] * bin_w[:, None]  # [N, P*S]
    yv = ys[:, :, None]  # [N, G, 1]
    xv = xs[:, None, :]  # [N, 1, G]
    valid = (yv > -1.0) & (yv < H) & (xv > -1.0) & (xv < W)  # [N, G, G]
    y = jnp.clip(yv, 0.0, H - 1.0)
    x = jnp.clip(xv, 0.0, W - 1.0)
    y0 = jnp.minimum(jnp.floor(y).astype(jnp.int32), H - 1)
    x0 = jnp.minimum(jnp.floor(x).astype(jnp.int32), W - 1)
    y1i = jnp.minimum(y0 + 1, H - 1)
    x1i = jnp.minimum(x0 + 1, W - 1)
    ly = y - y0.astype(jnp.float32)
    lx = x - x0.astype(jnp.float32)
    hy = 1.0 - ly
    hx = 1.0 - lx
    flat = jnp.transpose(inputs, (0, 2, 3, 1)).reshape(B * H * W, C)
    base = (batch_idx * (H * W))[:, None, None]
    G = P * S

    def gather(yi, xi):
        idx = jnp.broadcast_to(base + yi * W + xi, (N, G, G))
        return flat[idx.reshape(-1)].reshape(N, G, G, C)

    v = ((hy * hx)[..., None] * gather(y0, x0)
         + (hy * lx)[..., None] * gather(y0, x1i)
         + (ly * hx)[..., None] * gather(y1i, x0)
         + (ly * lx)[..., None] * gather(y1i, x1i))
    v = jnp.where(valid[..., None], v, 0.0)
    v = v.reshape(N, P, S, P, S, C).mean(axis=(2, 4))  # average over sampling grid (count = S*S)
    return jnp.transpose(v, (0, 3, 1, 2))  # [N, C, P, P]


def reference(inputs, rois):
    return _roi_align(inputs, rois)

if __name__ == "__main__":
    import jax
    _d = setup_inputs()
    print(jax.jit(kernel)(*tuple(_d.values())))

</pallas_src>

<mosaic_0001>
#map = affine_map<(d0, d1) -> (0)>
#map1 = affine_map<(d0, d1) -> (0, 0)>
module attributes {stable_mosaic.version = 14 : i64} {
  func.func @_sc_body(%arg0: i32, %arg1: i32, %arg2: memref<2097152xf32, #tpu.memory_space<hbm>>, %arg3: memref<2560xf32, #tpu.memory_space<hbm>>, %arg4: memref<12544x512xf32, #tpu.memory_space<hbm>>, %arg5: memref<65536xf32, #tpu.memory_space<vmem>>, %arg6: memref<2560xf32, #tpu.memory_space<vmem>>, %arg7: memref<56x16xi32, #tpu.memory_space<vmem>>, %arg8: memref<56x16xi32, #tpu.memory_space<vmem>>, %arg9: memref<2x392x16xf32, #tpu.memory_space<vmem>>, %arg10: memref<!tpu.dma_semaphore, #tpu.memory_space<semaphore_mem>>, %arg11: memref<!tpu.dma_semaphore, #tpu.memory_space<semaphore_mem>>) attributes {dimension_semantics = [#tpu.dimension_semantics<core_parallel>, #tpu.dimension_semantics<subcore_parallel>], iteration_bounds = array<i64: 2, 16>, scalar_prefetch = 0 : i64, scratch_operands = 7 : i64, tpu.core_type = #tpu.core_type<sc_vector_subcore>, window_params = [{transform_indices = #map}, {transform_indices = #map}, {transform_indices = #map1}]} {
    %mul3A = arith.constant 2 : i32
    %mul3A_0 = arith.muli %arg1, %mul3A : i32
    %add3A = arith.addi %mul3A_0, %arg0 : i32
    %mul3A_1 = arith.constant 8 : i32
    %mul3A_2 = arith.muli %add3A, %mul3A_1 : i32
    %add3A_3 = arith.constant 0 : i32
    %add3A_4 = arith.addi %add3A_3, %mul3A_2 : i32
    %mul3A_5 = arith.constant 4096 : i32
    %mul3A_6 = arith.muli %add3A_4, %mul3A_5 : i32
    %dma_start3A = arith.constant 0 : i32
    %dma_start3A_7 = tpu.memref_slice %arg5[%dma_start3A] : memref<65536xf32, #tpu.memory_space<vmem>> -> memref<32768xf32, #tpu.memory_space<vmem>>
    %dma_start3A_8 = tpu.memref_slice %arg2[%mul3A_6] : memref<2097152xf32, #tpu.memory_space<hbm>> -> memref<32768xf32, #tpu.memory_space<hbm>>
    %dma_start3A_9 = arith.constant 0 : i32
    %dma_start3A_10 = tpu.memref_slice %arg5[%dma_start3A_9] : memref<65536xf32, #tpu.memory_space<vmem>> -> memref<32768xf32, #tpu.memory_space<vmem>>
    %dma_start3A_11 = tpu.memref_slice %arg2[%mul3A_6] : memref<2097152xf32, #tpu.memory_space<hbm>> -> memref<32768xf32, #tpu.memory_space<hbm>>
    tpu.enqueue_dma source(%dma_start3A_11 : memref<32768xf32, #tpu.memory_space<hbm>>) target(%dma_start3A_10 : memref<32768xf32, #tpu.memory_space<vmem>>) target_semaphore(%arg10 : memref<!tpu.dma_semaphore, #tpu.memory_space<semaphore_mem>>)
    %mul3A_12 = arith.constant 8 : i32
    %mul3A_13 = arith.muli %add3A, %mul3A_12 : i32
    %add3A_14 = arith.constant 256 : i32
    %add3A_15 = arith.addi %add3A_14, %mul3A_13 : i32
    %mul3A_16 = arith.constant 4096 : i32
    %mul3A_17 = arith.muli %add3A_15, %mul3A_16 : i32
    %dma_start3A_18 = arith.constant 32768 : i32
    %dma_start3A_19 = tpu.memref_slice %arg5[%dma_start3A_18] : memref<65536xf32, #tpu.memory_space<vmem>> -> memref<32768xf32, #tpu.memory_space<vmem>>
    %dma_start3A_20 = tpu.memref_slice %arg2[%mul3A_17] : memref<2097152xf32, #tpu.memory_space<hbm>> -> memref<32768xf32, #tpu.memory_space<hbm>>
    %dma_start3A_21 = arith.constant 32768 : i32
    %dma_start3A_22 = tpu.memref_slice %arg5[%dma_start3A_21] : memref<65536xf32, #tpu.memory_space<vmem>> -> memref<32768xf32, #tpu.memory_space<vmem>>
    %dma_start3A_23 = tpu.memref_slice %arg2[%mul3A_17] : memref<2097152xf32, #tpu.memory_space<hbm>> -> memref<32768xf32, #tpu.memory_space<hbm>>
    tpu.enqueue_dma source(%dma_start3A_23 : memref<32768xf32, #tpu.memory_space<hbm>>) target(%dma_start3A_22 : memref<32768xf32, #tpu.memory_space<vmem>>) target_semaphore(%arg10 : memref<!tpu.dma_semaphore, #tpu.memory_space<semaphore_mem>>)
    tpu.enqueue_dma source(%arg3 : memref<2560xf32, #tpu.memory_space<hbm>>) target(%arg6 : memref<2560xf32, #tpu.memory_space<vmem>>) target_semaphore(%arg10 : memref<!tpu.dma_semaphore, #tpu.memory_space<semaphore_mem>>)
    %dma_wait3A = arith.constant 0 : i32
    %dma_wait3A_24 = tpu.memref_slice %arg5[%dma_wait3A] : memref<65536xf32, #tpu.memory_space<vmem>> -> memref<32768xf32, #tpu.memory_space<vmem>>
    %dma_wait3A_25 = tpu.memref_slice %arg2[%mul3A_6] : memref<2097152xf32, #tpu.memory_space<hbm>> -> memref<32768xf32, #tpu.memory_space<hbm>>
    %dma_wait3A_26 = arith.constant 0 : i32
    %dma_wait3A_27 = tpu.memref_slice %arg5[%dma_wait3A_26] : memref<65536xf32, #tpu.memory_space<vmem>> -> memref<32768xf32, #tpu.memory_space<vmem>>
    %dma_wait3A_28 = tpu.memref_slice %arg2[%mul3A_6] : memref<2097152xf32, #tpu.memory_space<hbm>> -> memref<32768xf32, #tpu.memory_space<hbm>>
    tpu.wait_dma2 semaphore(%arg10 : memref<!tpu.dma_semaphore, #tpu.memory_space<semaphore_mem>>) src(%dma_wait3A_28 : memref<32768xf32, #tpu.memory_space<hbm>>) dst(%dma_wait3A_27 : memref<32768xf32, #tpu.memory_space<vmem>>)
    %dma_wait3A_29 = arith.constant 32768 : i32
    %dma_wait3A_30 = tpu.memref_slice %arg5[%dma_wait3A_29] : memref<65536xf32, #tpu.memory_space<vmem>> -> memref<32768xf32, #tpu.memory_space<vmem>>
    %dma_wait3A_31 = tpu.memref_slice %arg2[%mul3A_17] : memref<2097152xf32, #tpu.memory_space<hbm>> -> memref<32768xf32, #tpu.memory_space<hbm>>
    %dma_wait3A_32 = arith.constant 32768 : i32
    %dma_wait3A_33 = tpu.memref_slice %arg5[%dma_wait3A_32] : memref<65536xf32, #tpu.memory_space<vmem>> -> memref<32768xf32, #tpu.memory_space<vmem>>
    %dma_wait3A_34 = tpu.memref_slice %arg2[%mul3A_17] : memref<2097152xf32, #tpu.memory_space<hbm>> -> memref<32768xf32, #tpu.memory_space<hbm>>
    tpu.wait_dma2 semaphore(%arg10 : memref<!tpu.dma_semaphore, #tpu.memory_space<semaphore_mem>>) src(%dma_wait3A_34 : memref<32768xf32, #tpu.memory_space<hbm>>) dst(%dma_wait3A_33 : memref<32768xf32, #tpu.memory_space<vmem>>)
    tpu.wait_dma2 semaphore(%arg10 : memref<!tpu.dma_semaphore, #tpu.memory_space<semaphore_mem>>) src(%arg3 : memref<2560xf32, #tpu.memory_space<hbm>>) dst(%arg6 : memref<2560xf32, #tpu.memory_space<vmem>>)
    %iota3A = tpu.iota {dimensions = array<i32: 0>} : vector<16xi32>
    %scan3A = arith.constant 0 : i32
    %scan3A_35 = arith.constant 0 : i32
    %scan3A_36 = arith.constant 32 : i32
    %scan3A_37 = arith.addi %scan3A_35, %scan3A_36 : i32
    %scan3A_38 = arith.constant 1 : i32
    %scan3A_39 = scf.for %scan3A_71 = %scan3A_35 to %scan3A_37 step %scan3A_38 iter_args(%scan3A_72 = %scan3A) -> (i32)  : i32 {
      %and3A = arith.constant 1 : i32
      %and3A_73 = arith.andi %scan3A_71, %and3A : i32
      %ge3A = arith.constant 2 : i32
      %ge3A_74 = arith.cmpi sge, %scan3A_71, %ge3A : i32
      %convert_element_type3A = arith.extui %ge3A_74 : i1 to i32
      %cond3A = arith.constant 0 : i32
      %cond3A_75 = arith.cmpi ne, %convert_element_type3A, %cond3A : i32
      scf.if %cond3A_75 {
        %mul3A_157 = arith.constant 392 : i32
        %mul3A_158 = arith.muli %add3A, %mul3A_157 : i32
        %sub3A_159 = arith.constant 2 : i32
        %sub3A_160 = arith.subi %scan3A_71, %sub3A_159 : i32
        %mul3A_161 = arith.constant 16 : i32
        %mul3A_162 = arith.muli %sub3A_160, %mul3A_161 : i32
        %dma_wait3A_163 = arith.constant 0 : i32
        %dma_wait3A_164 = arith.constant 0 : i32
        %dma_wait3A_165 = tpu.memref_slice %arg9[%and3A_73, %dma_wait3A_163, %dma_wait3A_164] : memref<2x392x16xf32, #tpu.memory_space<vmem>> -> memref<1x392x16xf32, #tpu.memory_space<vmem>>
        %dma_wait3A_166 = tpu.memref_squeeze %dma_wait3A_165 : memref<1x392x16xf32, #tpu.memory_space<vmem>> -> memref<392x16xf32, #tpu.memory_space<vmem>>
        %dma_wait3A_167 = tpu.memref_slice %arg4[%mul3A_158, %mul3A_162] : memref<12544x512xf32, #tpu.memory_space<hbm>> -> memref<392x16xf32, #tpu.memory_space<hbm>>
        %dma_wait3A_168 = tpu.memref_slice %arg4[%mul3A_158, %mul3A_162] : memref<12544x512xf32, #tpu.memory_space<hbm>> -> memref<392x16xf32, #tpu.memory_space<hbm>>
        %dma_wait3A_169 = arith.constant 0 : i32
        %dma_wait3A_170 = arith.constant 0 : i32
        %dma_wait3A_171 = tpu.memref_slice %arg9[%and3A_73, %dma_wait3A_169, %dma_wait3A_170] : memref<2x392x16xf32, #tpu.memory_space<vmem>> -> memref<1x392x16xf32, #tpu.memory_space<vmem>>
        %dma_wait3A_172 = tpu.memref_squeeze %dma_wait3A_171 : memref<1x392x16xf32, #tpu.memory_space<vmem>> -> memref<392x16xf32, #tpu.memory_space<vmem>>
        tpu.wait_dma2 semaphore(%arg11 : memref<!tpu.dma_semaphore, #tpu.memory_space<semaphore_mem>>) src(%dma_wait3A_172 : memref<392x16xf32, #tpu.memory_space<vmem>>) dst(%dma_wait3A_168 : memref<392x16xf32, #tpu.memory_space<hbm>>)
      } else {
      }
      %mul3A_76 = arith.constant 80 : i32
      %mul3A_77 = arith.muli %scan3A_71, %mul3A_76 : i32
      %mul3A_78 = arith.constant 5 : i32
      %mul3A_79 = vector.broadcast %mul3A_78 : i32 to vector<16xi32>
      %mul3A_80 = arith.muli %iota3A, %mul3A_79 : vector<16xi32>
      %add3A_81 = vector.broadcast %mul3A_77 : i32 to vector<16xi32>
      %add3A_82 = arith.addi %add3A_81, %mul3A_80 : vector<16xi32>
      %gather3A = tpu.vector_load_idx %arg6[%add3A_82] : memref<2560xf32, #tpu.memory_space<vmem>>[vector<16xi32>], vector<16xf32>,
      %convert_element_type3A_83 = arith.fptosi %gather3A : vector<16xf32> to vector<16xi32>
      %add3A_84 = arith.constant 1 : i32
      %add3A_85 = vector.broadcast %add3A_84 : i32 to vector<16xi32>
      %add3A_86 = arith.addi %add3A_82, %add3A_85 : vector<16xi32>
      %gather3A_87 = tpu.vector_load_idx %arg6[%add3A_86] : memref<2560xf32, #tpu.memory_space<vmem>>[vector<16xi32>], vector<16xf32>,
      %mul3A_88 = arith.constant 6.250000e-02 : f32
      %mul3A_89 = vector.broadcast %mul3A_88 : f32 to vector<16xf32>
      %mul3A_90 = arith.mulf %gather3A_87, %mul3A_89 : vector<16xf32>
      %sub3A = arith.constant 5.000000e-01 : f32
      %sub3A_91 = vector.broadcast %sub3A : f32 to vector<16xf32>
      %sub3A_92 = arith.subf %mul3A_90, %sub3A_91 : vector<16xf32>
      %add3A_93 = arith.constant 2 : i32
      %add3A_94 = vector.broadcast %add3A_93 : i32 to vector<16xi32>
      %add3A_95 = arith.addi %add3A_82, %add3A_94 : vector<16xi32>
      %gather3A_96 = tpu.vector_load_idx %arg6[%add3A_95] : memref<2560xf32, #tpu.memory_space<vmem>>[vector<16xi32>], vector<16xf32>,
      %mul3A_97 = arith.constant 6.250000e-02 : f32
      %mul3A_98 = vector.broadcast %mul3A_97 : f32 to vector<16xf32>
      %mul3A_99 = arith.mulf %gather3A_96, %mul3A_98 : vector<16xf32>
      %sub3A_100 = arith.constant 5.000000e-01 : f32
      %sub3A_101 = vector.broadcast %sub3A_100 : f32 to vector<16xf32>
      %sub3A_102 = arith.subf %mul3A_99, %sub3A_101 : vector<16xf32>
      %add3A_103 = arith.constant 3 : i32
      %add3A_104 = vector.broadcast %add3A_103 : i32 to vector<16xi32>
      %add3A_105 = arith.addi %add3A_82, %add3A_104 : vector<16xi32>
      %gather3A_106 = tpu.vector_load_idx %arg6[%add3A_105] : memref<2560xf32, #tpu.memory_space<vmem>>[vector<16xi32>], vector<16xf32>,
      %mul3A_107 = arith.constant 6.250000e-02 : f32
      %mul3A_108 = vector.broadcast %mul3A_107 : f32 to vector<16xf32>
      %mul3A_109 = arith.mulf %gather3A_106, %mul3A_108 : vector<16xf32>
      %sub3A_110 = arith.constant 5.000000e-01 : f32
      %sub3A_111 = vector.broadcast %sub3A_110 : f32 to vector<16xf32>
      %sub3A_112 = arith.subf %mul3A_109, %sub3A_111 : vector<16xf32>
      %add3A_113 = arith.constant 4 : i32
      %add3A_114 = vector.broadcast %add3A_113 : i32 to vector<16xi32>
      %add3A_115 = arith.addi %add3A_82, %add3A_114 : vector<16xi32>
      %gather3A_116 = tpu.vector_load_idx %arg6[%add3A_115] : memref<2560xf32, #tpu.memory_space<vmem>>[vector<16xi32>], vector<16xf32>,
      %mul3A_117 = arith.constant 6.250000e-02 : f32
      %mul3A_118 = vector.broadcast %mul3A_117 : f32 to vector<16xf32>
      %mul3A_119 = arith.mulf %gather3A_116, %mul3A_118 : vector<16xf32>
      %sub3A_120 = arith.constant 5.000000e-01 : f32
      %sub3A_121 = vector.broadcast %sub3A_120 : f32 to vector<16xf32>
      %sub3A_122 = arith.subf %mul3A_119, %sub3A_121 : vector<16xf32>
      %sub3A_123 = arith.subf %sub3A_112, %sub3A_92 : vector<16xf32>
      %mul3A_124 = arith.constant 0.142857149 : f32
      %mul3A_125 = vector.broadcast %mul3A_124 : f32 to vector<16xf32>
      %mul3A_126 = arith.mulf %sub3A_123, %mul3A_125 : vector<16xf32>
      %sub3A_127 = arith.subf %sub3A_122, %sub3A_102 : vector<16xf32>
      %mul3A_128 = arith.constant 0.142857149 : f32
      %mul3A_129 = vector.broadcast %mul3A_128 : f32 to vector<16xf32>
      %mul3A_130 = arith.mulf %sub3A_127, %mul3A_129 : vector<16xf32>
      %mul3A_131 = arith.constant 32768 : i32
      %mul3A_132 = vector.broadcast %mul3A_131 : i32 to vector<16xi32>
      %mul3A_133 = arith.muli %convert_element_type3A_83, %mul3A_132 : vector<16xi32>
      %parallel_loop3A = arith.constant 0 : i32
      %parallel_loop3A_134 = arith.constant 14 : i32
      %parallel_loop3A_135 = arith.constant 1 : i32
      scf.for %parallel_loop3A_157 = %parallel_loop3A to %parallel_loop3A_134 step %parallel_loop3A_135  : i32 {
        %parallel_loop3A_158 = vector.broadcast %parallel_loop3A_157 : i32 to vector<16xi32>
        %parallel_loop3A_159 = arith.constant 2 : i32
        %parallel_loop3A_160 = vector.broadcast %parallel_loop3A_159 : i32 to vector<16xi32>
        %parallel_loop3A_161 = arith.divsi %parallel_loop3A_158, %parallel_loop3A_160 : vector<16xi32>
        %parallel_loop3A_162 = arith.constant 0 : i32
        %parallel_loop3A_163 = vector.broadcast %parallel_loop3A_162 : i32 to vector<16xi32>
        %parallel_loop3A_164 = arith.cmpi sgt, %parallel_loop3A_158, %parallel_loop3A_163 : vector<16xi32>
        %parallel_loop3A_165 = arith.extui %parallel_loop3A_164 : vector<16xi1> to vector<16xi32>
        %parallel_loop3A_166 = arith.constant 0 : i32
        %parallel_loop3A_167 = vector.broadcast %parallel_loop3A_166 : i32 to vector<16xi32>
        %parallel_loop3A_168 = arith.cmpi slt, %parallel_loop3A_158, %parallel_loop3A_167 : vector<16xi32>
        %parallel_loop3A_169 = arith.extui %parallel_loop3A_168 : vector<16xi1> to vector<16xi32>
        %parallel_loop3A_170 = arith.subi %parallel_loop3A_165, %parallel_loop3A_169 : vector<16xi32>
        %parallel_loop3A_171 = arith.constant 0 : i32
        %parallel_loop3A_172 = arith.cmpi sgt, %parallel_loop3A_159, %parallel_loop3A_171 : i32
        %parallel_loop3A_173 = arith.extui %parallel_loop3A_172 : i1 to i32
        %parallel_loop3A_174 = arith.constant 0 : i32
        %parallel_loop3A_175 = arith.cmpi slt, %parallel_loop3A_159, %parallel_loop3A_174 : i32
        %parallel_loop3A_176 = arith.extui %parallel_loop3A_175 : i1 to i32
        %parallel_loop3A_177 = arith.subi %parallel_loop3A_173, %parallel_loop3A_176 : i32
        %parallel_loop3A_178 = vector.broadcast %parallel_loop3A_177 : i32 to vector<16xi32>
        %parallel_loop3A_179 = arith.cmpi ne, %parallel_loop3A_170, %parallel_loop3A_178 : vector<16xi32>
        %parallel_loop3A_180 = vector.broadcast %parallel_loop3A_159 : i32 to vector<16xi32>
        %parallel_loop3A_181 = arith.remsi %parallel_loop3A_158, %parallel_loop3A_180 : vector<16xi32>
        %parallel_loop3A_182 = arith.constant 0 : i32
        %parallel_loop3A_183 = vector.broadcast %parallel_loop3A_182 : i32 to vector<16xi32>
        %parallel_loop3A_184 = arith.cmpi ne, %parallel_loop3A_181, %parallel_loop3A_183 : vector<16xi32>
        %parallel_loop3A_185 = arith.andi %parallel_loop3A_179, %parallel_loop3A_184 : vector<16xi1>
        %parallel_loop3A_186 = arith.constant 1 : i32
        %parallel_loop3A_187 = vector.broadcast %parallel_loop3A_186 : i32 to vector<16xi32>
        %parallel_loop3A_188 = arith.subi %parallel_loop3A_161, %parallel_loop3A_187 : vector<16xi32>
        %parallel_loop3A_189 = arith.select %parallel_loop3A_185, %parallel_loop3A_188, %parallel_loop3A_161 : vector<16xi1>, vector<16xi32>
        %parallel_loop3A_190 = arith.constant 2 : i32
        %parallel_loop3A_191 = vector.broadcast %parallel_loop3A_190 : i32 to vector<16xi32>
        %parallel_loop3A_192 = arith.muli %parallel_loop3A_191, %parallel_loop3A_189 : vector<16xi32>
        %parallel_loop3A_193 = arith.subi %parallel_loop3A_158, %parallel_loop3A_192 : vector<16xi32>
        %parallel_loop3A_194 = arith.sitofp %parallel_loop3A_189 : vector<16xi32> to vector<16xf32>
        %parallel_loop3A_195 = arith.sitofp %parallel_loop3A_193 : vector<16xi32> to vector<16xf32>
        %parallel_loop3A_196 = arith.constant 5.000000e-01 : f32
        %parallel_loop3A_197 = vector.broadcast %parallel_loop3A_196 : f32 to vector<16xf32>
        %parallel_loop3A_198 = arith.mulf %parallel_loop3A_195, %parallel_loop3A_197 : vector<16xf32>
        %parallel_loop3A_199 = arith.addf %parallel_loop3A_194, %parallel_loop3A_198 : vector<16xf32>
        %parallel_loop3A_200 = arith.constant 2.500000e-01 : f32
        %parallel_loop3A_201 = vector.broadcast %parallel_loop3A_200 : f32 to vector<16xf32>
        %parallel_loop3A_202 = arith.addf %parallel_loop3A_199, %parallel_loop3A_201 : vector<16xf32>
        %parallel_loop3A_203 = arith.mulf %parallel_loop3A_202, %mul3A_126 : vector<16xf32>
        %parallel_loop3A_204 = arith.addf %sub3A_92, %parallel_loop3A_203 : vector<16xf32>
        %parallel_loop3A_205 = arith.constant -1.000000e+00 : f32
        %parallel_loop3A_206 = vector.broadcast %parallel_loop3A_205 : f32 to vector<16xf32>
        %parallel_loop3A_207 = arith.cmpf ogt, %parallel_loop3A_204, %parallel_loop3A_206 : vector<16xf32>
        %parallel_loop3A_208 = arith.constant 6.400000e+01 : f32
        %parallel_loop3A_209 = vector.broadcast %parallel_loop3A_208 : f32 to vector<16xf32>
        %parallel_loop3A_210 = arith.cmpf olt, %parallel_loop3A_204, %parallel_loop3A_209 : vector<16xf32>
        %parallel_loop3A_211 = arith.andi %parallel_loop3A_207, %parallel_loop3A_210 : vector<16xi1>
        %parallel_loop3A_212 = arith.constant 0.000000e+00 : f32
        %parallel_loop3A_213 = arith.constant 6.300000e+01 : f32
        %parallel_loop3A_214 = vector.broadcast %parallel_loop3A_212 : f32 to vector<16xf32>
        %parallel_loop3A_215 = arith.maximumf %parallel_loop3A_214, %parallel_loop3A_204 : vector<16xf32>
        %parallel_loop3A_216 = vector.broadcast %parallel_loop3A_213 : f32 to vector<16xf32>
        %parallel_loop3A_217 = arith.minimumf %parallel_loop3A_216, %parallel_loop3A_215 : vector<16xf32>
        %parallel_loop3A_218 = arith.fptosi %parallel_loop3A_217 : vector<16xf32> to vector<16xi32>
        %parallel_loop3A_219 = arith.sitofp %parallel_loop3A_218 : vector<16xi32> to vector<16xf32>
        %parallel_loop3A_220 = arith.subf %parallel_loop3A_217, %parallel_loop3A_219 : vector<16xf32>
        %parallel_loop3A_221 = arith.constant 1.000000e+00 : f32
        %parallel_loop3A_222 = vector.broadcast %parallel_loop3A_221 : f32 to vector<16xf32>
        %parallel_loop3A_223 = arith.subf %parallel_loop3A_222, %parallel_loop3A_220 : vector<16xf32>
        %parallel_loop3A_224 = arith.constant 0.000000e+00 : f32
        %parallel_loop3A_225 = vector.broadcast %parallel_loop3A_224 : f32 to vector<16xf32>
        %parallel_loop3A_226 = arith.select %parallel_loop3A_211, %parallel_loop3A_220, %parallel_loop3A_225 : vector<16xi1>, vector<16xf32>
        %parallel_loop3A_227 = arith.constant 0.000000e+00 : f32
        %parallel_loop3A_228 = vector.broadcast %parallel_loop3A_227 : f32 to vector<16xf32>
        %parallel_loop3A_229 = arith.select %parallel_loop3A_211, %parallel_loop3A_223, %parallel_loop3A_228 : vector<16xi1>, vector<16xf32>
        %parallel_loop3A_230 = arith.constant 1 : i32
        %parallel_loop3A_231 = vector.broadcast %parallel_loop3A_230 : i32 to vector<16xi32>
        %parallel_loop3A_232 = arith.addi %parallel_loop3A_218, %parallel_loop3A_231 : vector<16xi32>
        %parallel_loop3A_233 = arith.constant 63 : i32
        %parallel_loop3A_234 = vector.broadcast %parallel_loop3A_233 : i32 to vector<16xi32>
        %parallel_loop3A_235 = arith.minsi %parallel_loop3A_232, %parallel_loop3A_234 : vector<16xi32>
        %parallel_loop3A_236 = arith.constant 4 : i32
        %parallel_loop3A_237 = arith.muli %parallel_loop3A_157, %parallel_loop3A_236 : i32
        %parallel_loop3A_238 = arith.constant 0 : i32
        %parallel_loop3A_239 = arith.addi %parallel_loop3A_237, %parallel_loop3A_238 : i32
        %parallel_loop3A_240 = arith.index_cast %parallel_loop3A_239 : i32 to index
        %parallel_loop3A_241 = arith.constant 0 : index
        %parallel_loop3A_242 = tpu.vector_load %arg7[%parallel_loop3A_240, %parallel_loop3A_241] {strides = array<i32>} : memref<56x16xi32, #tpu.memory_space<vmem>>, vector<16xi32>,
        tpu.vector_store %arg7[%parallel_loop3A_240, %parallel_loop3A_241], %parallel_loop3A_218 {strides = array<i32>} : memref<56x16xi32, #tpu.memory_space<vmem>>, vector<16xi32>,
        %parallel_loop3A_243 = arith.constant 4 : i32
        %parallel_loop3A_244 = arith.muli %parallel_loop3A_157, %parallel_loop3A_243 : i32
        %parallel_loop3A_245 = arith.constant 1 : i32
        %parallel_loop3A_246 = arith.addi %parallel_loop3A_244, %parallel_loop3A_245 : i32
        %parallel_loop3A_247 = arith.index_cast %parallel_loop3A_246 : i32 to index
        %parallel_loop3A_248 = arith.constant 0 : index
        %parallel_loop3A_249 = tpu.vector_load %arg7[%parallel_loop3A_247, %parallel_loop3A_248] {strides = array<i32>} : memref<56x16xi32, #tpu.memory_space<vmem>>, vector<16xi32>,
        tpu.vector_store %arg7[%parallel_loop3A_247, %parallel_loop3A_248], %parallel_loop3A_235 {strides = array<i32>} : memref<56x16xi32, #tpu.memory_space<vmem>>, vector<16xi32>,
        %parallel_loop3A_250 = tpu.bitcast %parallel_loop3A_229 : vector<16xf32> -> vector<16xi32>
        %parallel_loop3A_251 = arith.constant 4 : i32
        %parallel_loop3A_252 = arith.muli %parallel_loop3A_157, %parallel_loop3A_251 : i32
        %parallel_loop3A_253 = arith.constant 2 : i32
        %parallel_loop3A_254 = arith.addi %parallel_loop3A_252, %parallel_loop3A_253 : i32
        %parallel_loop3A_255 = arith.index_cast %parallel_loop3A_254 : i32 to index
        %parallel_loop3A_256 = arith.constant 0 : index
        %parallel_loop3A_257 = tpu.vector_load %arg7[%parallel_loop3A_255, %parallel_loop3A_256] {strides = array<i32>} : memref<56x16xi32, #tpu.memory_space<vmem>>, vector<16xi32>,
        tpu.vector_store %arg7[%parallel_loop3A_255, %parallel_loop3A_256], %parallel_loop3A_250 {strides = array<i32>} : memref<56x16xi32, #tpu.memory_space<vmem>>, vector<16xi32>,
        %parallel_loop3A_258 = tpu.bitcast %parallel_loop3A_226 : vector<16xf32> -> vector<16xi32>
        %parallel_loop3A_259 = arith.constant 4 : i32
        %parallel_loop3A_260 = arith.muli %parallel_loop3A_157, %parallel_loop3A_259 : i32
        %parallel_loop3A_261 = arith.constant 3 : i32
        %parallel_loop3A_262 = arith.addi %parallel_loop3A_260, %parallel_loop3A_261 : i32
        %parallel_loop3A_263 = arith.index_cast %parallel_loop3A_262 : i32 to index
        %parallel_loop3A_264 = arith.constant 0 : index
        %parallel_loop3A_265 = tpu.vector_load %arg7[%parallel_loop3A_263, %parallel_loop3A_264] {strides = array<i32>} : memref<56x16xi32, #tpu.memory_space<vmem>>, vector<16xi32>,
        tpu.vector_store %arg7[%parallel_loop3A_263, %parallel_loop3A_264], %parallel_loop3A_258 {strides = array<i32>} : memref<56x16xi32, #tpu.memory_space<vmem>>, vector<16xi32>,
      } {sc.loop_unroll_factor = 2 : i64, sc.parallel_access}
      %parallel_loop3A_136 = arith.constant 0 : i32
      %parallel_loop3A_137 = arith.constant 14 : i32
      %parallel_loop3A_138 = arith.constant 1 : i32
      scf.for %parallel_loop3A_157 = %parallel_loop3A_136 to %parallel_loop3A_137 step %parallel_loop3A_138  : i32 {
        %parallel_loop3A_158 = vector.broadcast %parallel_loop3A_157 : i32 to vector<16xi32>
        %parallel_loop3A_159 = arith.constant 2 : i32
        %parallel_loop3A_160 = vector.broadcast %parallel_loop3A_159 : i32 to vector<16xi32>
        %parallel_loop3A_161 = arith.divsi %parallel_loop3A_158, %parallel_loop3A_160 : vector<16xi32>
        %parallel_loop3A_162 = arith.constant 0 : i32
        %parallel_loop3A_163 = vector.broadcast %parallel_loop3A_162 : i32 to vector<16xi32>
        %parallel_loop3A_164 = arith.cmpi sgt, %parallel_loop3A_158, %parallel_loop3A_163 : vector<16xi32>
        %parallel_loop3A_165 = arith.extui %parallel_loop3A_164 : vector<16xi1> to vector<16xi32>
        %parallel_loop3A_166 = arith.constant 0 : i32
        %parallel_loop3A_167 = vector.broadcast %parallel_loop3A_166 : i32 to vector<16xi32>
        %parallel_loop3A_168 = arith.cmpi slt, %parallel_loop3A_158, %parallel_loop3A_167 : vector<16xi32>
        %parallel_loop3A_169 = arith.extui %parallel_loop3A_168 : vector<16xi1> to vector<16xi32>
        %parallel_loop3A_170 = arith.subi %parallel_loop3A_165, %parallel_loop3A_169 : vector<16xi32>
        %parallel_loop3A_171 = arith.constant 0 : i32
        %parallel_loop3A_172 = arith.cmpi sgt, %parallel_loop3A_159, %parallel_loop3A_171 : i32
        %parallel_loop3A_173 = arith.extui %parallel_loop3A_172 : i1 to i32
        %parallel_loop3A_174 = arith.constant 0 : i32
        %parallel_loop3A_175 = arith.cmpi slt, %parallel_loop3A_159, %parallel_loop3A_174 : i32
        %parallel_loop3A_176 = arith.extui %parallel_loop3A_175 : i1 to i32
        %parallel_loop3A_177 = arith.subi %parallel_loop3A_173, %parallel_loop3A_176 : i32
        %parallel_loop3A_178 = vector.broadcast %parallel_loop3A_177 : i32 to vector<16xi32>
        %parallel_loop3A_179 = arith.cmpi ne, %parallel_loop3A_170, %parallel_loop3A_178 : vector<16xi32>
        %parallel_loop3A_180 = vector.broadcast %parallel_loop3A_159 : i32 to vector<16xi32>
        %parallel_loop3A_181 = arith.remsi %parallel_loop3A_158, %parallel_loop3A_180 : vector<16xi32>
        %parallel_loop3A_182 = arith.constant 0 : i32
        %parallel_loop3A_183 = vector.broadcast %parallel_loop3A_182 : i32 to vector<16xi32>
        %parallel_loop3A_184 = arith.cmpi ne, %parallel_loop3A_181, %parallel_loop3A_183 : vector<16xi32>
        %parallel_loop3A_185 = arith.andi %parallel_loop3A_179, %parallel_loop3A_184 : vector<16xi1>
        %parallel_loop3A_186 = arith.constant 1 : i32
        %parallel_loop3A_187 = vector.broadcast %parallel_loop3A_186 : i32 to vector<16xi32>
        %parallel_loop3A_188 = arith.subi %parallel_loop3A_161, %parallel_loop3A_187 : vector<16xi32>
        %parallel_loop3A_189 = arith.select %parallel_loop3A_185, %parallel_loop3A_188, %parallel_loop3A_161 : vector<16xi1>, vector<16xi32>
        %parallel_loop3A_190 = arith.constant 2 : i32
        %parallel_loop3A_191 = vector.broadcast %parallel_loop3A_190 : i32 to vector<16xi32>
        %parallel_loop3A_192 = arith.muli %parallel_loop3A_191, %parallel_loop3A_189 : vector<16xi32>
        %parallel_loop3A_193 = arith.subi %parallel_loop3A_158, %parallel_loop3A_192 : vector<16xi32>
        %parallel_loop3A_194 = arith.sitofp %parallel_loop3A_189 : vector<16xi32> to vector<16xf32>
        %parallel_loop3A_195 = arith.sitofp %parallel_loop3A_193 : vector<16xi32> to vector<16xf32>
        %parallel_loop3A_196 = arith.constant 5.000000e-01 : f32
        %parallel_loop3A_197 = vector.broadcast %parallel_loop3A_196 : f32 to vector<16xf32>
        %parallel_loop3A_198 = arith.mulf %parallel_loop3A_195, %parallel_loop3A_197 : vector<16xf32>
        %parallel_loop3A_199 = arith.addf %parallel_loop3A_194, %parallel_loop3A_198 : vector<16xf32>
        %parallel_loop3A_200 = arith.constant 2.500000e-01 : f32
        %parallel_loop3A_201 = vector.broadcast %parallel_loop3A_200 : f32 to vector<16xf32>
        %parallel_loop3A_202 = arith.addf %parallel_loop3A_199, %parallel_loop3A_201 : vector<16xf32>
        %parallel_loop3A_203 = arith.mulf %parallel_loop3A_202, %mul3A_130 : vector<16xf32>
        %parallel_loop3A_204 = arith.addf %sub3A_102, %parallel_loop3A_203 : vector<16xf32>
        %parallel_loop3A_205 = arith.constant -1.000000e+00 : f32
        %parallel_loop3A_206 = vector.broadcast %parallel_loop3A_205 : f32 to vector<16xf32>
        %parallel_loop3A_207 = arith.cmpf ogt, %parallel_loop3A_204, %parallel_loop3A_206 : vector<16xf32>
        %parallel_loop3A_208 = arith.constant 6.400000e+01 : f32
        %parallel_loop3A_209 = vector.broadcast %parallel_loop3A_208 : f32 to vector<16xf32>
        %parallel_loop3A_210 = arith.cmpf olt, %parallel_loop3A_204, %parallel_loop3A_209 : vector<16xf32>
        %parallel_loop3A_211 = arith.andi %parallel_loop3A_207, %parallel_loop3A_210 : vector<16xi1>
        %parallel_loop3A_212 = arith.constant 0.000000e+00 : f32
        %parallel_loop3A_213 = arith.constant 6.300000e+01 : f32
        %parallel_loop3A_214 = vector.broadcast %parallel_loop3A_212 : f32 to vector<16xf32>
        %parallel_loop3A_215 = arith.maximumf %parallel_loop3A_214, %parallel_loop3A_204 : vector<16xf32>
        %parallel_loop3A_216 = vector.broadcast %parallel_loop3A_213 : f32 to vector<16xf32>
        %parallel_loop3A_217 = arith.minimumf %parallel_loop3A_216, %parallel_loop3A_215 : vector<16xf32>
        %parallel_loop3A_218 = arith.fptosi %parallel_loop3A_217 : vector<16xf32> to vector<16xi32>
        %parallel_loop3A_219 = arith.sitofp %parallel_loop3A_218 : vector<16xi32> to vector<16xf32>
        %parallel_loop3A_220 = arith.subf %parallel_loop3A_217, %parallel_loop3A_219 : vector<16xf32>
        %parallel_loop3A_221 = arith.constant 1.000000e+00 : f32
        %parallel_loop3A_222 = vector.broadcast %parallel_loop3A_221 : f32 to vector<16xf32>
        %parallel_loop3A_223 = arith.subf %parallel_loop3A_222, %parallel_loop3A_220 : vector<16xf32>
        %parallel_loop3A_224 = arith.constant 0.000000e+00 : f32
        %parallel_loop3A_225 = vector.broadcast %parallel_loop3A_224 : f32 to vector<16xf32>
        %parallel_loop3A_226 = arith.select %parallel_loop3A_211, %parallel_loop3A_220, %parallel_loop3A_225 : vector<16xi1>, vector<16xf32>
        %parallel_loop3A_227 = arith.constant 0.000000e+00 : f32
        %parallel_loop3A_228 = vector.broadcast %parallel_loop3A_227 : f32 to vector<16xf32>
        %parallel_loop3A_229 = arith.select %parallel_loop3A_211, %parallel_loop3A_223, %parallel_loop3A_228 : vector<16xi1>, vector<16xf32>
        %parallel_loop3A_230 = arith.constant 1 : i32
        %parallel_loop3A_231 = vector.broadcast %parallel_loop3A_230 : i32 to vector<16xi32>
        %parallel_loop3A_232 = arith.addi %parallel_loop3A_218, %parallel_loop3A_231 : vector<16xi32>
        %parallel_loop3A_233 = arith.constant 63 : i32
        %parallel_loop3A_234 = vector.broadcast %parallel_loop3A_233 : i32 to vector<16xi32>
        %parallel_loop3A_235 = arith.minsi %parallel_loop3A_232, %parallel_loop3A_234 : vector<16xi32>
        %parallel_loop3A_236 = arith.constant 64 : i32
        %parallel_loop3A_237 = vector.broadcast %parallel_loop3A_236 : i32 to vector<16xi32>
        %parallel_loop3A_238 = arith.muli %parallel_loop3A_218, %parallel_loop3A_237 : vector<16xi32>
        %parallel_loop3A_239 = arith.addi %mul3A_133, %parallel_loop3A_238 : vector<16xi32>
        %parallel_loop3A_240 = arith.constant 4 : i32
        %parallel_loop3A_241 = arith.muli %parallel_loop3A_157, %parallel_loop3A_240 : i32
        %parallel_loop3A_242 = arith.constant 0 : i32
        %parallel_loop3A_243 = arith.addi %parallel_loop3A_241, %parallel_loop3A_242 : i32
        %parallel_loop3A_244 = arith.index_cast %parallel_loop3A_243 : i32 to index
        %parallel_loop3A_245 = arith.constant 0 : index
        %parallel_loop3A_246 = tpu.vector_load %arg8[%parallel_loop3A_244, %parallel_loop3A_245] {strides = array<i32>} : memref<56x16xi32, #tpu.memory_space<vmem>>, vector<16xi32>,
        tpu.vector_store %arg8[%parallel_loop3A_244, %parallel_loop3A_245], %parallel_loop3A_239 {strides = array<i32>} : memref<56x16xi32, #tpu.memory_space<vmem>>, vector<16xi32>,
        %parallel_loop3A_247 = arith.constant 64 : i32
        %parallel_loop3A_248 = vector.broadcast %parallel_loop3A_247 : i32 to vector<16xi32>
        %parallel_loop3A_249 = arith.muli %parallel_loop3A_235, %parallel_loop3A_248 : vector<16xi32>
        %parallel_loop3A_250 = arith.addi %mul3A_133, %parallel_loop3A_249 : vector<16xi32>
        %parallel_loop3A_251 = arith.constant 4 : i32
        %parallel_loop3A_252 = arith.muli %parallel_loop3A_157, %parallel_loop3A_251 : i32
        %parallel_loop3A_253 = arith.constant 1 : i32
        %parallel_loop3A_254 = arith.addi %parallel_loop3A_252, %parallel_loop3A_253 : i32
        %parallel_loop3A_255 = arith.index_cast %parallel_loop3A_254 : i32 to index
        %parallel_loop3A_256 = arith.constant 0 : index
        %parallel_loop3A_257 = tpu.vector_load %arg8[%parallel_loop3A_255, %parallel_loop3A_256] {strides = array<i32>} : memref<56x16xi32, #tpu.memory_space<vmem>>, vector<16xi32>,
        tpu.vector_store %arg8[%parallel_loop3A_255, %parallel_loop3A_256], %parallel_loop3A_250 {strides = array<i32>} : memref<56x16xi32, #tpu.memory_space<vmem>>, vector<16xi32>,
        %parallel_loop3A_258 = arith.constant 2.500000e-01 : f32
        %parallel_loop3A_259 = vector.broadcast %parallel_loop3A_258 : f32 to vector<16xf32>
        %parallel_loop3A_260 = arith.mulf %parallel_loop3A_229, %parallel_loop3A_259 : vector<16xf32>
        %parallel_loop3A_261 = tpu.bitcast %parallel_loop3A_260 : vector<16xf32> -> vector<16xi32>
        %parallel_loop3A_262 = arith.constant 4 : i32
        %parallel_loop3A_263 = arith.muli %parallel_loop3A_157, %parallel_loop3A_262 : i32
        %parallel_loop3A_264 = arith.constant 2 : i32
        %parallel_loop3A_265 = arith.addi %parallel_loop3A_263, %parallel_loop3A_264 : i32
        %parallel_loop3A_266 = arith.index_cast %parallel_loop3A_265 : i32 to index
        %parallel_loop3A_267 = arith.constant 0 : index
        %parallel_loop3A_268 = tpu.vector_load %arg8[%parallel_loop3A_266, %parallel_loop3A_267] {strides = array<i32>} : memref<56x16xi32, #tpu.memory_space<vmem>>, vector<16xi32>,
        tpu.vector_store %arg8[%parallel_loop3A_266, %parallel_loop3A_267], %parallel_loop3A_261 {strides = array<i32>} : memref<56x16xi32, #tpu.memory_space<vmem>>, vector<16xi32>,
        %parallel_loop3A_269 = arith.constant 2.500000e-01 : f32
        %parallel_loop3A_270 = vector.broadcast %parallel_loop3A_269 : f32 to vector<16xf32>
        %parallel_loop3A_271 = arith.mulf %parallel_loop3A_226, %parallel_loop3A_270 : vector<16xf32>
        %parallel_loop3A_272 = tpu.bitcast %parallel_loop3A_271 : vector<16xf32> -> vector<16xi32>
        %parallel_loop3A_273 = arith.constant 4 : i32
        %parallel_loop3A_274 = arith.muli %parallel_loop3A_157, %parallel_loop3A_273 : i32
        %parallel_loop3A_275 = arith.constant 3 : i32
        %parallel_loop3A_276 = arith.addi %parallel_loop3A_274, %parallel_loop3A_275 : i32
        %parallel_loop3A_277 = arith.index_cast %parallel_loop3A_276 : i32 to index
        %parallel_loop3A_278 = arith.constant 0 : index
        %parallel_loop3A_279 = tpu.vector_load %arg8[%parallel_loop3A_277, %parallel_loop3A_278] {strides = array<i32>} : memref<56x16xi32, #tpu.memory_space<vmem>>, vector<16xi32>,
        tpu.vector_store %arg8[%parallel_loop3A_277, %parallel_loop3A_278], %parallel_loop3A_272 {strides = array<i32>} : memref<56x16xi32, #tpu.memory_space<vmem>>, vector<16xi32>,
      } {sc.loop_unroll_factor = 2 : i64, sc.parallel_access}
      %parallel_loop3A_139 = arith.constant 0 : i32
      %parallel_loop3A_140 = arith.constant 49 : i32
      %parallel_loop3A_141 = arith.constant 1 : i32
      scf.for %parallel_loop3A_157 = %parallel_loop3A_139 to %parallel_loop3A_140 step %parallel_loop3A_141  : i32 {
        %parallel_loop3A_158 = arith.constant 7 : i32
        %parallel_loop3A_159 = arith.divsi %parallel_loop3A_157, %parallel_loop3A_158 : i32
        %parallel_loop3A_160 = arith.constant 0 : i32
        %parallel_loop3A_161 = arith.cmpi sgt, %parallel_loop3A_157, %parallel_loop3A_160 : i32
        %parallel_loop3A_162 = arith.extui %parallel_loop3A_161 : i1 to i32
        %parallel_loop3A_163 = arith.constant 0 : i32
        %parallel_loop3A_164 = arith.cmpi slt, %parallel_loop3A_157, %parallel_loop3A_163 : i32
        %parallel_loop3A_165 = arith.extui %parallel_loop3A_164 : i1 to i32
        %parallel_loop3A_166 = arith.subi %parallel_loop3A_162, %parallel_loop3A_165 : i32
        %parallel_loop3A_167 = arith.constant 0 : i32
        %parallel_loop3A_168 = arith.cmpi sgt, %parallel_loop3A_158, %parallel_loop3A_167 : i32
        %parallel_loop3A_169 = arith.extui %parallel_loop3A_168 : i1 to i32
        %parallel_loop3A_170 = arith.constant 0 : i32
        %parallel_loop3A_171 = arith.cmpi slt, %parallel_loop3A_158, %parallel_loop3A_170 : i32
        %parallel_loop3A_172 = arith.extui %parallel_loop3A_171 : i1 to i32
        %parallel_loop3A_173 = arith.subi %parallel_loop3A_169, %parallel_loop3A_172 : i32
        %parallel_loop3A_174 = arith.cmpi ne, %parallel_loop3A_166, %parallel_loop3A_173 : i32
        %parallel_loop3A_175 = arith.remsi %parallel_loop3A_157, %parallel_loop3A_158 : i32
        %parallel_loop3A_176 = arith.constant 0 : i32
        %parallel_loop3A_177 = arith.cmpi ne, %parallel_loop3A_175, %parallel_loop3A_176 : i32
        %parallel_loop3A_178 = arith.andi %parallel_loop3A_174, %parallel_loop3A_177 : i1
        %parallel_loop3A_179 = arith.constant 1 : i32
        %parallel_loop3A_180 = arith.subi %parallel_loop3A_159, %parallel_loop3A_179 : i32
        %parallel_loop3A_181 = arith.select %parallel_loop3A_178, %parallel_loop3A_180, %parallel_loop3A_159 : i32
        %parallel_loop3A_182 = arith.constant 7 : i32
        %parallel_loop3A_183 = arith.muli %parallel_loop3A_181, %parallel_loop3A_182 : i32
        %parallel_loop3A_184 = arith.subi %parallel_loop3A_157, %parallel_loop3A_183 : i32
        %parallel_loop3A_185 = arith.constant 2 : i32
        %parallel_loop3A_186 = arith.muli %parallel_loop3A_185, %parallel_loop3A_181 : i32
        %parallel_loop3A_187 = arith.constant 0 : i32
        %parallel_loop3A_188 = arith.addi %parallel_loop3A_186, %parallel_loop3A_187 : i32
        %parallel_loop3A_189 = arith.constant 4 : i32
        %parallel_loop3A_190 = arith.muli %parallel_loop3A_188, %parallel_loop3A_189 : i32
        %parallel_loop3A_191 = arith.constant 0 : i32
        %parallel_loop3A_192 = arith.addi %parallel_loop3A_190, %parallel_loop3A_191 : i32
        %parallel_loop3A_193 = arith.index_cast %parallel_loop3A_192 : i32 to index
        %parallel_loop3A_194 = arith.constant 0 : index
        %parallel_loop3A_195 = tpu.vector_load %arg8[%parallel_loop3A_193, %parallel_loop3A_194] {strides = array<i32>} : memref<56x16xi32, #tpu.memory_space<vmem>>, vector<16xi32>,
        %parallel_loop3A_196 = arith.constant 1 : i32
        %parallel_loop3A_197 = arith.addi %parallel_loop3A_190, %parallel_loop3A_196 : i32
        %parallel_loop3A_198 = arith.index_cast %parallel_loop3A_197 : i32 to index
        %parallel_loop3A_199 = arith.constant 0 : index
        %parallel_loop3A_200 = tpu.vector_load %arg8[%parallel_loop3A_198, %parallel_loop3A_199] {strides = array<i32>} : memref<56x16xi32, #tpu.memory_space<vmem>>, vector<16xi32>,
        %parallel_loop3A_201 = arith.constant 2 : i32
        %parallel_loop3A_202 = arith.addi %parallel_loop3A_190, %parallel_loop3A_201 : i32
        %parallel_loop3A_203 = arith.index_cast %parallel_loop3A_202 : i32 to index
        %parallel_loop3A_204 = arith.constant 0 : index
        %parallel_loop3A_205 = tpu.vector_load %arg8[%parallel_loop3A_203, %parallel_loop3A_204] {strides = array<i32>} : memref<56x16xi32, #tpu.memory_space<vmem>>, vector<16xi32>,
        %parallel_loop3A_206 = tpu.bitcast %parallel_loop3A_205 : vector<16xi32> -> vector<16xf32>
        %parallel_loop3A_207 = arith.constant 3 : i32
        %parallel_loop3A_208 = arith.addi %parallel_loop3A_190, %parallel_loop3A_207 : i32
        %parallel_loop3A_209 = arith.index_cast %parallel_loop3A_208 : i32 to index
        %parallel_loop3A_210 = arith.constant 0 : index
        %parallel_loop3A_211 = tpu.vector_load %arg8[%parallel_loop3A_209, %parallel_loop3A_210] {strides = array<i32>} : memref<56x16xi32, #tpu.memory_space<vmem>>, vector<16xi32>,
        %parallel_loop3A_212 = tpu.bitcast %parallel_loop3A_211 : vector<16xi32> -> vector<16xf32>
        %parallel_loop3A_213 = arith.constant 2 : i32
        %parallel_loop3A_214 = arith.muli %parallel_loop3A_213, %parallel_loop3A_184 : i32
        %parallel_loop3A_215 = arith.constant 0 : i32
        %parallel_loop3A_216 = arith.addi %parallel_loop3A_214, %parallel_loop3A_215 : i32
        %parallel_loop3A_217 = arith.constant 4 : i32
        %parallel_loop3A_218 = arith.muli %parallel_loop3A_216, %parallel_loop3A_217 : i32
        %parallel_loop3A_219 = arith.constant 0 : i32
        %parallel_loop3A_220 = arith.addi %parallel_loop3A_218, %parallel_loop3A_219 : i32
        %parallel_loop3A_221 = arith.index_cast %parallel_loop3A_220 : i32 to index
        %parallel_loop3A_222 = arith.constant 0 : index
        %parallel_loop3A_223 = tpu.vector_load %arg7[%parallel_loop3A_221, %parallel_loop3A_222] {strides = array<i32>} : memref<56x16xi32, #tpu.memory_space<vmem>>, vector<16xi32>,
        %parallel_loop3A_224 = arith.constant 1 : i32
        %parallel_loop3A_225 = arith.addi %parallel_loop3A_218, %parallel_loop3A_224 : i32
        %parallel_loop3A_226 = arith.index_cast %parallel_loop3A_225 : i32 to index
        %parallel_loop3A_227 = arith.constant 0 : index
        %parallel_loop3A_228 = tpu.vector_load %arg7[%parallel_loop3A_226, %parallel_loop3A_227] {strides = array<i32>} : memref<56x16xi32, #tpu.memory_space<vmem>>, vector<16xi32>,
        %parallel_loop3A_229 = arith.constant 2 : i32
        %parallel_loop3A_230 = arith.addi %parallel_loop3A_218, %parallel_loop3A_229 : i32
        %parallel_loop3A_231 = arith.index_cast %parallel_loop3A_230 : i32 to index
        %parallel_loop3A_232 = arith.constant 0 : index
        %parallel_loop3A_233 = tpu.vector_load %arg7[%parallel_loop3A_231, %parallel_loop3A_232] {strides = array<i32>} : memref<56x16xi32, #tpu.memory_space<vmem>>, vector<16xi32>,
        %parallel_loop3A_234 = tpu.bitcast %parallel_loop3A_233 : vector<16xi32> -> vector<16xf32>
        %parallel_loop3A_235 = arith.constant 3 : i32
        %parallel_loop3A_236 = arith.addi %parallel_loop3A_218, %parallel_loop3A_235 : i32
        %parallel_loop3A_237 = arith.index_cast %parallel_loop3A_236 : i32 to index
        %parallel_loop3A_238 = arith.constant 0 : index
        %parallel_loop3A_239 = tpu.vector_load %arg7[%parallel_loop3A_237, %parallel_loop3A_238] {strides = array<i32>} : memref<56x16xi32, #tpu.memory_space<vmem>>, vector<16xi32>,
        %parallel_loop3A_240 = tpu.bitcast %parallel_loop3A_239 : vector<16xi32> -> vector<16xf32>
        %parallel_loop3A_241 = arith.constant 2 : i32
        %parallel_loop3A_242 = arith.muli %parallel_loop3A_241, %parallel_loop3A_181 : i32
        %parallel_loop3A_243 = arith.constant 1 : i32
        %parallel_loop3A_244 = arith.addi %parallel_loop3A_242, %parallel_loop3A_243 : i32
        %parallel_loop3A_245 = arith.constant 4 : i32
        %parallel_loop3A_246 = arith.muli %parallel_loop3A_244, %parallel_loop3A_245 : i32
        %parallel_loop3A_247 = arith.constant 0 : i32
        %parallel_loop3A_248 = arith.addi %parallel_loop3A_246, %parallel_loop3A_247 : i32
        %parallel_loop3A_249 = arith.index_cast %parallel_loop3A_248 : i32 to index
        %parallel_loop3A_250 = arith.constant 0 : index
        %parallel_loop3A_251 = tpu.vector_load %arg8[%parallel_loop3A_249, %parallel_loop3A_250] {strides = array<i32>} : memref<56x16xi32, #tpu.memory_space<vmem>>, vector<16xi32>,
        %parallel_loop3A_252 = arith.constant 1 : i32
        %parallel_loop3A_253 = arith.addi %parallel_loop3A_246, %parallel_loop3A_252 : i32
        %parallel_loop3A_254 = arith.index_cast %parallel_loop3A_253 : i32 to index
        %parallel_loop3A_255 = arith.constant 0 : index
        %parallel_loop3A_256 = tpu.vector_load %arg8[%parallel_loop3A_254, %parallel_loop3A_255] {strides = array<i32>} : memref<56x16xi32, #tpu.memory_space<vmem>>, vector<16xi32>,
        %parallel_loop3A_257 = arith.constant 2 : i32
        %parallel_loop3A_258 = arith.addi %parallel_loop3A_246, %parallel_loop3A_257 : i32
        %parallel_loop3A_259 = arith.index_cast %parallel_loop3A_258 : i32 to index
        %parallel_loop3A_260 = arith.constant 0 : index
        %parallel_loop3A_261 = tpu.vector_load %arg8[%parallel_loop3A_259, %parallel_loop3A_260] {strides = array<i32>} : memref<56x16xi32, #tpu.memory_space<vmem>>, vector<16xi32>,
        %parallel_loop3A_262 = tpu.bitcast %parallel_loop3A_261 : vector<16xi32> -> vector<16xf32>
        %parallel_loop3A_263 = arith.constant 3 : i32
        %parallel_loop3A_264 = arith.addi %parallel_loop3A_246, %parallel_loop3A_263 : i32
        %parallel_loop3A_265 = arith.index_cast %parallel_loop3A_264 : i32 to index
        %parallel_loop3A_266 = arith.constant 0 : index
        %parallel_loop3A_267 = tpu.vector_load %arg8[%parallel_loop3A_265, %parallel_loop3A_266] {strides = array<i32>} : memref<56x16xi32, #tpu.memory_space<vmem>>, vector<16xi32>,
        %parallel_loop3A_268 = tpu.bitcast %parallel_loop3A_267 : vector<16xi32> -> vector<16xf32>
        %parallel_loop3A_269 = arith.constant 2 : i32
        %parallel_loop3A_270 = arith.muli %parallel_loop3A_269, %parallel_loop3A_184 : i32
        %parallel_loop3A_271 = arith.constant 1 : i32
        %parallel_loop3A_272 = arith.addi %parallel_loop3A_270, %parallel_loop3A_271 : i32
        %parallel_loop3A_273 = arith.constant 4 : i32
        %parallel_loop3A_274 = arith.muli %parallel_loop3A_272, %parallel_loop3A_273 : i32
        %parallel_loop3A_275 = arith.constant 0 : i32
        %parallel_loop3A_276 = arith.addi %parallel_loop3A_274, %parallel_loop3A_275 : i32
        %parallel_loop3A_277 = arith.index_cast %parallel_loop3A_276 : i32 to index
        %parallel_loop3A_278 = arith.constant 0 : index
        %parallel_loop3A_279 = tpu.vector_load %arg7[%parallel_loop3A_277, %parallel_loop3A_278] {strides = array<i32>} : memref<56x16xi32, #tpu.memory_space<vmem>>, vector<16xi32>,
        %parallel_loop3A_280 = arith.constant 1 : i32
        %parallel_loop3A_281 = arith.addi %parallel_loop3A_274, %parallel_loop3A_280 : i32
        %parallel_loop3A_282 = arith.index_cast %parallel_loop3A_281 : i32 to index
        %parallel_loop3A_283 = arith.constant 0 : index
        %parallel_loop3A_284 = tpu.vector_load %arg7[%parallel_loop3A_282, %parallel_loop3A_283] {strides = array<i32>} : memref<56x16xi32, #tpu.memory_space<vmem>>, vector<16xi32>,
        %parallel_loop3A_285 = arith.constant 2 : i32
        %parallel_loop3A_286 = arith.addi %parallel_loop3A_274, %parallel_loop3A_285 : i32
        %parallel_loop3A_287 = arith.index_cast %parallel_loop3A_286 : i32 to index
        %parallel_loop3A_288 = arith.constant 0 : index
        %parallel_loop3A_289 = tpu.vector_load %arg7[%parallel_loop3A_287, %parallel_loop3A_288] {strides = array<i32>} : memref<56x16xi32, #tpu.memory_space<vmem>>, vector<16xi32>,
        %parallel_loop3A_290 = tpu.bitcast %parallel_loop3A_289 : vector<16xi32> -> vector<16xf32>
        %parallel_loop3A_291 = arith.constant 3 : i32
        %parallel_loop3A_292 = arith.addi %parallel_loop3A_274, %parallel_loop3A_291 : i32
        %parallel_loop3A_293 = arith.index_cast %parallel_loop3A_292 : i32 to index
        %parallel_loop3A_294 = arith.constant 0 : index
        %parallel_loop3A_295 = tpu.vector_load %arg7[%parallel_loop3A_293, %parallel_loop3A_294] {strides = array<i32>} : memref<56x16xi32, #tpu.memory_space<vmem>>, vector<16xi32>,
        %parallel_loop3A_296 = tpu.bitcast %parallel_loop3A_295 : vector<16xi32> -> vector<16xf32>
        %parallel_loop3A_297 = arith.addi %parallel_loop3A_195, %parallel_loop3A_223 : vector<16xi32>
        %parallel_loop3A_298 = arith.addi %parallel_loop3A_195, %parallel_loop3A_228 : vector<16xi32>
        %parallel_loop3A_299 = arith.addi %parallel_loop3A_200, %parallel_loop3A_223 : vector<16xi32>
        %parallel_loop3A_300 = arith.addi %parallel_loop3A_200, %parallel_loop3A_228 : vector<16xi32>
        %parallel_loop3A_301 = arith.mulf %parallel_loop3A_206, %parallel_loop3A_234 : vector<16xf32>
        %parallel_loop3A_302 = arith.mulf %parallel_loop3A_206, %parallel_loop3A_240 : vector<16xf32>
        %parallel_loop3A_303 = arith.mulf %parallel_loop3A_212, %parallel_loop3A_234 : vector<16xf32>
        %parallel_loop3A_304 = arith.mulf %parallel_loop3A_212, %parallel_loop3A_240 : vector<16xf32>
        %parallel_loop3A_305 = arith.addi %parallel_loop3A_195, %parallel_loop3A_279 : vector<16xi32>
        %parallel_loop3A_306 = arith.addi %parallel_loop3A_195, %parallel_loop3A_284 : vector<16xi32>
        %parallel_loop3A_307 = arith.addi %parallel_loop3A_200, %parallel_loop3A_279 : vector<16xi32>
        %parallel_loop3A_308 = arith.addi %parallel_loop3A_200, %parallel_loop3A_284 : vector<16xi32>
        %parallel_loop3A_309 = arith.mulf %parallel_loop3A_206, %parallel_loop3A_290 : vector<16xf32>
        %parallel_loop3A_310 = arith.mulf %parallel_loop3A_206, %parallel_loop3A_296 : vector<16xf32>
        %parallel_loop3A_311 = arith.mulf %parallel_loop3A_212, %parallel_loop3A_290 : vector<16xf32>
        %parallel_loop3A_312 = arith.mulf %parallel_loop3A_212, %parallel_loop3A_296 : vector<16xf32>
        %parallel_loop3A_313 = arith.addi %parallel_loop3A_251, %parallel_loop3A_223 : vector<16xi32>
        %parallel_loop3A_314 = arith.addi %parallel_loop3A_251, %parallel_loop3A_228 : vector<16xi32>
        %parallel_loop3A_315 = arith.addi %parallel_loop3A_256, %parallel_loop3A_223 : vector<16xi32>
        %parallel_loop3A_316 = arith.addi %parallel_loop3A_256, %parallel_loop3A_228 : vector<16xi32>
        %parallel_loop3A_317 = arith.mulf %parallel_loop3A_262, %parallel_loop3A_234 : vector<16xf32>
        %parallel_loop3A_318 = arith.mulf %parallel_loop3A_262, %parallel_loop3A_240 : vector<16xf32>
        %parallel_loop3A_319 = arith.mulf %parallel_loop3A_268, %parallel_loop3A_234 : vector<16xf32>
        %parallel_loop3A_320 = arith.mulf %parallel_loop3A_268, %parallel_loop3A_240 : vector<16xf32>
        %parallel_loop3A_321 = arith.addi %parallel_loop3A_251, %parallel_loop3A_279 : vector<16xi32>
        %parallel_loop3A_322 = arith.addi %parallel_loop3A_251, %parallel_loop3A_284 : vector<16xi32>
        %parallel_loop3A_323 = arith.addi %parallel_loop3A_256, %parallel_loop3A_279 : vector<16xi32>
        %parallel_loop3A_324 = arith.addi %parallel_loop3A_256, %parallel_loop3A_284 : vector<16xi32>
        %parallel_loop3A_325 = arith.mulf %parallel_loop3A_262, %parallel_loop3A_290 : vector<16xf32>
        %parallel_loop3A_326 = arith.mulf %parallel_loop3A_262, %parallel_loop3A_296 : vector<16xf32>
        %parallel_loop3A_327 = arith.mulf %parallel_loop3A_268, %parallel_loop3A_290 : vector<16xf32>
        %parallel_loop3A_328 = arith.mulf %parallel_loop3A_268, %parallel_loop3A_296 : vector<16xf32>
        %parallel_loop3A_329 = arith.constant 0 : i32
        %parallel_loop3A_330 = vector.broadcast %parallel_loop3A_329 : i32 to vector<16xi32>
        %parallel_loop3A_331 = arith.addi %parallel_loop3A_297, %parallel_loop3A_330 : vector<16xi32>
        %parallel_loop3A_332 = tpu.vector_load_idx %arg5[%parallel_loop3A_331] : memref<65536xf32, #tpu.memory_space<vmem>>[vector<16xi32>], vector<16xf32>,
        %parallel_loop3A_333 = arith.mulf %parallel_loop3A_301, %parallel_loop3A_332 : vector<16xf32>
        %parallel_loop3A_334 = arith.addi %parallel_loop3A_298, %parallel_loop3A_330 : vector<16xi32>
        %parallel_loop3A_335 = tpu.vector_load_idx %arg5[%parallel_loop3A_334] : memref<65536xf32, #tpu.memory_space<vmem>>[vector<16xi32>], vector<16xf32>,
        %parallel_loop3A_336 = arith.mulf %parallel_loop3A_302, %parallel_loop3A_335 : vector<16xf32>
        %parallel_loop3A_337 = arith.addi %parallel_loop3A_299, %parallel_loop3A_330 : vector<16xi32>
        %parallel_loop3A_338 = tpu.vector_load_idx %arg5[%parallel_loop3A_337] : memref<65536xf32, #tpu.memory_space<vmem>>[vector<16xi32>], vector<16xf32>,
        %parallel_loop3A_339 = arith.mulf %parallel_loop3A_303, %parallel_loop3A_338 : vector<16xf32>
        %parallel_loop3A_340 = arith.addi %parallel_loop3A_300, %parallel_loop3A_330 : vector<16xi32>
        %parallel_loop3A_341 = tpu.vector_load_idx %arg5[%parallel_loop3A_340] : memref<65536xf32, #tpu.memory_space<vmem>>[vector<16xi32>], vector<16xf32>,
        %parallel_loop3A_342 = arith.mulf %parallel_loop3A_304, %parallel_loop3A_341 : vector<16xf32>
        %parallel_loop3A_343 = arith.addi %parallel_loop3A_305, %parallel_loop3A_330 : vector<16xi32>
        %parallel_loop3A_344 = tpu.vector_load_idx %arg5[%parallel_loop3A_343] : memref<65536xf32, #tpu.memory_space<vmem>>[vector<16xi32>], vector<16xf32>,
        %parallel_loop3A_345 = arith.mulf %parallel_loop3A_309, %parallel_loop3A_344 : vector<16xf32>
        %parallel_loop3A_346 = arith.addi %parallel_loop3A_306, %parallel_loop3A_330 : vector<16xi32>
        %parallel_loop3A_347 = tpu.vector_load_idx %arg5[%parallel_loop3A_346] : memref<65536xf32, #tpu.memory_space<vmem>>[vector<16xi32>], vector<16xf32>,
        %parallel_loop3A_348 = arith.mulf %parallel_loop3A_310, %parallel_loop3A_347 : vector<16xf32>
        %parallel_loop3A_349 = arith.addi %parallel_loop3A_307, %parallel_loop3A_330 : vector<16xi32>
        %parallel_loop3A_350 = tpu.vector_load_idx %arg5[%parallel_loop3A_349] : memref<65536xf32, #tpu.memory_space<vmem>>[vector<16xi32>], vector<16xf32>,
        %parallel_loop3A_351 = arith.mulf %parallel_loop3A_311, %parallel_loop3A_350 : vector<16xf32>
        %parallel_loop3A_352 = arith.addi %parallel_loop3A_308, %parallel_loop3A_330 : vector<16xi32>
        %parallel_loop3A_353 = tpu.vector_load_idx %arg5[%parallel_loop3A_352] : memref<65536xf32, #tpu.memory_space<vmem>>[vector<16xi32>], vector<16xf32>,
        %parallel_loop3A_354 = arith.mulf %parallel_loop3A_312, %parallel_loop3A_353 : vector<16xf32>
        %parallel_loop3A_355 = arith.addi %parallel_loop3A_313, %parallel_loop3A_330 : vector<16xi32>
        %parallel_loop3A_356 = tpu.vector_load_idx %arg5[%parallel_loop3A_355] : memref<65536xf32, #tpu.memory_space<vmem>>[vector<16xi32>], vector<16xf32>,
        %parallel_loop3A_357 = arith.mulf %parallel_loop3A_317, %parallel_loop3A_356 : vector<16xf32>
        %parallel_loop3A_358 = arith.addi %parallel_loop3A_314, %parallel_loop3A_330 : vector<16xi32>
        %parallel_loop3A_359 = tpu.vector_load_idx %arg5[%parallel_loop3A_358] : memref<65536xf32, #tpu.memory_space<vmem>>[vector<16xi32>], vector<16xf32>,
        %parallel_loop3A_360 = arith.mulf %parallel_loop3A_318, %parallel_loop3A_359 : vector<16xf32>
        %parallel_loop3A_361 = arith.addi %parallel_loop3A_315, %parallel_loop3A_330 : vector<16xi32>
        %parallel_loop3A_362 = tpu.vector_load_idx %arg5[%parallel_loop3A_361] : memref<65536xf32, #tpu.memory_space<vmem>>[vector<16xi32>], vector<16xf32>,
        %parallel_loop3A_363 = arith.mulf %parallel_loop3A_319, %parallel_loop3A_362 : vector<16xf32>
        %parallel_loop3A_364 = arith.addi %parallel_loop3A_316, %parallel_loop3A_330 : vector<16xi32>
        %parallel_loop3A_365 = tpu.vector_load_idx %arg5[%parallel_loop3A_364] : memref<65536xf32, #tpu.memory_space<vmem>>[vector<16xi32>], vector<16xf32>,
        %parallel_loop3A_366 = arith.mulf %parallel_loop3A_320, %parallel_loop3A_365 : vector<16xf32>
        %parallel_loop3A_367 = arith.addi %parallel_loop3A_321, %parallel_loop3A_330 : vector<16xi32>
        %parallel_loop3A_368 = tpu.vector_load_idx %arg5[%parallel_loop3A_367] : memref<65536xf32, #tpu.memory_space<vmem>>[vector<16xi32>], vector<16xf32>,
        %parallel_loop3A_369 = arith.mulf %parallel_loop3A_325, %parallel_loop3A_368 : vector<16xf32>
        %parallel_loop3A_370 = arith.addi %parallel_loop3A_322, %parallel_loop3A_330 : vector<16xi32>
        %parallel_loop3A_371 = tpu.vector_load_idx %arg5[%parallel_loop3A_370] : memref<65536xf32, #tpu.memory_space<vmem>>[vector<16xi32>], vector<16xf32>,
        %parallel_loop3A_372 = arith.mulf %parallel_loop3A_326, %parallel_loop3A_371 : vector<16xf32>
        %parallel_loop3A_373 = arith.addi %parallel_loop3A_323, %parallel_loop3A_330 : vector<16xi32>
        %parallel_loop3A_374 = tpu.vector_load_idx %arg5[%parallel_loop3A_373] : memref<65536xf32, #tpu.memory_space<vmem>>[vector<16xi32>], vector<16xf32>,
        %parallel_loop3A_375 = arith.mulf %parallel_loop3A_327, %parallel_loop3A_374 : vector<16xf32>
        %parallel_loop3A_376 = arith.addi %parallel_loop3A_324, %parallel_loop3A_330 : vector<16xi32>
        %parallel_loop3A_377 = tpu.vector_load_idx %arg5[%parallel_loop3A_376] : memref<65536xf32, #tpu.memory_space<vmem>>[vector<16xi32>], vector<16xf32>,
        %parallel_loop3A_378 = arith.mulf %parallel_loop3A_328, %parallel_loop3A_377 : vector<16xf32>
        %parallel_loop3A_379 = arith.addf %parallel_loop3A_333, %parallel_loop3A_336 : vector<16xf32>
        %parallel_loop3A_380 = arith.addf %parallel_loop3A_339, %parallel_loop3A_342 : vector<16xf32>
        %parallel_loop3A_381 = arith.addf %parallel_loop3A_345, %parallel_loop3A_348 : vector<16xf32>
        %parallel_loop3A_382 = arith.addf %parallel_loop3A_351, %parallel_loop3A_354 : vector<16xf32>
        %parallel_loop3A_383 = arith.addf %parallel_loop3A_357, %parallel_loop3A_360 : vector<16xf32>
        %parallel_loop3A_384 = arith.addf %parallel_loop3A_363, %parallel_loop3A_366 : vector<16xf32>
        %parallel_loop3A_385 = arith.addf %parallel_loop3A_369, %parallel_loop3A_372 : vector<16xf32>
        %parallel_loop3A_386 = arith.addf %parallel_loop3A_375, %parallel_loop3A_378 : vector<16xf32>
        %parallel_loop3A_387 = arith.addf %parallel_loop3A_379, %parallel_loop3A_380 : vector<16xf32>
        %parallel_loop3A_388 = arith.addf %parallel_loop3A_381, %parallel_loop3A_382 : vector<16xf32>
        %parallel_loop3A_389 = arith.addf %parallel_loop3A_383, %parallel_loop3A_384 : vector<16xf32>
        %parallel_loop3A_390 = arith.addf %parallel_loop3A_385, %parallel_loop3A_386 : vector<16xf32>
        %parallel_loop3A_391 = arith.addf %parallel_loop3A_387, %parallel_loop3A_388 : vector<16xf32>
        %parallel_loop3A_392 = arith.addf %parallel_loop3A_389, %parallel_loop3A_390 : vector<16xf32>
        %parallel_loop3A_393 = arith.addf %parallel_loop3A_391, %parallel_loop3A_392 : vector<16xf32>
        %parallel_loop3A_394 = arith.constant 0 : i32
        %parallel_loop3A_395 = arith.addi %parallel_loop3A_394, %parallel_loop3A_157 : i32
        %parallel_loop3A_396 = arith.index_cast %and3A_73 : i32 to index
        %parallel_loop3A_397 = arith.index_cast %parallel_loop3A_395 : i32 to index
        %parallel_loop3A_398 = arith.constant 0 : index
        %parallel_loop3A_399 = tpu.vector_load %arg9[%parallel_loop3A_396, %parallel_loop3A_397, %parallel_loop3A_398] {strides = array<i32>} : memref<2x392x16xf32, #tpu.memory_space<vmem>>, vector<16xf32>,
        tpu.vector_store %arg9[%parallel_loop3A_396, %parallel_loop3A_397, %parallel_loop3A_398], %parallel_loop3A_393 {strides = array<i32>} : memref<2x392x16xf32, #tpu.memory_space<vmem>>, vector<16xf32>,
        %parallel_loop3A_400 = arith.constant 4096 : i32
        %parallel_loop3A_401 = vector.broadcast %parallel_loop3A_400 : i32 to vector<16xi32>
        %parallel_loop3A_402 = arith.addi %parallel_loop3A_297, %parallel_loop3A_401 : vector<16xi32>
        %parallel_loop3A_403 = tpu.vector_load_idx %arg5[%parallel_loop3A_402] : memref<65536xf32, #tpu.memory_space<vmem>>[vector<16xi32>], vector<16xf32>,
        %parallel_loop3A_404 = arith.mulf %parallel_loop3A_301, %parallel_loop3A_403 : vector<16xf32>
        %parallel_loop3A_405 = arith.addi %parallel_loop3A_298, %parallel_loop3A_401 : vector<16xi32>
        %parallel_loop3A_406 = tpu.vector_load_idx %arg5[%parallel_loop3A_405] : memref<65536xf32, #tpu.memory_space<vmem>>[vector<16xi32>], vector<16xf32>,
        %parallel_loop3A_407 = arith.mulf %parallel_loop3A_302, %parallel_loop3A_406 : vector<16xf32>
        %parallel_loop3A_408 = arith.addi %parallel_loop3A_299, %parallel_loop3A_401 : vector<16xi32>
        %parallel_loop3A_409 = tpu.vector_load_idx %arg5[%parallel_loop3A_408] : memref<65536xf32, #tpu.memory_space<vmem>>[vector<16xi32>], vector<16xf32>,
        %parallel_loop3A_410 = arith.mulf %parallel_loop3A_303, %parallel_loop3A_409 : vector<16xf32>
        %parallel_loop3A_411 = arith.addi %parallel_loop3A_300, %parallel_loop3A_401 : vector<16xi32>
        %parallel_loop3A_412 = tpu.vector_load_idx %arg5[%parallel_loop3A_411] : memref<65536xf32, #tpu.memory_space<vmem>>[vector<16xi32>], vector<16xf32>,
        %parallel_loop3A_413 = arith.mulf %parallel_loop3A_304, %parallel_loop3A_412 : vector<16xf32>
        %parallel_loop3A_414 = arith.addi %parallel_loop3A_305, %parallel_loop3A_401 : vector<16xi32>
        %parallel_loop3A_415 = tpu.vector_load_idx %arg5[%parallel_loop3A_414] : memref<65536xf32, #tpu.memory_space<vmem>>[vector<16xi32>], vector<16xf32>,
        %parallel_loop3A_416 = arith.mulf %parallel_loop3A_309, %parallel_loop3A_415 : vector<16xf32>
        %parallel_loop3A_417 = arith.addi %parallel_loop3A_306, %parallel_loop3A_401 : vector<16xi32>
        %parallel_loop3A_418 = tpu.vector_load_idx %arg5[%parallel_loop3A_417] : memref<65536xf32, #tpu.memory_space<vmem>>[vector<16xi32>], vector<16xf32>,
        %parallel_loop3A_419 = arith.mulf %parallel_loop3A_310, %parallel_loop3A_418 : vector<16xf32>
        %parallel_loop3A_420 = arith.addi %parallel_loop3A_307, %parallel_loop3A_401 : vector<16xi32>
        %parallel_loop3A_421 = tpu.vector_load_idx %arg5[%parallel_loop3A_420] : memref<65536xf32, #tpu.memory_space<vmem>>[vector<16xi32>], vector<16xf32>,
        %parallel_loop3A_422 = arith.mulf %parallel_loop3A_311, %parallel_loop3A_421 : vector<16xf32>
        %parallel_loop3A_423 = arith.addi %parallel_loop3A_308, %parallel_loop3A_401 : vector<16xi32>
        %parallel_loop3A_424 = tpu.vector_load_idx %arg5[%parallel_loop3A_423] : memref<65536xf32, #tpu.memory_space<vmem>>[vector<16xi32>], vector<16xf32>,
        %parallel_loop3A_425 = arith.mulf %parallel_loop3A_312, %parallel_loop3A_424 : vector<16xf32>
        %parallel_loop3A_426 = arith.addi %parallel_loop3A_313, %parallel_loop3A_401 : vector<16xi32>
        %parallel_loop3A_427 = tpu.vector_load_idx %arg5[%parallel_loop3A_426] : memref<65536xf32, #tpu.memory_space<vmem>>[vector<16xi32>], vector<16xf32>,
        %parallel_loop3A_428 = arith.mulf %parallel_loop3A_317, %parallel_loop3A_427 : vector<16xf32>
        %parallel_loop3A_429 = arith.addi %parallel_loop3A_314, %parallel_loop3A_401 : vector<16xi32>
        %parallel_loop3A_430 = tpu.vector_load_idx %arg5[%parallel_loop3A_429] : memref<65536xf32, #tpu.memory_space<vmem>>[vector<16xi32>], vector<16xf32>,
        %parallel_loop3A_431 = arith.mulf %parallel_loop3A_318, %parallel_loop3A_430 : vector<16xf32>
        %parallel_loop3A_432 = arith.addi %parallel_loop3A_315, %parallel_loop3A_401 : vector<16xi32>
        %parallel_loop3A_433 = tpu.vector_load_idx %arg5[%parallel_loop3A_432] : memref<65536xf32, #tpu.memory_space<vmem>>[vector<16xi32>], vector<16xf32>,
        %parallel_loop3A_434 = arith.mulf %parallel_loop3A_319, %parallel_loop3A_433 : vector<16xf32>
        %parallel_loop3A_435 = arith.addi %parallel_loop3A_316, %parallel_loop3A_401 : vector<16xi32>
        %parallel_loop3A_436 = tpu.vector_load_idx %arg5[%parallel_loop3A_435] : memref<65536xf32, #tpu.memory_space<vmem>>[vector<16xi32>], vector<16xf32>,
        %parallel_loop3A_437 = arith.mulf %parallel_loop3A_320, %parallel_loop3A_436 : vector<16xf32>
        %parallel_loop3A_438 = arith.addi %parallel_loop3A_321, %parallel_loop3A_401 : vector<16xi32>
        %parallel_loop3A_439 = tpu.vector_load_idx %arg5[%parallel_loop3A_438] : memref<65536xf32, #tpu.memory_space<vmem>>[vector<16xi32>], vector<16xf32>,
        %parallel_loop3A_440 = arith.mulf %parallel_loop3A_325, %parallel_loop3A_439 : vector<16xf32>
        %parallel_loop3A_441 = arith.addi %parallel_loop3A_322, %parallel_loop3A_401 : vector<16xi32>
        %parallel_loop3A_442 = tpu.vector_load_idx %arg5[%parallel_loop3A_441] : memref<65536xf32, #tpu.memory_space<vmem>>[vector<16xi32>], vector<16xf32>,
        %parallel_loop3A_443 = arith.mulf %parallel_loop3A_326, %parallel_loop3A_442 : vector<16xf32>
        %parallel_loop3A_444 = arith.addi %parallel_loop3A_323, %parallel_loop3A_401 : vector<16xi32>
        %parallel_loop3A_445 = tpu.vector_load_idx %arg5[%parallel_loop3A_444] : memref<65536xf32, #tpu.memory_space<vmem>>[vector<16xi32>], vector<16xf32>,
        %parallel_loop3A_446 = arith.mulf %parallel_loop3A_327, %parallel_loop3A_445 : vector<16xf32>
        %parallel_loop3A_447 = arith.addi %parallel_loop3A_324, %parallel_loop3A_401 : vector<16xi32>
        %parallel_loop3A_448 = tpu.vector_load_idx %arg5[%parallel_loop3A_447] : memref<65536xf32, #tpu.memory_space<vmem>>[vector<16xi32>], vector<16xf32>,
        %parallel_loop3A_449 = arith.mulf %parallel_loop3A_328, %parallel_loop3A_448 : vector<16xf32>
        %parallel_loop3A_450 = arith.addf %parallel_loop3A_404, %parallel_loop3A_407 : vector<16xf32>
        %parallel_loop3A_451 = arith.addf %parallel_loop3A_410, %parallel_loop3A_413 : vector<16xf32>
        %parallel_loop3A_452 = arith.addf %parallel_loop3A_416, %parallel_loop3A_419 : vector<16xf32>
        %parallel_loop3A_453 = arith.addf %parallel_loop3A_422, %parallel_loop3A_425 : vector<16xf32>
        %parallel_loop3A_454 = arith.addf %parallel_loop3A_428, %parallel_loop3A_431 : vector<16xf32>
        %parallel_loop3A_455 = arith.addf %parallel_loop3A_434, %parallel_loop3A_437 : vector<16xf32>
        %parallel_loop3A_456 = arith.addf %parallel_loop3A_440, %parallel_loop3A_443 : vector<16xf32>
        %parallel_loop3A_457 = arith.addf %parallel_loop3A_446, %parallel_loop3A_449 : vector<16xf32>
        %parallel_loop3A_458 = arith.addf %parallel_loop3A_450, %parallel_loop3A_451 : vector<16xf32>
        %parallel_loop3A_459 = arith.addf %parallel_loop3A_452, %parallel_loop3A_453 : vector<16xf32>
        %parallel_loop3A_460 = arith.addf %parallel_loop3A_454, %parallel_loop3A_455 : vector<16xf32>
        %parallel_loop3A_461 = arith.addf %parallel_loop3A_456, %parallel_loop3A_457 : vector<16xf32>
        %parallel_loop3A_462 = arith.addf %parallel_loop3A_458, %parallel_loop3A_459 : vector<16xf32>
        %parallel_loop3A_463 = arith.addf %parallel_loop3A_460, %parallel_loop3A_461 : vector<16xf32>
        %parallel_loop3A_464 = arith.addf %parallel_loop3A_462, %parallel_loop3A_463 : vector<16xf32>
        %parallel_loop3A_465 = arith.constant 49 : i32
        %parallel_loop3A_466 = arith.addi %parallel_loop3A_465, %parallel_loop3A_157 : i32
        %parallel_loop3A_467 = arith.index_cast %and3A_73 : i32 to index
        %parallel_loop3A_468 = arith.index_cast %parallel_loop3A_466 : i32 to index
        %parallel_loop3A_469 = arith.constant 0 : index
        %parallel_loop3A_470 = tpu.vector_load %arg9[%parallel_loop3A_467, %parallel_loop3A_468, %parallel_loop3A_469] {strides = array<i32>} : memref<2x392x16xf32, #tpu.memory_space<vmem>>, vector<16xf32>,
        tpu.vector_store %arg9[%parallel_loop3A_467, %parallel_loop3A_468, %parallel_loop3A_469], %parallel_loop3A_464 {strides = array<i32>} : memref<2x392x16xf32, #tpu.memory_space<vmem>>, vector<16xf32>,
        %parallel_loop3A_471 = arith.constant 8192 : i32
        %parallel_loop3A_472 = vector.broadcast %parallel_loop3A_471 : i32 to vector<16xi32>
        %parallel_loop3A_473 = arith.addi %parallel_loop3A_297, %parallel_loop3A_472 : vector<16xi32>
        %parallel_loop3A_474 = tpu.vector_load_idx %arg5[%parallel_loop3A_473] : memref<65536xf32, #tpu.memory_space<vmem>>[vector<16xi32>], vector<16xf32>,
        %parallel_loop3A_475 = arith.mulf %parallel_loop3A_301, %parallel_loop3A_474 : vector<16xf32>
        %parallel_loop3A_476 = arith.addi %parallel_loop3A_298, %parallel_loop3A_472 : vector<16xi32>
        %parallel_loop3A_477 = tpu.vector_load_idx %arg5[%parallel_loop3A_476] : memref<65536xf32, #tpu.memory_space<vmem>>[vector<16xi32>], vector<16xf32>,
        %parallel_loop3A_478 = arith.mulf %parallel_loop3A_302, %parallel_loop3A_477 : vector<16xf32>
        %parallel_loop3A_479 = arith.addi %parallel_loop3A_299, %parallel_loop3A_472 : vector<16xi32>
        %parallel_loop3A_480 = tpu.vector_load_idx %arg5[%parallel_loop3A_479] : memref<65536xf32, #tpu.memory_space<vmem>>[vector<16xi32>], vector<16xf32>,
        %parallel_loop3A_481 = arith.mulf %parallel_loop3A_303, %parallel_loop3A_480 : vector<16xf32>
        %parallel_loop3A_482 = arith.addi %parallel_loop3A_300, %parallel_loop3A_472 : vector<16xi32>
        %parallel_loop3A_483 = tpu.vector_load_idx %arg5[%parallel_loop3A_482] : memref<65536xf32, #tpu.memory_space<vmem>>[vector<16xi32>], vector<16xf32>,
        %parallel_loop3A_484 = arith.mulf %parallel_loop3A_304, %parallel_loop3A_483 : vector<16xf32>
        %parallel_loop3A_485 = arith.addi %parallel_loop3A_305, %parallel_loop3A_472 : vector<16xi32>
        %parallel_loop3A_486 = tpu.vector_load_idx %arg5[%parallel_loop3A_485] : memref<65536xf32, #tpu.memory_space<vmem>>[vector<16xi32>], vector<16xf32>,
        %parallel_loop3A_487 = arith.mulf %parallel_loop3A_309, %parallel_loop3A_486 : vector<16xf32>
        %parallel_loop3A_488 = arith.addi %parallel_loop3A_306, %parallel_loop3A_472 : vector<16xi32>
        %parallel_loop3A_489 = tpu.vector_load_idx %arg5[%parallel_loop3A_488] : memref<65536xf32, #tpu.memory_space<vmem>>[vector<16xi32>], vector<16xf32>,
        %parallel_loop3A_490 = arith.mulf %parallel_loop3A_310, %parallel_loop3A_489 : vector<16xf32>
        %parallel_loop3A_491 = arith.addi %parallel_loop3A_307, %parallel_loop3A_472 : vector<16xi32>
        %parallel_loop3A_492 = tpu.vector_load_idx %arg5[%parallel_loop3A_491] : memref<65536xf32, #tpu.memory_space<vmem>>[vector<16xi32>], vector<16xf32>,
        %parallel_loop3A_493 = arith.mulf %parallel_loop3A_311, %parallel_loop3A_492 : vector<16xf32>
        %parallel_loop3A_494 = arith.addi %parallel_loop3A_308, %parallel_loop3A_472 : vector<16xi32>
        %parallel_loop3A_495 = tpu.vector_load_idx %arg5[%parallel_loop3A_494] : memref<65536xf32, #tpu.memory_space<vmem>>[vector<16xi32>], vector<16xf32>,
        %parallel_loop3A_496 = arith.mulf %parallel_loop3A_312, %parallel_loop3A_495 : vector<16xf32>
        %parallel_loop3A_497 = arith.addi %parallel_loop3A_313, %parallel_loop3A_472 : vector<16xi32>
        %parallel_loop3A_498 = tpu.vector_load_idx %arg5[%parallel_loop3A_497] : memref<65536xf32, #tpu.memory_space<vmem>>[vector<16xi32>], vector<16xf32>,
        %parallel_loop3A_499 = arith.mulf %parallel_loop3A_317, %parallel_loop3A_498 : vector<16xf32>
        %parallel_loop3A_500 = arith.addi %parallel_loop3A_314, %parallel_loop3A_472 : vector<16xi32>
        %parallel_loop3A_501 = tpu.vector_load_idx %arg5[%parallel_loop3A_500] : memref<65536xf32, #tpu.memory_space<vmem>>[vector<16xi32>], vector<16xf32>,
        %parallel_loop3A_502 = arith.mulf %parallel_loop3A_318, %parallel_loop3A_501 : vector<16xf32>
        %parallel_loop3A_503 = arith.addi %parallel_loop3A_315, %parallel_loop3A_472 : vector<16xi32>
        %parallel_loop3A_504 = tpu.vector_load_idx %arg5[%parallel_loop3A_503] : memref<65536xf32, #tpu.memory_space<vmem>>[vector<16xi32>], vector<16xf32>,
        %parallel_loop3A_505 = arith.mulf %parallel_loop3A_319, %parallel_loop3A_504 : vector<16xf32>
        %parallel_loop3A_506 = arith.addi %parallel_loop3A_316, %parallel_loop3A_472 : vector<16xi32>
        %parallel_loop3A_507 = tpu.vector_load_idx %arg5[%parallel_loop3A_506] : memref<65536xf32, #tpu.memory_space<vmem>>[vector<16xi32>], vector<16xf32>,
        %parallel_loop3A_508 = arith.mulf %parallel_loop3A_320, %parallel_loop3A_507 : vector<16xf32>
        %parallel_loop3A_509 = arith.addi %parallel_loop3A_321, %parallel_loop3A_472 : vector<16xi32>
        %parallel_loop3A_510 = tpu.vector_load_idx %arg5[%parallel_loop3A_509] : memref<65536xf32, #tpu.memory_space<vmem>>[vector<16xi32>], vector<16xf32>,
        %parallel_loop3A_511 = arith.mulf %parallel_loop3A_325, %parallel_loop3A_510 : vector<16xf32>
        %parallel_loop3A_512 = arith.addi %parallel_loop3A_322, %parallel_loop3A_472 : vector<16xi32>
        %parallel_loop3A_513 = tpu.vector_load_idx %arg5[%parallel_loop3A_512] : memref<65536xf32, #tpu.memory_space<vmem>>[vector<16xi32>], vector<16xf32>,
        %parallel_loop3A_514 = arith.mulf %parallel_loop3A_326, %parallel_loop3A_513 : vector<16xf32>
        %parallel_loop3A_515 = arith.addi %parallel_loop3A_323, %parallel_loop3A_472 : vector<16xi32>
        %parallel_loop3A_516 = tpu.vector_load_idx %arg5[%parallel_loop3A_515] : memref<65536xf32, #tpu.memory_space<vmem>>[vector<16xi32>], vector<16xf32>,
        %parallel_loop3A_517 = arith.mulf %parallel_loop3A_327, %parallel_loop3A_516 : vector<16xf32>
        %parallel_loop3A_518 = arith.addi %parallel_loop3A_324, %parallel_loop3A_472 : vector<16xi32>
        %parallel_loop3A_519 = tpu.vector_load_idx %arg5[%parallel_loop3A_518] : memref<65536xf32, #tpu.memory_space<vmem>>[vector<16xi32>], vector<16xf32>,
        %parallel_loop3A_520 = arith.mulf %parallel_loop3A_328, %parallel_loop3A_519 : vector<16xf32>
        %parallel_loop3A_521 = arith.addf %parallel_loop3A_475, %parallel_loop3A_478 : vector<16xf32>
        %parallel_loop3A_522 = arith.addf %parallel_loop3A_481, %parallel_loop3A_484 : vector<16xf32>
        %parallel_loop3A_523 = arith.addf %parallel_loop3A_487, %parallel_loop3A_490 : vector<16xf32>
        %parallel_loop3A_524 = arith.addf %parallel_loop3A_493, %parallel_loop3A_496 : vector<16xf32>
        %parallel_loop3A_525 = arith.addf %parallel_loop3A_499, %parallel_loop3A_502 : vector<16xf32>
        %parallel_loop3A_526 = arith.addf %parallel_loop3A_505, %parallel_loop3A_508 : vector<16xf32>
        %parallel_loop3A_527 = arith.addf %parallel_loop3A_511, %parallel_loop3A_514 : vector<16xf32>
        %parallel_loop3A_528 = arith.addf %parallel_loop3A_517, %parallel_loop3A_520 : vector<16xf32>
        %parallel_loop3A_529 = arith.addf %parallel_loop3A_521, %parallel_loop3A_522 : vector<16xf32>
        %parallel_loop3A_530 = arith.addf %parallel_loop3A_523, %parallel_loop3A_524 : vector<16xf32>
        %parallel_loop3A_531 = arith.addf %parallel_loop3A_525, %parallel_loop3A_526 : vector<16xf32>
        %parallel_loop3A_532 = arith.addf %parallel_loop3A_527, %parallel_loop3A_528 : vector<16xf32>
        %parallel_loop3A_533 = arith.addf %parallel_loop3A_529, %parallel_loop3A_530 : vector<16xf32>
        %parallel_loop3A_534 = arith.addf %parallel_loop3A_531, %parallel_loop3A_532 : vector<16xf32>
        %parallel_loop3A_535 = arith.addf %parallel_loop3A_533, %parallel_loop3A_534 : vector<16xf32>
        %parallel_loop3A_536 = arith.constant 98 : i32
        %parallel_loop3A_537 = arith.addi %parallel_loop3A_536, %parallel_loop3A_157 : i32
        %parallel_loop3A_538 = arith.index_cast %and3A_73 : i32 to index
        %parallel_loop3A_539 = arith.index_cast %parallel_loop3A_537 : i32 to index
        %parallel_loop3A_540 = arith.constant 0 : index
        %parallel_loop3A_541 = tpu.vector_load %arg9[%parallel_loop3A_538, %parallel_loop3A_539, %parallel_loop3A_540] {strides = array<i32>} : memref<2x392x16xf32, #tpu.memory_space<vmem>>, vector<16xf32>,
        tpu.vector_store %arg9[%parallel_loop3A_538, %parallel_loop3A_539, %parallel_loop3A_540], %parallel_loop3A_535 {strides = array<i32>} : memref<2x392x16xf32, #tpu.memory_space<vmem>>, vector<16xf32>,
        %parallel_loop3A_542 = arith.constant 12288 : i32
        %parallel_loop3A_543 = vector.broadcast %parallel_loop3A_542 : i32 to vector<16xi32>
        %parallel_loop3A_544 = arith.addi %parallel_loop3A_297, %parallel_loop3A_543 : vector<16xi32>
        %parallel_loop3A_545 = tpu.vector_load_idx %arg5[%parallel_loop3A_544] : memref<65536xf32, #tpu.memory_space<vmem>>[vector<16xi32>], vector<16xf32>,
        %parallel_loop3A_546 = arith.mulf %parallel_loop3A_301, %parallel_loop3A_545 : vector<16xf32>
        %parallel_loop3A_547 = arith.addi %parallel_loop3A_298, %parallel_loop3A_543 : vector<16xi32>
        %parallel_loop3A_548 = tpu.vector_load_idx %arg5[%parallel_loop3A_547] : memref<65536xf32, #tpu.memory_space<vmem>>[vector<16xi32>], vector<16xf32>,
        %parallel_loop3A_549 = arith.mulf %parallel_loop3A_302, %parallel_loop3A_548 : vector<16xf32>
        %parallel_loop3A_550 = arith.addi %parallel_loop3A_299, %parallel_loop3A_543 : vector<16xi32>
        %parallel_loop3A_551 = tpu.vector_load_idx %arg5[%parallel_loop3A_550] : memref<65536xf32, #tpu.memory_space<vmem>>[vector<16xi32>], vector<16xf32>,
        %parallel_loop3A_552 = arith.mulf %parallel_loop3A_303, %parallel_loop3A_551 : vector<16xf32>
        %parallel_loop3A_553 = arith.addi %parallel_loop3A_300, %parallel_loop3A_543 : vector<16xi32>
        %parallel_loop3A_554 = tpu.vector_load_idx %arg5[%parallel_loop3A_553] : memref<65536xf32, #tpu.memory_space<vmem>>[vector<16xi32>], vector<16xf32>,
        %parallel_loop3A_555 = arith.mulf %parallel_loop3A_304, %parallel_loop3A_554 : vector<16xf32>
        %parallel_loop3A_556 = arith.addi %parallel_loop3A_305, %parallel_loop3A_543 : vector<16xi32>
        %parallel_loop3A_557 = tpu.vector_load_idx %arg5[%parallel_loop3A_556] : memref<65536xf32, #tpu.memory_space<vmem>>[vector<16xi32>], vector<16xf32>,
        %parallel_loop3A_558 = arith.mulf %parallel_loop3A_309, %parallel_loop3A_557 : vector<16xf32>
        %parallel_loop3A_559 = arith.addi %parallel_loop3A_306, %parallel_loop3A_543 : vector<16xi32>
        %parallel_loop3A_560 = tpu.vector_load_idx %arg5[%parallel_loop3A_559] : memref<65536xf32, #tpu.memory_space<vmem>>[vector<16xi32>], vector<16xf32>,
        %parallel_loop3A_561 = arith.mulf %parallel_loop3A_310, %parallel_loop3A_560 : vector<16xf32>
        %parallel_loop3A_562 = arith.addi %parallel_loop3A_307, %parallel_loop3A_543 : vector<16xi32>
        %parallel_loop3A_563 = tpu.vector_load_idx %arg5[%parallel_loop3A_562] : memref<65536xf32, #tpu.memory_space<vmem>>[vector<16xi32>], vector<16xf32>,
        %parallel_loop3A_564 = arith.mulf %parallel_loop3A_311, %parallel_loop3A_563 : vector<16xf32>
        %parallel_loop3A_565 = arith.addi %parallel_loop3A_308, %parallel_loop3A_543 : vector<16xi32>
        %parallel_loop3A_566 = tpu.vector_load_idx %arg5[%parallel_loop3A_565] : memref<65536xf32, #tpu.memory_space<vmem>>[vector<16xi32>], vector<16xf32>,
        %parallel_loop3A_567 = arith.mulf %parallel_loop3A_312, %parallel_loop3A_566 : vector<16xf32>
        %parallel_loop3A_568 = arith.addi %parallel_loop3A_313, %parallel_loop3A_543 : vector<16xi32>
        %parallel_loop3A_569 = tpu.vector_load_idx %arg5[%parallel_loop3A_568] : memref<65536xf32, #tpu.memory_space<vmem>>[vector<16xi32>], vector<16xf32>,
        %parallel_loop3A_570 = arith.mulf %parallel_loop3A_317, %parallel_loop3A_569 : vector<16xf32>
        %parallel_loop3A_571 = arith.addi %parallel_loop3A_314, %parallel_loop3A_543 : vector<16xi32>
        %parallel_loop3A_572 = tpu.vector_load_idx %arg5[%parallel_loop3A_571] : memref<65536xf32, #tpu.memory_space<vmem>>[vector<16xi32>], vector<16xf32>,
        %parallel_loop3A_573 = arith.mulf %parallel_loop3A_318, %parallel_loop3A_572 : vector<16xf32>
        %parallel_loop3A_574 = arith.addi %parallel_loop3A_315, %parallel_loop3A_543 : vector<16xi32>
        %parallel_loop3A_575 = tpu.vector_load_idx %arg5[%parallel_loop3A_574] : memref<65536xf32, #tpu.memory_space<vmem>>[vector<16xi32>], vector<16xf32>,
        %parallel_loop3A_576 = arith.mulf %parallel_loop3A_319, %parallel_loop3A_575 : vector<16xf32>
        %parallel_loop3A_577 = arith.addi %parallel_loop3A_316, %parallel_loop3A_543 : vector<16xi32>
        %parallel_loop3A_578 = tpu.vector_load_idx %arg5[%parallel_loop3A_577] : memref<65536xf32, #tpu.memory_space<vmem>>[vector<16xi32>], vector<16xf32>,
        %parallel_loop3A_579 = arith.mulf %parallel_loop3A_320, %parallel_loop3A_578 : vector<16xf32>
        %parallel_loop3A_580 = arith.addi %parallel_loop3A_321, %parallel_loop3A_543 : vector<16xi32>
        %parallel_loop3A_581 = tpu.vector_load_idx %arg5[%parallel_loop3A_580] : memref<65536xf32, #tpu.memory_space<vmem>>[vector<16xi32>], vector<16xf32>,
        %parallel_loop3A_582 = arith.mulf %parallel_loop3A_325, %parallel_loop3A_581 : vector<16xf32>
        %parallel_loop3A_583 = arith.addi %parallel_loop3A_322, %parallel_loop3A_543 : vector<16xi32>
        %parallel_loop3A_584 = tpu.vector_load_idx %arg5[%parallel_loop3A_583] : memref<65536xf32, #tpu.memory_space<vmem>>[vector<16xi32>], vector<16xf32>,
        %parallel_loop3A_585 = arith.mulf %parallel_loop3A_326, %parallel_loop3A_584 : vector<16xf32>
        %parallel_loop3A_586 = arith.addi %parallel_loop3A_323, %parallel_loop3A_543 : vector<16xi32>
        %parallel_loop3A_587 = tpu.vector_load_idx %arg5[%parallel_loop3A_586] : memref<65536xf32, #tpu.memory_space<vmem>>[vector<16xi32>], vector<16xf32>,
        %parallel_loop3A_588 = arith.mulf %parallel_loop3A_327, %parallel_loop3A_587 : vector<16xf32>
        %parallel_loop3A_589 = arith.addi %parallel_loop3A_324, %parallel_loop3A_543 : vector<16xi32>
        %parallel_loop3A_590 = tpu.vector_load_idx %arg5[%parallel_loop3A_589] : memref<65536xf32, #tpu.memory_space<vmem>>[vector<16xi32>], vector<16xf32>,
        %parallel_loop3A_591 = arith.mulf %parallel_loop3A_328, %parallel_loop3A_590 : vector<16xf32>
        %parallel_loop3A_592 = arith.addf %parallel_loop3A_546, %parallel_loop3A_549 : vector<16xf32>
        %parallel_loop3A_593 = arith.addf %parallel_loop3A_552, %parallel_loop3A_555 : vector<16xf32>
        %parallel_loop3A_594 = arith.addf %parallel_loop3A_558, %parallel_loop3A_561 : vector<16xf32>
        %parallel_loop3A_595 = arith.addf %parallel_loop3A_564, %parallel_loop3A_567 : vector<16xf32>
        %parallel_loop3A_596 = arith.addf %parallel_loop3A_570, %parallel_loop3A_573 : vector<16xf32>
        %parallel_loop3A_597 = arith.addf %parallel_loop3A_576, %parallel_loop3A_579 : vector<16xf32>
        %parallel_loop3A_598 = arith.addf %parallel_loop3A_582, %parallel_loop3A_585 : vector<16xf32>
        %parallel_loop3A_599 = arith.addf %parallel_loop3A_588, %parallel_loop3A_591 : vector<16xf32>
        %parallel_loop3A_600 = arith.addf %parallel_loop3A_592, %parallel_loop3A_593 : vector<16xf32>
        %parallel_loop3A_601 = arith.addf %parallel_loop3A_594, %parallel_loop3A_595 : vector<16xf32>
        %parallel_loop3A_602 = arith.addf %parallel_loop3A_596, %parallel_loop3A_597 : vector<16xf32>
        %parallel_loop3A_603 = arith.addf %parallel_loop3A_598, %parallel_loop3A_599 : vector<16xf32>
        %parallel_loop3A_604 = arith.addf %parallel_loop3A_600, %parallel_loop3A_601 : vector<16xf32>
        %parallel_loop3A_605 = arith.addf %parallel_loop3A_602, %parallel_loop3A_603 : vector<16xf32>
        %parallel_loop3A_606 = arith.addf %parallel_loop3A_604, %parallel_loop3A_605 : vector<16xf32>
        %parallel_loop3A_607 = arith.constant 147 : i32
        %parallel_loop3A_608 = arith.addi %parallel_loop3A_607, %parallel_loop3A_157 : i32
        %parallel_loop3A_609 = arith.index_cast %and3A_73 : i32 to index
        %parallel_loop3A_610 = arith.index_cast %parallel_loop3A_608 : i32 to index
        %parallel_loop3A_611 = arith.constant 0 : index
        %parallel_loop3A_612 = tpu.vector_load %arg9[%parallel_loop3A_609, %parallel_loop3A_610, %parallel_loop3A_611] {strides = array<i32>} : memref<2x392x16xf32, #tpu.memory_space<vmem>>, vector<16xf32>,
        tpu.vector_store %arg9[%parallel_loop3A_609, %parallel_loop3A_610, %parallel_loop3A_611], %parallel_loop3A_606 {strides = array<i32>} : memref<2x392x16xf32, #tpu.memory_space<vmem>>, vector<16xf32>,
        %parallel_loop3A_613 = arith.constant 16384 : i32
        %parallel_loop3A_614 = vector.broadcast %parallel_loop3A_613 : i32 to vector<16xi32>
        %parallel_loop3A_615 = arith.addi %parallel_loop3A_297, %parallel_loop3A_614 : vector<16xi32>
        %parallel_loop3A_616 = tpu.vector_load_idx %arg5[%parallel_loop3A_615] : memref<65536xf32, #tpu.memory_space<vmem>>[vector<16xi32>], vector<16xf32>,
        %parallel_loop3A_617 = arith.mulf %parallel_loop3A_301, %parallel_loop3A_616 : vector<16xf32>
        %parallel_loop3A_618 = arith.addi %parallel_loop3A_298, %parallel_loop3A_614 : vector<16xi32>
        %parallel_loop3A_619 = tpu.vector_load_idx %arg5[%parallel_loop3A_618] : memref<65536xf32, #tpu.memory_space<vmem>>[vector<16xi32>], vector<16xf32>,
        %parallel_loop3A_620 = arith.mulf %parallel_loop3A_302, %parallel_loop3A_619 : vector<16xf32>
        %parallel_loop3A_621 = arith.addi %parallel_loop3A_299, %parallel_loop3A_614 : vector<16xi32>
        %parallel_loop3A_622 = tpu.vector_load_idx %arg5[%parallel_loop3A_621] : memref<65536xf32, #tpu.memory_space<vmem>>[vector<16xi32>], vector<16xf32>,
        %parallel_loop3A_623 = arith.mulf %parallel_loop3A_303, %parallel_loop3A_622 : vector<16xf32>
        %parallel_loop3A_624 = arith.addi %parallel_loop3A_300, %parallel_loop3A_614 : vector<16xi32>
        %parallel_loop3A_625 = tpu.vector_load_idx %arg5[%parallel_loop3A_624] : memref<65536xf32, #tpu.memory_space<vmem>>[vector<16xi32>], vector<16xf32>,
        %parallel_loop3A_626 = arith.mulf %parallel_loop3A_304, %parallel_loop3A_625 : vector<16xf32>
        %parallel_loop3A_627 = arith.addi %parallel_loop3A_305, %parallel_loop3A_614 : vector<16xi32>
        %parallel_loop3A_628 = tpu.vector_load_idx %arg5[%parallel_loop3A_627] : memref<65536xf32, #tpu.memory_space<vmem>>[vector<16xi32>], vector<16xf32>,
        %parallel_loop3A_629 = arith.mulf %parallel_loop3A_309, %parallel_loop3A_628 : vector<16xf32>
        %parallel_loop3A_630 = arith.addi %parallel_loop3A_306, %parallel_loop3A_614 : vector<16xi32>
        %parallel_loop3A_631 = tpu.vector_load_idx %arg5[%parallel_loop3A_630] : memref<65536xf32, #tpu.memory_space<vmem>>[vector<16xi32>], vector<16xf32>,
        %parallel_loop3A_632 = arith.mulf %parallel_loop3A_310, %parallel_loop3A_631 : vector<16xf32>
        %parallel_loop3A_633 = arith.addi %parallel_loop3A_307, %parallel_loop3A_614 : vector<16xi32>
        %parallel_loop3A_634 = tpu.vector_load_idx %arg5[%parallel_loop3A_633] : memref<65536xf32, #tpu.memory_space<vmem>>[vector<16xi32>], vector<16xf32>,
        %parallel_loop3A_635 = arith.mulf %parallel_loop3A_311, %parallel_loop3A_634 : vector<16xf32>
        %parallel_loop3A_636 = arith.addi %parallel_loop3A_308, %parallel_loop3A_614 : vector<16xi32>
        %parallel_loop3A_637 = tpu.vector_load_idx %arg5[%parallel_loop3A_636] : memref<65536xf32, #tpu.memory_space<vmem>>[vector<16xi32>], vector<16xf32>,
        %parallel_loop3A_638 = arith.mulf %parallel_loop3A_312, %parallel_loop3A_637 : vector<16xf32>
        %parallel_loop3A_639 = arith.addi %parallel_loop3A_313, %parallel_loop3A_614 : vector<16xi32>
        %parallel_loop3A_640 = tpu.vector_load_idx %arg5[%parallel_loop3A_639] : memref<65536xf32, #tpu.memory_space<vmem>>[vector<16xi32>], vector<16xf32>,
        %parallel_loop3A_641 = arith.mulf %parallel_loop3A_317, %parallel_loop3A_640 : vector<16xf32>
        %parallel_loop3A_642 = arith.addi %parallel_loop3A_314, %parallel_loop3A_614 : vector<16xi32>
        %parallel_loop3A_643 = tpu.vector_load_idx %arg5[%parallel_loop3A_642] : memref<65536xf32, #tpu.memory_space<vmem>>[vector<16xi32>], vector<16xf32>,
        %parallel_loop3A_644 = arith.mulf %parallel_loop3A_318, %parallel_loop3A_643 : vector<16xf32>
        %parallel_loop3A_645 = arith.addi %parallel_loop3A_315, %parallel_loop3A_614 : vector<16xi32>
        %parallel_loop3A_646 = tpu.vector_load_idx %arg5[%parallel_loop3A_645] : memref<65536xf32, #tpu.memory_space<vmem>>[vector<16xi32>], vector<16xf32>,
        %parallel_loop3A_647 = arith.mulf %parallel_loop3A_319, %parallel_loop3A_646 : vector<16xf32>
        %parallel_loop3A_648 = arith.addi %parallel_loop3A_316, %parallel_loop3A_614 : vector<16xi32>
        %parallel_loop3A_649 = tpu.vector_load_idx %arg5[%parallel_loop3A_648] : memref<65536xf32, #tpu.memory_space<vmem>>[vector<16xi32>], vector<16xf32>,
        %parallel_loop3A_650 = arith.mulf %parallel_loop3A_320, %parallel_loop3A_649 : vector<16xf32>
        %parallel_loop3A_651 = arith.addi %parallel_loop3A_321, %parallel_loop3A_614 : vector<16xi32>
        %parallel_loop3A_652 = tpu.vector_load_idx %arg5[%parallel_loop3A_651] : memref<65536xf32, #tpu.memory_space<vmem>>[vector<16xi32>], vector<16xf32>,
        %parallel_loop3A_653 = arith.mulf %parallel_loop3A_325, %parallel_loop3A_652 : vector<16xf32>
        %parallel_loop3A_654 = arith.addi %parallel_loop3A_322, %parallel_loop3A_614 : vector<16xi32>
        %parallel_loop3A_655 = tpu.vector_load_idx %arg5[%parallel_loop3A_654] : memref<65536xf32, #tpu.memory_space<vmem>>[vector<16xi32>], vector<16xf32>,
        %parallel_loop3A_656 = arith.mulf %parallel_loop3A_326, %parallel_loop3A_655 : vector<16xf32>
        %parallel_loop3A_657 = arith.addi %parallel_loop3A_323, %parallel_loop3A_614 : vector<16xi32>
        %parallel_loop3A_658 = tpu.vector_load_idx %arg5[%parallel_loop3A_657] : memref<65536xf32, #tpu.memory_space<vmem>>[vector<16xi32>], vector<16xf32>,
        %parallel_loop3A_659 = arith.mulf %parallel_loop3A_327, %parallel_loop3A_658 : vector<16xf32>
        %parallel_loop3A_660 = arith.addi %parallel_loop3A_324, %parallel_loop3A_614 : vector<16xi32>
        %parallel_loop3A_661 = tpu.vector_load_idx %arg5[%parallel_loop3A_660] : memref<65536xf32, #tpu.memory_space<vmem>>[vector<16xi32>], vector<16xf32>,
        %parallel_loop3A_662 = arith.mulf %parallel_loop3A_328, %parallel_loop3A_661 : vector<16xf32>
        %parallel_loop3A_663 = arith.addf %parallel_loop3A_617, %parallel_loop3A_620 : vector<16xf32>
        %parallel_loop3A_664 = arith.addf %parallel_loop3A_623, %parallel_loop3A_626 : vector<16xf32>
        %parallel_loop3A_665 = arith.addf %parallel_loop3A_629, %parallel_loop3A_632 : vector<16xf32>
        %parallel_loop3A_666 = arith.addf %parallel_loop3A_635, %parallel_loop3A_638 : vector<16xf32>
        %parallel_loop3A_667 = arith.addf %parallel_loop3A_641, %parallel_loop3A_644 : vector<16xf32>
        %parallel_loop3A_668 = arith.addf %parallel_loop3A_647, %parallel_loop3A_650 : vector<16xf32>
        %parallel_loop3A_669 = arith.addf %parallel_loop3A_653, %parallel_loop3A_656 : vector<16xf32>
        %parallel_loop3A_670 = arith.addf %parallel_loop3A_659, %parallel_loop3A_662 : vector<16xf32>
        %parallel_loop3A_671 = arith.addf %parallel_loop3A_663, %parallel_loop3A_664 : vector<16xf32>
        %parallel_loop3A_672 = arith.addf %parallel_loop3A_665, %parallel_loop3A_666 : vector<16xf32>
        %parallel_loop3A_673 = arith.addf %parallel_loop3A_667, %parallel_loop3A_668 : vector<16xf32>
        %parallel_loop3A_674 = arith.addf %parallel_loop3A_669, %parallel_loop3A_670 : vector<16xf32>
        %parallel_loop3A_675 = arith.addf %parallel_loop3A_671, %parallel_loop3A_672 : vector<16xf32>
        %parallel_loop3A_676 = arith.addf %parallel_loop3A_673, %parallel_loop3A_674 : vector<16xf32>
        %parallel_loop3A_677 = arith.addf %parallel_loop3A_675, %parallel_loop3A_676 : vector<16xf32>
        %parallel_loop3A_678 = arith.constant 196 : i32
        %parallel_loop3A_679 = arith.addi %parallel_loop3A_678, %parallel_loop3A_157 : i32
        %parallel_loop3A_680 = arith.index_cast %and3A_73 : i32 to index
        %parallel_loop3A_681 = arith.index_cast %parallel_loop3A_679 : i32 to index
        %parallel_loop3A_682 = arith.constant 0 : index
        %parallel_loop3A_683 = tpu.vector_load %arg9[%parallel_loop3A_680, %parallel_loop3A_681, %parallel_loop3A_682] {strides = array<i32>} : memref<2x392x16xf32, #tpu.memory_space<vmem>>, vector<16xf32>,
        tpu.vector_store %arg9[%parallel_loop3A_680, %parallel_loop3A_681, %parallel_loop3A_682], %parallel_loop3A_677 {strides = array<i32>} : memref<2x392x16xf32, #tpu.memory_space<vmem>>, vector<16xf32>,
        %parallel_loop3A_684 = arith.constant 20480 : i32
        %parallel_loop3A_685 = vector.broadcast %parallel_loop3A_684 : i32 to vector<16xi32>
        %parallel_loop3A_686 = arith.addi %parallel_loop3A_297, %parallel_loop3A_685 : vector<16xi32>
        %parallel_loop3A_687 = tpu.vector_load_idx %arg5[%parallel_loop3A_686] : memref<65536xf32, #tpu.memory_space<vmem>>[vector<16xi32>], vector<16xf32>,
        %parallel_loop3A_688 = arith.mulf %parallel_loop3A_301, %parallel_loop3A_687 : vector<16xf32>
        %parallel_loop3A_689 = arith.addi %parallel_loop3A_298, %parallel_loop3A_685 : vector<16xi32>
        %parallel_loop3A_690 = tpu.vector_load_idx %arg5[%parallel_loop3A_689] : memref<65536xf32, #tpu.memory_space<vmem>>[vector<16xi32>], vector<16xf32>,
        %parallel_loop3A_691 = arith.mulf %parallel_loop3A_302, %parallel_loop3A_690 : vector<16xf32>
        %parallel_loop3A_692 = arith.addi %parallel_loop3A_299, %parallel_loop3A_685 : vector<16xi32>
        %parallel_loop3A_693 = tpu.vector_load_idx %arg5[%parallel_loop3A_692] : memref<65536xf32, #tpu.memory_space<vmem>>[vector<16xi32>], vector<16xf32>,
        %parallel_loop3A_694 = arith.mulf %parallel_loop3A_303, %parallel_loop3A_693 : vector<16xf32>
        %parallel_loop3A_695 = arith.addi %parallel_loop3A_300, %parallel_loop3A_685 : vector<16xi32>
        %parallel_loop3A_696 = tpu.vector_load_idx %arg5[%parallel_loop3A_695] : memref<65536xf32, #tpu.memory_space<vmem>>[vector<16xi32>], vector<16xf32>,
        %parallel_loop3A_697 = arith.mulf %parallel_loop3A_304, %parallel_loop3A_696 : vector<16xf32>
        %parallel_loop3A_698 = arith.addi %parallel_loop3A_305, %parallel_loop3A_685 : vector<16xi32>
        %parallel_loop3A_699 = tpu.vector_load_idx %arg5[%parallel_loop3A_698] : memref<65536xf32, #tpu.memory_space<vmem>>[vector<16xi32>], vector<16xf32>,
        %parallel_loop3A_700 = arith.mulf %parallel_loop3A_309, %parallel_loop3A_699 : vector<16xf32>
        %parallel_loop3A_701 = arith.addi %parallel_loop3A_306, %parallel_loop3A_685 : vector<16xi32>
        %parallel_loop3A_702 = tpu.vector_load_idx %arg5[%parallel_loop3A_701] : memref<65536xf32, #tpu.memory_space<vmem>>[vector<16xi32>], vector<16xf32>,
        %parallel_loop3A_703 = arith.mulf %parallel_loop3A_310, %parallel_loop3A_702 : vector<16xf32>
        %parallel_loop3A_704 = arith.addi %parallel_loop3A_307, %parallel_loop3A_685 : vector<16xi32>
        %parallel_loop3A_705 = tpu.vector_load_idx %arg5[%parallel_loop3A_704] : memref<65536xf32, #tpu.memory_space<vmem>>[vector<16xi32>], vector<16xf32>,
        %parallel_loop3A_706 = arith.mulf %parallel_loop3A_311, %parallel_loop3A_705 : vector<16xf32>
        %parallel_loop3A_707 = arith.addi %parallel_loop3A_308, %parallel_loop3A_685 : vector<16xi32>
        %parallel_loop3A_708 = tpu.vector_load_idx %arg5[%parallel_loop3A_707] : memref<65536xf32, #tpu.memory_space<vmem>>[vector<16xi32>], vector<16xf32>,
        %parallel_loop3A_709 = arith.mulf %parallel_loop3A_312, %parallel_loop3A_708 : vector<16xf32>
        %parallel_loop3A_710 = arith.addi %parallel_loop3A_313, %parallel_loop3A_685 : vector<16xi32>
        %parallel_loop3A_711 = tpu.vector_load_idx %arg5[%parallel_loop3A_710] : memref<65536xf32, #tpu.memory_space<vmem>>[vector<16xi32>], vector<16xf32>,
        %parallel_loop3A_712 = arith.mulf %parallel_loop3A_317, %parallel_loop3A_711 : vector<16xf32>
        %parallel_loop3A_713 = arith.addi %parallel_loop3A_314, %parallel_loop3A_685 : vector<16xi32>
        %parallel_loop3A_714 = tpu.vector_load_idx %arg5[%parallel_loop3A_713] : memref<65536xf32, #tpu.memory_space<vmem>>[vector<16xi32>], vector<16xf32>,
        %parallel_loop3A_715 = arith.mulf %parallel_loop3A_318, %parallel_loop3A_714 : vector<16xf32>
        %parallel_loop3A_716 = arith.addi %parallel_loop3A_315, %parallel_loop3A_685 : vector<16xi32>
        %parallel_loop3A_717 = tpu.vector_load_idx %arg5[%parallel_loop3A_716] : memref<65536xf32, #tpu.memory_space<vmem>>[vector<16xi32>], vector<16xf32>,
        %parallel_loop3A_718 = arith.mulf %parallel_loop3A_319, %parallel_loop3A_717 : vector<16xf32>
        %parallel_loop3A_719 = arith.addi %parallel_loop3A_316, %parallel_loop3A_685 : vector<16xi32>
        %parallel_loop3A_720 = tpu.vector_load_idx %arg5[%parallel_loop3A_719] : memref<65536xf32, #tpu.memory_space<vmem>>[vector<16xi32>], vector<16xf32>,
        %parallel_loop3A_721 = arith.mulf %parallel_loop3A_320, %parallel_loop3A_720 : vector<16xf32>
        %parallel_loop3A_722 = arith.addi %parallel_loop3A_321, %parallel_loop3A_685 : vector<16xi32>
        %parallel_loop3A_723 = tpu.vector_load_idx %arg5[%parallel_loop3A_722] : memref<65536xf32, #tpu.memory_space<vmem>>[vector<16xi32>], vector<16xf32>,
        %parallel_loop3A_724 = arith.mulf %parallel_loop3A_325, %parallel_loop3A_723 : vector<16xf32>
        %parallel_loop3A_725 = arith.addi %parallel_loop3A_322, %parallel_loop3A_685 : vector<16xi32>
        %parallel_loop3A_726 = tpu.vector_load_idx %arg5[%parallel_loop3A_725] : memref<65536xf32, #tpu.memory_space<vmem>>[vector<16xi32>], vector<16xf32>,
        %parallel_loop3A_727 = arith.mulf %parallel_loop3A_326, %parallel_loop3A_726 : vector<16xf32>
        %parallel_loop3A_728 = arith.addi %parallel_loop3A_323, %parallel_loop3A_685 : vector<16xi32>
        %parallel_loop3A_729 = tpu.vector_load_idx %arg5[%parallel_loop3A_728] : memref<65536xf32, #tpu.memory_space<vmem>>[vector<16xi32>], vector<16xf32>,
        %parallel_loop3A_730 = arith.mulf %parallel_loop3A_327, %parallel_loop3A_729 : vector<16xf32>
        %parallel_loop3A_731 = arith.addi %parallel_loop3A_324, %parallel_loop3A_685 : vector<16xi32>
        %parallel_loop3A_732 = tpu.vector_load_idx %arg5[%parallel_loop3A_731] : memref<65536xf32, #tpu.memory_space<vmem>>[vector<16xi32>], vector<16xf32>,
        %parallel_loop3A_733 = arith.mulf %parallel_loop3A_328, %parallel_loop3A_732 : vector<16xf32>
        %parallel_loop3A_734 = arith.addf %parallel_loop3A_688, %parallel_loop3A_691 : vector<16xf32>
        %parallel_loop3A_735 = arith.addf %parallel_loop3A_694, %parallel_loop3A_697 : vector<16xf32>
        %parallel_loop3A_736 = arith.addf %parallel_loop3A_700, %parallel_loop3A_703 : vector<16xf32>
        %parallel_loop3A_737 = arith.addf %parallel_loop3A_706, %parallel_loop3A_709 : vector<16xf32>
        %parallel_loop3A_738 = arith.addf %parallel_loop3A_712, %parallel_loop3A_715 : vector<16xf32>
        %parallel_loop3A_739 = arith.addf %parallel_loop3A_718, %parallel_loop3A_721 : vector<16xf32>
        %parallel_loop3A_740 = arith.addf %parallel_loop3A_724, %parallel_loop3A_727 : vector<16xf32>
        %parallel_loop3A_741 = arith.addf %parallel_loop3A_730, %parallel_loop3A_733 : vector<16xf32>
        %parallel_loop3A_742 = arith.addf %parallel_loop3A_734, %parallel_loop3A_735 : vector<16xf32>
        %parallel_loop3A_743 = arith.addf %parallel_loop3A_736, %parallel_loop3A_737 : vector<16xf32>
        %parallel_loop3A_744 = arith.addf %parallel_loop3A_738, %parallel_loop3A_739 : vector<16xf32>
        %parallel_loop3A_745 = arith.addf %parallel_loop3A_740, %parallel_loop3A_741 : vector<16xf32>
        %parallel_loop3A_746 = arith.addf %parallel_loop3A_742, %parallel_loop3A_743 : vector<16xf32>
        %parallel_loop3A_747 = arith.addf %parallel_loop3A_744, %parallel_loop3A_745 : vector<16xf32>
        %parallel_loop3A_748 = arith.addf %parallel_loop3A_746, %parallel_loop3A_747 : vector<16xf32>
        %parallel_loop3A_749 = arith.constant 245 : i32
        %parallel_loop3A_750 = arith.addi %parallel_loop3A_749, %parallel_loop3A_157 : i32
        %parallel_loop3A_751 = arith.index_cast %and3A_73 : i32 to index
        %parallel_loop3A_752 = arith.index_cast %parallel_loop3A_750 : i32 to index
        %parallel_loop3A_753 = arith.constant 0 : index
        %parallel_loop3A_754 = tpu.vector_load %arg9[%parallel_loop3A_751, %parallel_loop3A_752, %parallel_loop3A_753] {strides = array<i32>} : memref<2x392x16xf32, #tpu.memory_space<vmem>>, vector<16xf32>,
        tpu.vector_store %arg9[%parallel_loop3A_751, %parallel_loop3A_752, %parallel_loop3A_753], %parallel_loop3A_748 {strides = array<i32>} : memref<2x392x16xf32, #tpu.memory_space<vmem>>, vector<16xf32>,
        %parallel_loop3A_755 = arith.constant 24576 : i32
        %parallel_loop3A_756 = vector.broadcast %parallel_loop3A_755 : i32 to vector<16xi32>
        %parallel_loop3A_757 = arith.addi %parallel_loop3A_297, %parallel_loop3A_756 : vector<16xi32>
        %parallel_loop3A_758 = tpu.vector_load_idx %arg5[%parallel_loop3A_757] : memref<65536xf32, #tpu.memory_space<vmem>>[vector<16xi32>], vector<16xf32>,
        %parallel_loop3A_759 = arith.mulf %parallel_loop3A_301, %parallel_loop3A_758 : vector<16xf32>
        %parallel_loop3A_760 = arith.addi %parallel_loop3A_298, %parallel_loop3A_756 : vector<16xi32>
        %parallel_loop3A_761 = tpu.vector_load_idx %arg5[%parallel_loop3A_760] : memref<65536xf32, #tpu.memory_space<vmem>>[vector<16xi32>], vector<16xf32>,
        %parallel_loop3A_762 = arith.mulf %parallel_loop3A_302, %parallel_loop3A_761 : vector<16xf32>
        %parallel_loop3A_763 = arith.addi %parallel_loop3A_299, %parallel_loop3A_756 : vector<16xi32>
        %parallel_loop3A_764 = tpu.vector_load_idx %arg5[%parallel_loop3A_763] : memref<65536xf32, #tpu.memory_space<vmem>>[vector<16xi32>], vector<16xf32>,
        %parallel_loop3A_765 = arith.mulf %parallel_loop3A_303, %parallel_loop3A_764 : vector<16xf32>
        %parallel_loop3A_766 = arith.addi %parallel_loop3A_300, %parallel_loop3A_756 : vector<16xi32>
        %parallel_loop3A_767 = tpu.vector_load_idx %arg5[%parallel_loop3A_766] : memref<65536xf32, #tpu.memory_space<vmem>>[vector<16xi32>], vector<16xf32>,
        %parallel_loop3A_768 = arith.mulf %parallel_loop3A_304, %parallel_loop3A_767 : vector<16xf32>
        %parallel_loop3A_769 = arith.addi %parallel_loop3A_305, %parallel_loop3A_756 : vector<16xi32>
        %parallel_loop3A_770 = tpu.vector_load_idx %arg5[%parallel_loop3A_769] : memref<65536xf32, #tpu.memory_space<vmem>>[vector<16xi32>], vector<16xf32>,
        %parallel_loop3A_771 = arith.mulf %parallel_loop3A_309, %parallel_loop3A_770 : vector<16xf32>
        %parallel_loop3A_772 = arith.addi %parallel_loop3A_306, %parallel_loop3A_756 : vector<16xi32>
        %parallel_loop3A_773 = tpu.vector_load_idx %arg5[%parallel_loop3A_772] : memref<65536xf32, #tpu.memory_space<vmem>>[vector<16xi32>], vector<16xf32>,
        %parallel_loop3A_774 = arith.mulf %parallel_loop3A_310, %parallel_loop3A_773 : vector<16xf32>
        %parallel_loop3A_775 = arith.addi %parallel_loop3A_307, %parallel_loop3A_756 : vector<16xi32>
        %parallel_loop3A_776 = tpu.vector_load_idx %arg5[%parallel_loop3A_775] : memref<65536xf32, #tpu.memory_space<vmem>>[vector<16xi32>], vector<16xf32>,
        %parallel_loop3A_777 = arith.mulf %parallel_loop3A_311, %parallel_loop3A_776 : vector<16xf32>
        %parallel_loop3A_778 = arith.addi %parallel_loop3A_308, %parallel_loop3A_756 : vector<16xi32>
        %parallel_loop3A_779 = tpu.vector_load_idx %arg5[%parallel_loop3A_778] : memref<65536xf32, #tpu.memory_space<vmem>>[vector<16xi32>], vector<16xf32>,
        %parallel_loop3A_780 = arith.mulf %parallel_loop3A_312, %parallel_loop3A_779 : vector<16xf32>
        %parallel_loop3A_781 = arith.addi %parallel_loop3A_313, %parallel_loop3A_756 : vector<16xi32>
        %parallel_loop3A_782 = tpu.vector_load_idx %arg5[%parallel_loop3A_781] : memref<65536xf32, #tpu.memory_space<vmem>>[vector<16xi32>], vector<16xf32>,
        %parallel_loop3A_783 = arith.mulf %parallel_loop3A_317, %parallel_loop3A_782 : vector<16xf32>
        %parallel_loop3A_784 = arith.addi %parallel_loop3A_314, %parallel_loop3A_756 : vector<16xi32>
        %parallel_loop3A_785 = tpu.vector_load_idx %arg5[%parallel_loop3A_784] : memref<65536xf32, #tpu.memory_space<vmem>>[vector<16xi32>], vector<16xf32>,
        %parallel_loop3A_786 = arith.mulf %parallel_loop3A_318, %parallel_loop3A_785 : vector<16xf32>
        %parallel_loop3A_787 = arith.addi %parallel_loop3A_315, %parallel_loop3A_756 : vector<16xi32>
        %parallel_loop3A_788 = tpu.vector_load_idx %arg5[%parallel_loop3A_787] : memref<65536xf32, #tpu.memory_space<vmem>>[vector<16xi32>], vector<16xf32>,
        %parallel_loop3A_789 = arith.mulf %parallel_loop3A_319, %parallel_loop3A_788 : vector<16xf32>
        %parallel_loop3A_790 = arith.addi %parallel_loop3A_316, %parallel_loop3A_756 : vector<16xi32>
        %parallel_loop3A_791 = tpu.vector_load_idx %arg5[%parallel_loop3A_790] : memref<65536xf32, #tpu.memory_space<vmem>>[vector<16xi32>], vector<16xf32>,
        %parallel_loop3A_792 = arith.mulf %parallel_loop3A_320, %parallel_loop3A_791 : vector<16xf32>
        %parallel_loop3A_793 = arith.addi %parallel_loop3A_321, %parallel_loop3A_756 : vector<16xi32>
        %parallel_loop3A_794 = tpu.vector_load_idx %arg5[%parallel_loop3A_793] : memref<65536xf32, #tpu.memory_space<vmem>>[vector<16xi32>], vector<16xf32>,
        %parallel_loop3A_795 = arith.mulf %parallel_loop3A_325, %parallel_loop3A_794 : vector<16xf32>
        %parallel_loop3A_796 = arith.addi %parallel_loop3A_322, %parallel_loop3A_756 : vector<16xi32>
        %parallel_loop3A_797 = tpu.vector_load_idx %arg5[%parallel_loop3A_796] : memref<65536xf32, #tpu.memory_space<vmem>>[vector<16xi32>], vector<16xf32>,
        %parallel_loop3A_798 = arith.mulf %parallel_loop3A_326, %parallel_loop3A_797 : vector<16xf32>
        %parallel_loop3A_799 = arith.addi %parallel_loop3A_323, %parallel_loop3A_756 : vector<16xi32>
        %parallel_loop3A_800 = tpu.vector_load_idx %arg5[%parallel_loop3A_799] : memref<65536xf32, #tpu.memory_space<vmem>>[vector<16xi32>], vector<16xf32>,
        %parallel_loop3A_801 = arith.mulf %parallel_loop3A_327, %parallel_loop3A_800 : vector<16xf32>
        %parallel_loop3A_802 = arith.addi %parallel_loop3A_324, %parallel_loop3A_756 : vector<16xi32>
        %parallel_loop3A_803 = tpu.vector_load_idx %arg5[%parallel_loop3A_802] : memref<65536xf32, #tpu.memory_space<vmem>>[vector<16xi32>], vector<16xf32>,
        %parallel_loop3A_804 = arith.mulf %parallel_loop3A_328, %parallel_loop3A_803 : vector<16xf32>
        %parallel_loop3A_805 = arith.addf %parallel_loop3A_759, %parallel_loop3A_762 : vector<16xf32>
        %parallel_loop3A_806 = arith.addf %parallel_loop3A_765, %parallel_loop3A_768 : vector<16xf32>
        %parallel_loop3A_807 = arith.addf %parallel_loop3A_771, %parallel_loop3A_774 : vector<16xf32>
        %parallel_loop3A_808 = arith.addf %parallel_loop3A_777, %parallel_loop3A_780 : vector<16xf32>
        %parallel_loop3A_809 = arith.addf %parallel_loop3A_783, %parallel_loop3A_786 : vector<16xf32>
        %parallel_loop3A_810 = arith.addf %parallel_loop3A_789, %parallel_loop3A_792 : vector<16xf32>
        %parallel_loop3A_811 = arith.addf %parallel_loop3A_795, %parallel_loop3A_798 : vector<16xf32>
        %parallel_loop3A_812 = arith.addf %parallel_loop3A_801, %parallel_loop3A_804 : vector<16xf32>
        %parallel_loop3A_813 = arith.addf %parallel_loop3A_805, %parallel_loop3A_806 : vector<16xf32>
        %parallel_loop3A_814 = arith.addf %parallel_loop3A_807, %parallel_loop3A_808 : vector<16xf32>
        %parallel_loop3A_815 = arith.addf %parallel_loop3A_809, %parallel_loop3A_810 : vector<16xf32>
        %parallel_loop3A_816 = arith.addf %parallel_loop3A_811, %parallel_loop3A_812 : vector<16xf32>
        %parallel_loop3A_817 = arith.addf %parallel_loop3A_813, %parallel_loop3A_814 : vector<16xf32>
        %parallel_loop3A_818 = arith.addf %parallel_loop3A_815, %parallel_loop3A_816 : vector<16xf32>
        %parallel_loop3A_819 = arith.addf %parallel_loop3A_817, %parallel_loop3A_818 : vector<16xf32>
        %parallel_loop3A_820 = arith.constant 294 : i32
        %parallel_loop3A_821 = arith.addi %parallel_loop3A_820, %parallel_loop3A_157 : i32
        %parallel_loop3A_822 = arith.index_cast %and3A_73 : i32 to index
        %parallel_loop3A_823 = arith.index_cast %parallel_loop3A_821 : i32 to index
        %parallel_loop3A_824 = arith.constant 0 : index
        %parallel_loop3A_825 = tpu.vector_load %arg9[%parallel_loop3A_822, %parallel_loop3A_823, %parallel_loop3A_824] {strides = array<i32>} : memref<2x392x16xf32, #tpu.memory_space<vmem>>, vector<16xf32>,
        tpu.vector_store %arg9[%parallel_loop3A_822, %parallel_loop3A_823, %parallel_loop3A_824], %parallel_loop3A_819 {strides = array<i32>} : memref<2x392x16xf32, #tpu.memory_space<vmem>>, vector<16xf32>,
        %parallel_loop3A_826 = arith.constant 28672 : i32
        %parallel_loop3A_827 = vector.broadcast %parallel_loop3A_826 : i32 to vector<16xi32>
        %parallel_loop3A_828 = arith.addi %parallel_loop3A_297, %parallel_loop3A_827 : vector<16xi32>
        %parallel_loop3A_829 = tpu.vector_load_idx %arg5[%parallel_loop3A_828] : memref<65536xf32, #tpu.memory_space<vmem>>[vector<16xi32>], vector<16xf32>,
        %parallel_loop3A_830 = arith.mulf %parallel_loop3A_301, %parallel_loop3A_829 : vector<16xf32>
        %parallel_loop3A_831 = arith.addi %parallel_loop3A_298, %parallel_loop3A_827 : vector<16xi32>
        %parallel_loop3A_832 = tpu.vector_load_idx %arg5[%parallel_loop3A_831] : memref<65536xf32, #tpu.memory_space<vmem>>[vector<16xi32>], vector<16xf32>,
        %parallel_loop3A_833 = arith.mulf %parallel_loop3A_302, %parallel_loop3A_832 : vector<16xf32>
        %parallel_loop3A_834 = arith.addi %parallel_loop3A_299, %parallel_loop3A_827 : vector<16xi32>
        %parallel_loop3A_835 = tpu.vector_load_idx %arg5[%parallel_loop3A_834] : memref<65536xf32, #tpu.memory_space<vmem>>[vector<16xi32>], vector<16xf32>,
        %parallel_loop3A_836 = arith.mulf %parallel_loop3A_303, %parallel_loop3A_835 : vector<16xf32>
        %parallel_loop3A_837 = arith.addi %parallel_loop3A_300, %parallel_loop3A_827 : vector<16xi32>
        %parallel_loop3A_838 = tpu.vector_load_idx %arg5[%parallel_loop3A_837] : memref<65536xf32, #tpu.memory_space<vmem>>[vector<16xi32>], vector<16xf32>,
        %parallel_loop3A_839 = arith.mulf %parallel_loop3A_304, %parallel_loop3A_838 : vector<16xf32>
        %parallel_loop3A_840 = arith.addi %parallel_loop3A_305, %parallel_loop3A_827 : vector<16xi32>
        %parallel_loop3A_841 = tpu.vector_load_idx %arg5[%parallel_loop3A_840] : memref<65536xf32, #tpu.memory_space<vmem>>[vector<16xi32>], vector<16xf32>,
        %parallel_loop3A_842 = arith.mulf %parallel_loop3A_309, %parallel_loop3A_841 : vector<16xf32>
        %parallel_loop3A_843 = arith.addi %parallel_loop3A_306, %parallel_loop3A_827 : vector<16xi32>
        %parallel_loop3A_844 = tpu.vector_load_idx %arg5[%parallel_loop3A_843] : memref<65536xf32, #tpu.memory_space<vmem>>[vector<16xi32>], vector<16xf32>,
        %parallel_loop3A_845 = arith.mulf %parallel_loop3A_310, %parallel_loop3A_844 : vector<16xf32>
        %parallel_loop3A_846 = arith.addi %parallel_loop3A_307, %parallel_loop3A_827 : vector<16xi32>
        %parallel_loop3A_847 = tpu.vector_load_idx %arg5[%parallel_loop3A_846] : memref<65536xf32, #tpu.memory_space<vmem>>[vector<16xi32>], vector<16xf32>,
        %parallel_loop3A_848 = arith.mulf %parallel_loop3A_311, %parallel_loop3A_847 : vector<16xf32>
        %parallel_loop3A_849 = arith.addi %parallel_loop3A_308, %parallel_loop3A_827 : vector<16xi32>
        %parallel_loop3A_850 = tpu.vector_load_idx %arg5[%parallel_loop3A_849] : memref<65536xf32, #tpu.memory_space<vmem>>[vector<16xi32>], vector<16xf32>,
        %parallel_loop3A_851 = arith.mulf %parallel_loop3A_312, %parallel_loop3A_850 : vector<16xf32>
        %parallel_loop3A_852 = arith.addi %parallel_loop3A_313, %parallel_loop3A_827 : vector<16xi32>
        %parallel_loop3A_853 = tpu.vector_load_idx %arg5[%parallel_loop3A_852] : memref<65536xf32, #tpu.memory_space<vmem>>[vector<16xi32>], vector<16xf32>,
        %parallel_loop3A_854 = arith.mulf %parallel_loop3A_317, %parallel_loop3A_853 : vector<16xf32>
        %parallel_loop3A_855 = arith.addi %parallel_loop3A_314, %parallel_loop3A_827 : vector<16xi32>
        %parallel_loop3A_856 = tpu.vector_load_idx %arg5[%parallel_loop3A_855] : memref<65536xf32, #tpu.memory_space<vmem>>[vector<16xi32>], vector<16xf32>,
        %parallel_loop3A_857 = arith.mulf %parallel_loop3A_318, %parallel_loop3A_856 : vector<16xf32>
        %parallel_loop3A_858 = arith.addi %parallel_loop3A_315, %parallel_loop3A_827 : vector<16xi32>
        %parallel_loop3A_859 = tpu.vector_load_idx %arg5[%parallel_loop3A_858] : memref<65536xf32, #tpu.memory_space<vmem>>[vector<16xi32>], vector<16xf32>,
        %parallel_loop3A_860 = arith.mulf %parallel_loop3A_319, %parallel_loop3A_859 : vector<16xf32>
        %parallel_loop3A_861 = arith.addi %parallel_loop3A_316, %parallel_loop3A_827 : vector<16xi32>
        %parallel_loop3A_862 = tpu.vector_load_idx %arg5[%parallel_loop3A_861] : memref<65536xf32, #tpu.memory_space<vmem>>[vector<16xi32>], vector<16xf32>,
        %parallel_loop3A_863 = arith.mulf %parallel_loop3A_320, %parallel_loop3A_862 : vector<16xf32>
        %parallel_loop3A_864 = arith.addi %parallel_loop3A_321, %parallel_loop3A_827 : vector<16xi32>
        %parallel_loop3A_865 = tpu.vector_load_idx %arg5[%parallel_loop3A_864] : memref<65536xf32, #tpu.memory_space<vmem>>[vector<16xi32>], vector<16xf32>,
        %parallel_loop3A_866 = arith.mulf %parallel_loop3A_325, %parallel_loop3A_865 : vector<16xf32>
        %parallel_loop3A_867 = arith.addi %parallel_loop3A_322, %parallel_loop3A_827 : vector<16xi32>
        %parallel_loop3A_868 = tpu.vector_load_idx %arg5[%parallel_loop3A_867] : memref<65536xf32, #tpu.memory_space<vmem>>[vector<16xi32>], vector<16xf32>,
        %parallel_loop3A_869 = arith.mulf %parallel_loop3A_326, %parallel_loop3A_868 : vector<16xf32>
        %parallel_loop3A_870 = arith.addi %parallel_loop3A_323, %parallel_loop3A_827 : vector<16xi32>
        %parallel_loop3A_871 = tpu.vector_load_idx %arg5[%parallel_loop3A_870] : memref<65536xf32, #tpu.memory_space<vmem>>[vector<16xi32>], vector<16xf32>,
        %parallel_loop3A_872 = arith.mulf %parallel_loop3A_327, %parallel_loop3A_871 : vector<16xf32>
        %parallel_loop3A_873 = arith.addi %parallel_loop3A_324, %parallel_loop3A_827 : vector<16xi32>
        %parallel_loop3A_874 = tpu.vector_load_idx %arg5[%parallel_loop3A_873] : memref<65536xf32, #tpu.memory_space<vmem>>[vector<16xi32>], vector<16xf32>,
        %parallel_loop3A_875 = arith.mulf %parallel_loop3A_328, %parallel_loop3A_874 : vector<16xf32>
        %parallel_loop3A_876 = arith.addf %parallel_loop3A_830, %parallel_loop3A_833 : vector<16xf32>
        %parallel_loop3A_877 = arith.addf %parallel_loop3A_836, %parallel_loop3A_839 : vector<16xf32>
        %parallel_loop3A_878 = arith.addf %parallel_loop3A_842, %parallel_loop3A_845 : vector<16xf32>
        %parallel_loop3A_879 = arith.addf %parallel_loop3A_848, %parallel_loop3A_851 : vector<16xf32>
        %parallel_loop3A_880 = arith.addf %parallel_loop3A_854, %parallel_loop3A_857 : vector<16xf32>
        %parallel_loop3A_881 = arith.addf %parallel_loop3A_860, %parallel_loop3A_863 : vector<16xf32>
        %parallel_loop3A_882 = arith.addf %parallel_loop3A_866, %parallel_loop3A_869 : vector<16xf32>
        %parallel_loop3A_883 = arith.addf %parallel_loop3A_872, %parallel_loop3A_875 : vector<16xf32>
        %parallel_loop3A_884 = arith.addf %parallel_loop3A_876, %parallel_loop3A_877 : vector<16xf32>
        %parallel_loop3A_885 = arith.addf %parallel_loop3A_878, %parallel_loop3A_879 : vector<16xf32>
        %parallel_loop3A_886 = arith.addf %parallel_loop3A_880, %parallel_loop3A_881 : vector<16xf32>
        %parallel_loop3A_887 = arith.addf %parallel_loop3A_882, %parallel_loop3A_883 : vector<16xf32>
        %parallel_loop3A_888 = arith.addf %parallel_loop3A_884, %parallel_loop3A_885 : vector<16xf32>
        %parallel_loop3A_889 = arith.addf %parallel_loop3A_886, %parallel_loop3A_887 : vector<16xf32>
        %parallel_loop3A_890 = arith.addf %parallel_loop3A_888, %parallel_loop3A_889 : vector<16xf32>
        %parallel_loop3A_891 = arith.constant 343 : i32
        %parallel_loop3A_892 = arith.addi %parallel_loop3A_891, %parallel_loop3A_157 : i32
        %parallel_loop3A_893 = arith.index_cast %and3A_73 : i32 to index
        %parallel_loop3A_894 = arith.index_cast %parallel_loop3A_892 : i32 to index
        %parallel_loop3A_895 = arith.constant 0 : index
        %parallel_loop3A_896 = tpu.vector_load %arg9[%parallel_loop3A_893, %parallel_loop3A_894, %parallel_loop3A_895] {strides = array<i32>} : memref<2x392x16xf32, #tpu.memory_space<vmem>>, vector<16xf32>,
        tpu.vector_store %arg9[%parallel_loop3A_893, %parallel_loop3A_894, %parallel_loop3A_895], %parallel_loop3A_890 {strides = array<i32>} : memref<2x392x16xf32, #tpu.memory_space<vmem>>, vector<16xf32>,
      } {sc.loop_unroll_factor = 2 : i64, sc.parallel_access}
      %mul3A_142 = arith.constant 392 : i32
      %mul3A_143 = arith.muli %add3A, %mul3A_142 : i32
      %mul3A_144 = arith.constant 16 : i32
      %mul3A_145 = arith.muli %scan3A_71, %mul3A_144 : i32
      %dma_start3A_146 = arith.constant 0 : i32
      %dma_start3A_147 = arith.constant 0 : i32
      %dma_start3A_148 = tpu.memref_slice %arg9[%and3A_73, %dma_start3A_146, %dma_start3A_147] : memref<2x392x16xf32, #tpu.memory_space<vmem>> -> memref<1x392x16xf32, #tpu.memory_space<vmem>>
      %dma_start3A_149 = tpu.memref_squeeze %dma_start3A_148 : memref<1x392x16xf32, #tpu.memory_space<vmem>> -> memref<392x16xf32, #tpu.memory_space<vmem>>
      %dma_start3A_150 = tpu.memref_slice %arg4[%mul3A_143, %mul3A_145] : memref<12544x512xf32, #tpu.memory_space<hbm>> -> memref<392x16xf32, #tpu.memory_space<hbm>>
      %dma_start3A_151 = tpu.memref_slice %arg4[%mul3A_143, %mul3A_145] : memref<12544x512xf32, #tpu.memory_space<hbm>> -> memref<392x16xf32, #tpu.memory_space<hbm>>
      %dma_start3A_152 = arith.constant 0 : i32
      %dma_start3A_153 = arith.constant 0 : i32
      %dma_start3A_154 = tpu.memref_slice %arg9[%and3A_73, %dma_start3A_152, %dma_start3A_153] : memref<2x392x16xf32, #tpu.memory_space<vmem>> -> memref<1x392x16xf32, #tpu.memory_space<vmem>>
      %dma_start3A_155 = tpu.memref_squeeze %dma_start3A_154 : memref<1x392x16xf32, #tpu.memory_space<vmem>> -> memref<392x16xf32, #tpu.memory_space<vmem>>
      tpu.enqueue_dma source(%dma_start3A_155 : memref<392x16xf32, #tpu.memory_space<vmem>>) target(%dma_start3A_151 : memref<392x16xf32, #tpu.memory_space<hbm>>) target_semaphore(%arg11 : memref<!tpu.dma_semaphore, #tpu.memory_space<semaphore_mem>>)
      %scan3A_156 = arith.constant 0 : i32
      scf.yield %scan3A_156 : i32
    }
    %scan3A_40 = arith.constant 32 : i32
    %mul3A_41 = arith.constant 392 : i32
    %mul3A_42 = arith.muli %add3A, %mul3A_41 : i32
    %dma_wait3A_43 = arith.constant 0 : i32
    %dma_wait3A_44 = arith.constant 0 : i32
    %dma_wait3A_45 = arith.constant 0 : i32
    %dma_wait3A_46 = tpu.memref_slice %arg9[%dma_wait3A_43, %dma_wait3A_44, %dma_wait3A_45] : memref<2x392x16xf32, #tpu.memory_space<vmem>> -> memref<1x392x16xf32, #tpu.memory_space<vmem>>
    %dma_wait3A_47 = tpu.memref_squeeze %dma_wait3A_46 : memref<1x392x16xf32, #tpu.memory_space<vmem>> -> memref<392x16xf32, #tpu.memory_space<vmem>>
    %dma_wait3A_48 = arith.constant 480 : i32
    %dma_wait3A_49 = tpu.memref_slice %arg4[%mul3A_42, %dma_wait3A_48] : memref<12544x512xf32, #tpu.memory_space<hbm>> -> memref<392x16xf32, #tpu.memory_space<hbm>>
    %dma_wait3A_50 = arith.constant 480 : i32
    %dma_wait3A_51 = tpu.memref_slice %arg4[%mul3A_42, %dma_wait3A_50] : memref<12544x512xf32, #tpu.memory_space<hbm>> -> memref<392x16xf32, #tpu.memory_space<hbm>>
    %dma_wait3A_52 = arith.constant 0 : i32
    %dma_wait3A_53 = arith.constant 0 : i32
    %dma_wait3A_54 = tpu.memref_slice %arg9[%dma_wait3A_43, %dma_wait3A_52, %dma_wait3A_53] : memref<2x392x16xf32, #tpu.memory_space<vmem>> -> memref<1x392x16xf32, #tpu.memory_space<vmem>>
    %dma_wait3A_55 = tpu.memref_squeeze %dma_wait3A_54 : memref<1x392x16xf32, #tpu.memory_space<vmem>> -> memref<392x16xf32, #tpu.memory_space<vmem>>
    tpu.wait_dma2 semaphore(%arg11 : memref<!tpu.dma_semaphore, #tpu.memory_space<semaphore_mem>>) src(%dma_wait3A_55 : memref<392x16xf32, #tpu.memory_space<vmem>>) dst(%dma_wait3A_51 : memref<392x16xf32, #tpu.memory_space<hbm>>)
    %mul3A_56 = arith.constant 392 : i32
    %mul3A_57 = arith.muli %add3A, %mul3A_56 : i32
    %dma_wait3A_58 = arith.constant 1 : i32
    %dma_wait3A_59 = arith.constant 0 : i32
    %dma_wait3A_60 = arith.constant 0 : i32
    %dma_wait3A_61 = tpu.memref_slice %arg9[%dma_wait3A_58, %dma_wait3A_59, %dma_wait3A_60] : memref<2x392x16xf32, #tpu.memory_space<vmem>> -> memref<1x392x16xf32, #tpu.memory_space<vmem>>
    %dma_wait3A_62 = tpu.memref_squeeze %dma_wait3A_61 : memref<1x392x16xf32, #tpu.memory_space<vmem>> -> memref<392x16xf32, #tpu.memory_space<vmem>>
    %dma_wait3A_63 = arith.constant 496 : i32
    %dma_wait3A_64 = tpu.memref_slice %arg4[%mul3A_57, %dma_wait3A_63] : memref<12544x512xf32, #tpu.memory_space<hbm>> -> memref<392x16xf32, #tpu.memory_space<hbm>>
    %dma_wait3A_65 = arith.constant 496 : i32
    %dma_wait3A_66 = tpu.memref_slice %arg4[%mul3A_57, %dma_wait3A_65] : memref<12544x512xf32, #tpu.memory_space<hbm>> -> memref<392x16xf32, #tpu.memory_space<hbm>>
    %dma_wait3A_67 = arith.constant 0 : i32
    %dma_wait3A_68 = arith.constant 0 : i32
    %dma_wait3A_69 = tpu.memref_slice %arg9[%dma_wait3A_58, %dma_wait3A_67, %dma_wait3A_68] : memref<2x392x16xf32, #tpu.memory_space<vmem>> -> memref<1x392x16xf32, #tpu.memory_space<vmem>>
    %dma_wait3A_70 = tpu.memref_squeeze %dma_wait3A_69 : memref<1x392x16xf32, #tpu.memory_space<vmem>> -> memref<392x16xf32, #tpu.memory_space<vmem>>
    tpu.wait_dma2 semaphore(%arg11 : memref<!tpu.dma_semaphore, #tpu.memory_space<semaphore_mem>>) src(%dma_wait3A_70 : memref<392x16xf32, #tpu.memory_space<vmem>>) dst(%dma_wait3A_66 : memref<392x16xf32, #tpu.memory_space<hbm>>)
    return
  }
}

</mosaic_0001>

<sc_bundles>
// kernel: kernel.3.cloned.1.call-start
scs
__scs_entry_jumppad:
0x0: {  	(pc) =	sbr.rel $0x88, $3  }
0x1: {  	(tag) =	ssettag $0x0;
	lr =	simm.s32 $0x1  }
0x2: {  	[smem:$0x3F9F] =	sst lr;
	_ =	strace $0xD0000000  }
0x3: {  	_ = 	snop  }
0x4: {  	_ = 	snop  }
0x5: {  	_ = 	snop  }
0x6: {  	_ = 	snop  }
0x7: {  	_ = 	snop  }
__scs_overlays_trampoline_lowered:
0x8: {  	[smem:$0x3FAE] =	sst s0  }
0x9: {  	[smem:$0x3FAF] =	sst s1  }
0xa: {  	[smem:$0x3FB0] =	sst s2  }
0xb: {  	[smem:$0x3FB1] =	sst s3  }
0xc: {  	[smem:$0x3FB2] =	sst s4  }
0xd: {  	[smem:$0x3FB3] =	sst s5  }
0xe: {  	[smem:$0x3FB4] =	sst s6  }
0xf: {  	[smem:$0x3FB5] =	sst s7  }
0x10: {  	[smem:$0x3FB6] =	sst s8  }
0x11: {  	[smem:$0x3FB7] =	sst s9;
	s0 =	simm.s32 @!p0 $0x0  }
0x12: {  	s1 =	sld [smem:$0x3F9D];
	s0 =	simm.s32 @p0 $0x1  }
0x13: {  	[smem:$0x3FB8] =	sst s0;
	s0 =	simm.s32 @!p1 $0x0  }
0x14: {  	s2 =	sld [smem:$0x3F9C];
	s0 =	simm.s32 @p1 $0x1  }
0x15: {  	[smem:$0x3FB9] =	sst s0;
	s0 =	simm.s32 @!p2 $0x0  }
0x16: {  	s3 =	sld [smem:$0x3FDB];
	s0 =	simm.s32 @p2 $0x1  }
0x17: {  	s4 =	simm.s32 $0x1BF5;
	[smem:$0x3FBB] =	sst s0  }
0x18: {  	s0 =	sld [smem:$0x3F9E];
	_ =	swait.ge [sflag:s4], $0x0  }
0x19: {  	s7 =	sld [smem:$0x3F9F]  }
0x1a: {  	s8 =	sadd.s32 $0xFFFFE003, lr  }
0x1b: {  	s9 =	sadd.s32 $0xFFFFFEF7, lr;
	s5 =	simm.s32 $0xFFFFFFFF;
	p2 =	slt.u32 s8, $0xFFFFF086  }
0x1c: {  	p1 =	slt.u32 s9, $0xF7A;
	s5 =	simm.s32 @!p2 $0x0  }
0x1d: {  	s5 =	simm.s32 @p1 $0x1;
	p0 =	seq.s32 s7, s2  }
0x1e: {  	s7 =	smul.u32 @!p0 $0xF7A, s2;
	p2 =	seq.s32 @!p0 s5, $0x0  }
0x1f: {  	s9 =	smul.u32 $0xF7A, s1;
	s8 =	simm.s32 @!p0 $0x1BF5;
	p2 =	por !p2, p0  }
0x20: {  	[sflag:s8] =	ssyncset.s32 @!p0 $0xFFFFF086;
	s6 =	sadd.s32 @!p0 s3, s7;
	s7 =	simm.s32 @!p0 $0x108  }
0x21: {  	s3 =	sadd.s32 s3, s9;
	s6 =	sadd.s32 @!p0 $0x88, s6;
	s7 =	simm.s32 @p2 $0x1082  }
0x22: {  	[simem:s7], [sflag:s8] =	dma.local @!p0 [hbm:s6], $0xF7A  }
0x23: {  	s9 =	sor.u32 $0xD0000000, s2;
	s6 =	simm.s32 $0x108;
	_ =	swait.ge @!p0 [sflag:s8], $0x0  }
0x24: {  	s3 =	sadd.s32 $0x88, s3;
	s6 =	simm.s32 @!p1 $0x1082;
	[sflag:s4] =	ssyncset.s32 $0xFFFFF086  }
0x25: {  	[simem:s6], [sflag:s4] =	dma.local [hbm:s3], $0xF7A  }
0x26: {  	[smem:$0x3F9F] =	sst s1;
	(tag) =	ssettag s2;
	_ =	strace s9  }
0x27: {  	s1 =	sld [smem:$0x3FAF]  }
0x28: {  	s2 =	sld [smem:$0x3FB0]  }
0x29: {  	s4 =	sld [smem:$0x3FB2]  }
0x2a: {  	p0 =	seq.s32 s5, $0x0;
	s5 =	sld [smem:$0x3FB3]  }
0x2b: {  	s6 =	sld [smem:$0x3FB4]  }
0x2c: {  	s7 =	sld [smem:$0x3FB5]  }
0x2d: {  	s3 =	simm.s32 $0x108;
	s8 =	sld [smem:$0x3FB6]  }
0x2e: {  	s3 =	simm.s32 @!p0 $0x1082;
	s9 =	sld [smem:$0x3FB7]  }
0x2f: {  	lr =	sadd.s32 s0, s3;
	s0 =	sld [smem:$0x3FAE]  }
0x30: {  	s3 =	sld [smem:$0x3FB1]  }
0x31: {  	[smem:$0x3FBA] =	sst s10  }
0x32: {  	s10 =	sld [smem:$0x3FB8];
	_ =	sdelay $0x3  }
0x33: {  	p0 =	seq.s32 s10, $0x1;
	s10 =	sld [smem:$0x3FBA];
	_ =	sdelay $0x3  }
0x34: {  	[smem:$0x3FBA] =	sst s10  }
0x35: {  	s10 =	sld [smem:$0x3FB9];
	_ =	sdelay $0x3  }
0x36: {  	p1 =	seq.s32 s10, $0x1;
	s10 =	sld [smem:$0x3FBA];
	_ =	sdelay $0x3  }
0x37: {  	[smem:$0x3FBA] =	sst s10  }
0x38: {  	s10 =	sld [smem:$0x3FBB]  }
0x39: {  	_ = 	snop;
	(pc) =	sbr.ind lr, $3  }
0x3a: {  	_ = 	snop  }
0x3b: {  	_ = 	snop  }
0x3c: {  	p2 =	seq.s32 s10, $0x1;
	s10 =	sld [smem:$0x3FBA]  }
0x3d: {  	_ =	shalt  }
0x3e: {  	_ =	shalt  }
0x3f: {  	_ =	shalt  }
0x40: {  	_ =	shalt  }
0x41: {  	_ =	shalt  }
0x42: {  	_ =	shalt  }
0x43: {  	_ =	shalt  }
0x44: {  	_ =	shalt  }
0x45: {  	_ =	shalt  }
0x46: {  	_ =	shalt  }
0x47: {  	_ =	shalt  }
0x48: {  	_ =	shalt  }
0x49: {  	_ =	shalt  }
0x4a: {  	_ =	shalt  }
0x4b: {  	_ =	shalt  }
0x4c: {  	_ =	shalt  }
0x4d: {  	_ =	shalt  }
0x4e: {  	_ =	shalt  }
0x4f: {  	_ =	shalt  }
0x50: {  	_ =	shalt  }
0x51: {  	_ =	shalt  }
0x52: {  	_ =	shalt  }
0x53: {  	_ =	shalt  }
0x54: {  	_ =	shalt  }
0x55: {  	_ =	shalt  }
0x56: {  	_ =	shalt  }
0x57: {  	_ =	shalt  }
0x58: {  	_ =	shalt  }
0x59: {  	_ =	shalt  }
0x5a: {  	_ =	shalt  }
0x5b: {  	_ =	shalt  }
0x5c: {  	_ =	shalt  }
0x5d: {  	_ =	shalt  }
0x5e: {  	_ =	shalt  }
0x5f: {  	_ =	shalt  }
0x60: {  	_ =	shalt  }
0x61: {  	_ =	shalt  }
0x62: {  	_ =	shalt  }
0x63: {  	_ =	shalt  }
0x64: {  	_ =	shalt  }
0x65: {  	_ =	shalt  }
0x66: {  	_ =	shalt  }
0x67: {  	_ =	shalt  }
0x68: {  	_ =	shalt  }
0x69: {  	_ =	shalt  }
0x6a: {  	_ =	shalt  }
0x6b: {  	_ =	shalt  }
0x6c: {  	_ =	shalt  }
0x6d: {  	_ =	shalt  }
0x6e: {  	_ =	shalt  }
0x6f: {  	_ =	shalt  }
0x70: {  	_ =	shalt  }
0x71: {  	_ =	shalt  }
0x72: {  	_ =	shalt  }
0x73: {  	_ =	shalt  }
0x74: {  	_ =	shalt  }
0x75: {  	_ =	shalt  }
0x76: {  	_ =	shalt  }
0x77: {  	_ =	shalt  }
0x78: {  	_ =	shalt  }
0x79: {  	_ =	shalt  }
0x7a: {  	_ =	shalt  }
0x7b: {  	_ =	shalt  }
0x7c: {  	_ =	shalt  }
0x7d: {  	_ =	shalt  }
0x7e: {  	_ =	shalt  }
0x7f: {  	_ =	shalt  }
0x80: {  	_ =	shalt  }
0x81: {  	_ =	shalt  }
0x82: {  	_ =	shalt  }
0x83: {  	_ =	shalt  }
0x84: {  	_ =	shalt  }
0x85: {  	_ =	shalt  }
0x86: {  	_ =	shalt  }
0x87: {  	_ =	shalt  }
.Lfunc_end0:
.L_simem_size_0:
called_computation_lowered:
.L_overlay_start_0:
0x88: {  	s2 =	sld [smem:$0x3FD9]  }
0x89: {  	s3 =	sld [smem:$0x3FFE];
	_ =	sdelay $0x1  }
0x8a: {  	s1 =	srdreg.scid  }
0x8b: {  	s0 =	sand.u32 $0x1, s1  }
0x8c: {  	s17 =	sshll.u32 s0, $0xA;
	s2 =	sadd.s32 s3, s2  }
0x8d: {  	s2 =	sadd.s32 s2, s17  }
0x8e: {  	[smem:$0x3FC6] =	sst s2  }
0x8f: {  	_ = 	snop  }
0x90: {  	s2 =	sld [smem:$0x3FD0];
	(tm) =	ssettm $0x1  }
0x91: {  	s18 =	sld [smem:$0x3FFB];
	_ =	sdelay $0x3  }
0x92: {  	_ =	strace s18  }
0x93: {  	s3 =	sld [smem:$0x3FFC];
	_ =	sdelay $0x3  }
0x94: {  	_ =	strace s3  }
0x95: {  	s3 =	sld [smem:$0x3FFD];
	_ =	sdelay $0x3  }
0x96: {  	_ =	strace s3  }
0x97: {  	_ =	strace $0x8FFFFFFF  }
0x98: {  	s19 =	sld [smem:$0x3FDB];
	_ =	sdelay $0x1  }
0x99: {  	s4 =	simm.s32 $_scs_section_size  }
0x9a: {  	s5 =	simm.s32 $_size__tile_overlayer_lowered;
	s6 =	simm.s32 $_tile_overlayer_lowered  }
0x9b: {  	s22 =	simm.s32 $0x1BFF;
	s21 =	sshll.u32 s6, $0x1;
	s3 =	sadd.s32 s4, s19  }
0x9c: {  	s7 =	simm.s32 $0x0;
	s20 =	sshll.u32 s5, $0x1;
	s5 =	sadd.s32 s21, s3  }
0x9d: {  	[timem:s7], [sflag:s22] =	dma.local [hbm:s5], s20  }
0x9e: {  	_ =	swait.ge [sflag:s22], s20  }
0x9f: {  	s4 =	ssub.s32 $0x0, s20;
	[sflag:s22] =	ssyncset.done $0x0  }
0xa0: {  	[sflag:s22] =	ssyncadd.s32 s4;
	_ =	sdelay $0x1  }
0xa1: {  	s23 =	simm.s32 $0x1B8B  }
0xa2: {  	_ =	swait.ge [sflag:s23], $0x1  }
0xa3: {  	[sflag:s23] =	ssyncset.done $0x0  }
0xa4: {  	s25 =	simm.s32 $0x1B8E;
	s24 =	sld [smem:$0x3FFE];
	[sflag:s23] =	ssyncadd.s32 $0xFFFFFFFF  }
0xa5: {  	s26 =	simm.s32 $execute0_lowered;
	[smem:$0x3FD2] =	sst s25  }
0xa6: {  	s5 =	sshll.u32 s26, $0x1;
	_ =	strace $0x80000046;
	[dreg:$0x1] =	wrdreg $0xFFFFFFFF  }
0xa7: {  	s28 =	simm.s32 $_size_execute0_lowered;
	s3 =	sadd.s32 s3, s5;
	[dreg:$0x0] =	wrdreg $0x0  }
0xa8: {  	s5 =	sshll.u32 s28, $0x1;
	[dreg:$0x2] =	wrdreg s3  }
0xa9: {  	[dreg:$0x3] =	wrdreg s5  }
0xaa: {  	[dreg:$0x4] =	wrdreg $0xC0  }
0xab: {  	_ =	task [dreg:s7], $0x5FFFF  }
0xac: {  	[dreg:$0x1] =	wrdreg $0xFFFFFFFF  }
0xad: {  	[dreg:$0x0] =	wrdreg $0x60  }
0xae: {  	[dreg:$0x2] =	wrdreg s24  }
0xaf: {  	[dreg:$0x3] =	wrdreg s2  }
0xb0: {  	[dreg:$0x4] =	wrdreg $0x9  }
0xb1: {  	_ =	task.clear_ibuf [dreg:s7], $0x5FFFF;
	_ =	strace $0x90000046  }
0xb2: {  	s29 =	simm.s32 $0x9;
	_ =	strace $0x80000048  }
0xb3: {  	_ =	swait.ge [sflag:s29], $0x1  }
0xb4: {  	[sflag:s29] =	ssyncadd.s32 $0xFFFFFFFF  }
0xb5: {  	_ =	strace $0x90000048  }
0xb6: {  	_ =	sfence  }
0xb7: {  	s30 =	sld [smem:$0x0];
	_ =	sdelay $0x2  }
0xb8: {  	s31 =	sshll.u32 s1, $0xD;
	s1 =	sshrl.u32 s1, $0x2  }
0xb9: {  	s3 =	sand.u32 $0x4000, s31;
	s1 =	sadd.s32 s1, s30  }
0xba: {  	s0 =	sor.u32 s3, s0;
	s1 =	sshll.u32 s1, $0x11  }
0xbb: {  	s0 =	sor.u32 s1, s0  }
0xbc: {  	s0 =	sadd.s32 $0x8F2B, s0  }
0xbd: {  	[sflag:s0] =	ssyncadd.remote.s32 $0x1  }
0xbe: {  	_ =	sfence.sel $0xFFFF  }
0xbf: {  	[dreg:$0x0] =	wrdreg $0xFFFFFFFF;
	(pc) =	sbr.abs _section_cstart, $3  }
0xc0: {  	[dreg:$0x1] =	wrdreg $0xFFFFFFFF  }
0xc1: {  	_ =	task.clear_ibuf [dreg:s7], $0x2FFFF;
	_ =	strace $0x9FFFFFFF  }
0xc2: {  	(tm) =	ssettm $0x7FFFFFFF  }
0xc3: {  	_ =	shalt  }
tec
execute0_lowered:
.L_overlay_start_1:
0x0: {  	(tag) =	ssettag $0x1  }
0x1: {  	s4 =	rddreg [dreg:$0x0];
	v1 =	vlaneseq.u32  }
0x2: {  	s2 =	rddreg [dreg:$0x1];
	v0 =	vimm.s32 $0x36147250;
	s3 =	simm.s32 $0x0;
	v4 =	vmul.u32 $0x5, v1  }
0x3: {  	v0 =	vunpack.c.l.s4.s8 v0;
	[smem:$0x7FF] =	sst s3  }
0x4: {  	s0 =	rddreg [dreg:$0x2];
	_ =	strace $0x80000047;
	v1 =	vadd.s32 $0x1, v4;
	[tilespmem:$0x1FFD0] =	vst v4  }
0x5: {  	v3 =	vimm.s32 $0x72503614;
	v0 =	vunpack.c.0.s8.s32 v0;
	v60 =	vadd.s32 $0x2, v4;
	[tilespmem:$0x1FF70] =	vst v1  }
0x6: {  	s5 =	srdreg.scid;
	v56 =	vimm.s32 $0x47250361;
	v57 =	vimm.s32 $0x50361472;
	v59 =	vunpack.c.l.s4.s8 v3;
	[tilespmem:$0x1FF90] =	vst v60  }
0x7: {  	s1 =	stileid.u32;
	v2 =	vimm.s32 $0x61472503;
	s9 =	simm.s32 $0x8000;
	s10 =	simm.s32 $0x10000;
	v61 =	vadd.s32 $0x3, v4;
	[tilespmem:$0x1FF60] =	vst v0;
	v0 =	vunpack.c.l.s4.s8 v56  }
0x8: {  	s11 =	simm.s32 $0x1;
	s12 =	simm.s32 $0x10;
	s13 =	simm.s32 $0x200;
	v62 =	vadd.s32 $0x4, v4;
	v63 =	vunpack.c.0.s8.s32 v59;
	v1 =	vunpack.c.l.s4.s8 v57;
	[tilespmem:$0x1FFB0] =	vst v61  }
0x9: {  	s14 =	simm.s32 $0x2;
	s5 =	sand.u32 $0x1, s5;
	s6 =	sshll.u32 s1, $0x1;
	v58 =	vunpack.c.l.s4.s8 v2;
	[tilespmem:$0x1FFE0] =	vst v62;
	v0 =	vunpack.c.0.s8.s32 v0  }
0xa: {  	s15 =	simm.s32 $0x0;
	s7 =	sor.u32 s5, s6;
	s5 =	ssub.s32 $0x2, s5;
	[tilespmem:$0x1FFF0] =	vst v63;
	v1 =	vunpack.c.0.s8.s32 v1  }
0xb: {  	s6 =	sshll.u32 s7, $0xC;
	s8 =	sshrl.u32 s5, $0x1;
	s7 =	smul.u32 $0x31000, s7;
	[tilespmem:$0x1FF80] =	vst v0;
	v0 =	vunpack.c.0.s8.s32 v58  }
0xc: {  	s6 =	sadd.s32 s6, s4;
	s4 =	sadd.s32 $0x400, s4;
	s8 =	ssub.s32 s5, s8;
	[tilespmem:$0x1FFA0] =	vst v1  }
0xd: {  	s5 =	sadd.s32 $0x600, s6;
	s6 =	sadd.s32 $0x20600, s6;
	s8 =	smax.u32 s8, $0x1;
	[tilespmem:$0x1FFC0] =	vst v0  }
.LBB2_1:
0xe: {  	[tilespmem:s3], [sflag:$0x1] =	stream.linear.gather [hbm4b:s5+s3], $0x8000, $0x38;
	[tilespmem:$0x14200] =	vst v63  }
0xf: {  	_ = 	snop  }
0x10: {  	[tilespmem:s9], [sflag:$0x1] =	stream.linear.gather [hbm4b:s6+s3], $0x8000, $0x38;
	[tilespmem:$0x14200] =	vst v63  }
0x11: {  	_ = 	snop  }
0x12: {  	[tilespmem:s10], [sflag:$0x1] =	stream.linear.gather [hbm4b:s4+s3], $0xA00, $0x38;
	[tilespmem:$0x14200] =	vst v63  }
0x13: {  	_ =	swait.ge [sflag:s11], $0x8000  }
0x14: {  	[sflag:s11] =	ssyncset.done $0x0  }
0x15: {  	[sflag:s11] =	ssyncadd.s32 $0xFFFF8000  }
0x16: {  	_ =	swait.ge [sflag:s11], $0x8000  }
0x17: {  	[sflag:s11] =	ssyncset.done $0x0  }
0x18: {  	[sflag:s11] =	ssyncadd.s32 $0xFFFF8000  }
0x19: {  	_ =	swait.ge [sflag:s11], $0xA00  }
0x1a: {  	[sflag:s11] =	ssyncset.done $0x0  }
0x1b: {  	s16 =	simm.s32 $0x0;
	[sflag:s11] =	ssyncadd.s32 $0xFFFFF600  }
.LBB2_2:
0x1c: {  	v0 =	vld [tilespmem:$0x1FF70];
	_ =	sdelay $0x1  }
0x1d: {  	v2 =	vld [tilespmem:$0x1FF80]  }
0x1e: {  	s17 =	smul.u32 $0x50, s16;
	_ =	sdelay $0x1  }
0x1f: {  	v1 =	vld [tilespmem:$0x1FFB0];
	v0 =	vadd.s32 s17, v0  }
0x20: {  	v0 =	vand.u32 $0x1FF8, v0  }
0x21: {  	v0 =	vor.u32 v2, v0;
	v2 =	vld [tilespmem:$0x1FFC0];
	_ =	sdelay $0x2  }
0x22: {  	v1 =	vadd.s32 s17, v1  }
0x23: {  	p0 =	slt.u32 s16, $0x2;
	v1 =	vand.u32 $0x1FF8, v1  }
0x24: {  	s18 =	simm.s32 @!p0 $0x2;
	v1 =	vor.u32 v2, v1  }
0x25: {  	_ =	swait.ge @!p0 [sflag:s18], $0x1880  }
0x26: {  	[sflag:s18] =	ssyncset.done @!p0 $0x0  }
0x27: {  	[sflag:s18] =	ssyncadd.s32 @!p0 $0xFFFFE780  }
0x28: {  	v0 =	vld.idx.msk [tilespmem:v0+s10+$0x0], $0xffff  }
0x29: {  	v1 =	vld.idx.msk [tilespmem:v1+s10+$0x0], $0xffff;
	_ =	sdelay $0x4  }
0x2a: {  	v4 =	vld [tilespmem:$0x1FFD0];
	v0 =	vmul.f32 $6.250000000e-02, v0;
	v3 =	vmul.f32 $6.250000000e-02, v1;
	_ =	sdelay $0x1  }
0x2b: {  	v1 =	vadd.f32 $-5.000000000e-01, v0;
	v3 =	vadd.f32 $-5.000000000e-01, v3  }
0x2c: {  	v6 =	vld [tilespmem:$0x1FF60]  }
0x2d: {  	v3 =	vsub.f32 v3, v1  }
0x2e: {  	s25 =	simm.s32 $0x1;
	v5 =	vadd.s32 s17, v4  }
0x2f: {  	s26 =	simm.s32 $0x0;
	v2 =	vmov s25;
	v4 =	vmul.f32 $1.428571490e-01, v3;
	v3 =	vand.u32 $0x1FF8, v5;
	v5 =	vld [tilespmem:$0x1FF90]  }
0x30: {  	v2 =	vshrl.u32 v2, $0x1;
	v0 =	vmov s26  }
0x31: {  	v2 =	vcvt.s32.f32 v2;
	v0 =	vshra.s32 v0, $0x1;
	v3 =	vor.u32 v6, v3;
	v6 =	vld [tilespmem:$0x1FFA0]  }
0x32: {  	v0 =	vcvt.s32.f32 v0  }
0x33: {  	v2 =	vadd.f32 $5.000000000e-01, v2  }
0x34: {  	v0 =	vadd.f32 $2.500000000e-01, v0;
	v5 =	vadd.s32 s17, v5  }
0x35: {  	v2 =	vadd.f32 $2.500000000e-01, v2;
	v5 =	vand.u32 $0x1FF8, v5  }
0x36: {  	v0 =	vbroadcast v0, $0x0;
	v7 =	vor.u32 v6, v5;
	v5 =	vld [tilespmem:$0x1FFE0]  }
0x37: {  	v2 =	vbroadcast v2, $0x0  }
0x38: {  	v8 =	vld [tilespmem:$0x1FFF0];
	v0 =	vmul.f32 v0, v4  }
0x39: {  	v2 =	vmul.f32 v2, v4  }
0x3a: {  	s30 =	simm.s32 $0x4;
	v9 =	vadd.f32 v0, v1  }
0x3b: {  	s28 =	simm.s32 $0x2;
	v13 =	vmov s30;
	v2 =	vadd.f32 v2, v1;
	v5 =	vadd.s32 s17, v5  }
0x3c: {  	v10 =	vmax.f32 v9, $0.0e+00;
	v6 =	vmov s28;
	v5 =	vand.u32 $0x1FF8, v5  }
0x3d: {  	s29 =	simm.s32 $0x3;
	v8 =	vor.u32 v8, v5;
	v5 =	vshra.s32 v6, $0x1;
	v6 =	vmax.f32 v2, $0.0e+00  }
0x3e: {  	v0 =	vcvt.s32.f32 v5;
	v5 =	vmov s29;
	v11 =	vmin.f32 v6, $6.300000000e+01  }
0x3f: {  	vm1 =	vgt.f32 v2, $-1.000000000e+00;
	v5 =	vshrl.u32 v5, $0x1;
	v6 =	vtrunc.f32 v11  }
0x40: {  	v10 =	vmin.f32 v10, $6.300000000e+01;
	v5 =	vcvt.s32.f32 v5;
	v6 =	vcvt.f32.s32 v6  }
0x41: {  	vm2 =	vlt.f32 v2, $6.400000000e+01;
	v12 =	vtrunc.f32 v10;
	v0 =	vadd.f32 $2.500000000e-01, v0  }
0x42: {  	v14 =	vadd.f32 $5.000000000e-01, v5;
	v5 =	vcvt.f32.s32 v12;
	v12 =	vcvt.s32.f32 v6  }
0x43: {  	vm3 =	vlt.f32 v9, $6.400000000e+01;
	v0 =	vbroadcast v0, $0x0;
	v15 =	vadd.s32 $0x1, v6  }
0x44: {  	v14 =	vadd.f32 $2.500000000e-01, v14;
	v16 =	vcvt.s32.f32 v5;
	v11 =	vsub.f32 v11, v12  }
0x45: {  	vm1 =	vmand vm1, vm2;
	vm0 =	vlt.s32 v15, $0x3F;
	v17 =	vmul.f32 v0, v4  }
0x46: {  	v2 =	vld.idx.msk [tilespmem:v7+s10+$0x0], $0xffff;
	v12 =	vbroadcast v14, $0x0;
	v16 =	vsub.f32 v10, v16;
	v10 =	vsub.f32 $1.000000000e+00, v11  }
0x47: {  	v15 =	vnsel vm0, $0x3F, v15;
	vm0 =	vgt.f32 v9, $-1.000000000e+00;
	v0 =	vld.idx.msk [tilespmem:v3+s10+$0x0], $0xffff;
	v7 =	vadd.f32 v17, v1  }
0x48: {  	s17 =	simm.s32 $0x10A40;
	v3 =	vld.idx.msk [tilespmem:v8+s10+$0x0], $0xffff;
	v14 =	vsub.f32 $1.000000000e+00, v16;
	v8 =	vmul.f32 v12, v4;
	v9 =	vnsel vm1, $0x0, v10  }
0x49: {  	[tilespmem:s17+$0x10] =	vst v15;
	v10 =	vnsel vm1, $0x0, v11;
	v11 =	vshra.s32 v13, $0x1;
	vm1 =	vmand vm0, vm3  }
0x4a: {  	v12 =	vmax.f32 v7, $0.0e+00;
	[tilespmem:s17+$0x20] =	vst v9;
	v9 =	vadd.s32 $0x1, v5;
	v8 =	vadd.f32 v8, v1  }
0x4b: {  	s31 =	simm.s32 $0x5;
	[tilespmem:s17+$0x30] =	vst v10;
	v10 =	vcvt.s32.f32 v11;
	v11 =	vnsel vm1, $0x0, v16;
	v13 =	vnsel vm1, $0x0, v14  }
0x4c: {  	s18 =	simm.s32 $0x6;
	vm0 =	vlt.s32 v9, $0x3F;
	[tilespmem:s17+$0xFFFFFFE0] =	vst v13;
	v13 =	vmov s31;
	v14 =	vmax.f32 v8, $0.0e+00  }
.LBB2_3:
0x4d: {  	p0 =	slt.u32 s18, $0xC;
	v13 =	vshrl.u32 v13, $0x1;
	v14 =	vmin.f32 v14, $6.300000000e+01;
	v9 =	vnsel vm0, $0x3F, v9;
	[tilespmem:s17+$0xFFFFFFF0] =	vst v11  }
0x4e: {  	v12 =	vmin.f32 v12, $6.300000000e+01;
	v11 =	vcvt.s32.f32 v13;
	v13 =	vtrunc.f32 v14;
	[tilespmem:s17+$0xFFFFFFD0] =	vst v9  }
0x4f: {  	v9 =	vadd.f32 $2.500000000e-01, v10;
	v10 =	vtrunc.f32 v12;
	[tilespmem:s17+$0x0] =	vst v6;
	v6 =	vcvt.f32.s32 v13  }
0x50: {  	v13 =	vmov s18;
	v11 =	vadd.f32 $5.000000000e-01, v11;
	[tilespmem:s17+$0xFFFFFFC0] =	vst v5;
	v5 =	vcvt.f32.s32 v10  }
0x51: {  	v9 =	vbroadcast v9, $0x0;
	v10 =	vcvt.s32.f32 v6;
	v15 =	vadd.s32 $0x1, v6  }
0x52: {  	v11 =	vadd.f32 $2.500000000e-01, v11;
	v16 =	vcvt.s32.f32 v5;
	vm0 =	vlt.s32 v15, $0x3F  }
0x53: {  	v9 =	vmul.f32 v9, v4;
	v10 =	vsub.f32 v14, v10;
	v15 =	vnsel vm0, $0x3F, v15  }
0x54: {  	vm0 =	vgt.f32 v7, $-1.000000000e+00;
	v11 =	vbroadcast v11, $0x0;
	v16 =	vsub.f32 v12, v16  }
0x55: {  	vm1 =	vgt.f32 v8, $-1.000000000e+00;
	vm2 =	vlt.f32 v8, $6.400000000e+01;
	v8 =	vsub.f32 $1.000000000e+00, v10  }
0x56: {  	vm3 =	vlt.f32 v7, $6.400000000e+01;
	vm1 =	vmand vm1, vm2;
	v12 =	vsub.f32 $1.000000000e+00, v16  }
.Ltmp0:
0x57: {  	s17 =	sadd.s32 $0x80, s17;
	v10 =	vnsel vm1, $0x0, v10;
	v11 =	vmul.f32 v11, v4;
	v8 =	vnsel vm1, $0x0, v8;
	(pc) =	sbr.rel @p0 .LBB2_3-.Ltmp0, $4  }
0x58: {  	v13 =	vshra.s32 v13, $0x1;
	v7 =	vadd.f32 v9, v1;
	vm1 =	vmand vm0, vm3;
	[tilespmem:s17+$0x20] =	vst v8  }
0x59: {  	v9 =	vadd.s32 $0x1, v5;
	v8 =	vadd.f32 v11, v1;
	v11 =	vnsel vm1, $0x0, v12;
	[tilespmem:s17+$0x30] =	vst v10  }
0x5a: {  	s19 =	sadd.s32 $0x1, s18;
	vm0 =	vlt.s32 v9, $0x3F;
	v12 =	vmax.f32 v7, $0.0e+00;
	v10 =	vcvt.s32.f32 v13;
	[tilespmem:s17+$0xFFFFFFE0] =	vst v11  }
0x5b: {  	s18 =	sadd.s32 $0x2, s18;
	v13 =	vmov s19;
	v14 =	vmax.f32 v8, $0.0e+00;
	v11 =	vnsel vm1, $0x0, v16;
	[tilespmem:s17+$0x10] =	vst v15  }
0x5c: {  	v13 =	vshrl.u32 v13, $0x1  }
0x5d: {  	v13 =	vcvt.s32.f32 v13;
	_ =	sdelay $0x1  }
0x5e: {  	v13 =	vadd.f32 $5.000000000e-01, v13  }
0x5f: {  	v14 =	vmin.f32 v14, $6.300000000e+01  }
0x60: {  	v10 =	vadd.f32 $2.500000000e-01, v10;
	v15 =	vtrunc.f32 v14;
	v13 =	vadd.f32 $2.500000000e-01, v13  }
0x61: {  	v15 =	vcvt.f32.s32 v15  }
0x62: {  	v12 =	vmin.f32 v12, $6.300000000e+01;
	v10 =	vbroadcast v10, $0x0;
	v13 =	vbroadcast v13, $0x0  }
0x63: {  	v9 =	vnsel vm0, $0x3F, v9;
	v16 =	vtrunc.f32 v12;
	v17 =	vcvt.s32.f32 v15  }
0x64: {  	vm0 =	vgt.f32 v7, $-1.000000000e+00;
	v10 =	vmul.f32 v10, v4;
	v4 =	vmul.f32 v13, v4  }
0x65: {  	vm1 =	vgt.f32 v8, $-1.000000000e+00;
	vm2 =	vlt.f32 v8, $6.400000000e+01;
	v16 =	vcvt.f32.s32 v16  }
0x66: {  	vm3 =	vlt.f32 v7, $6.400000000e+01;
	v58 =	vsub.f32 v14, v17;
	v4 =	vadd.f32 v4, v1  }
0x67: {  	v2 =	vmul.f32 $6.250000000e-02, v2;
	v18 =	vcvt.s32.f32 v16;
	v1 =	vadd.f32 v10, v1  }
0x68: {  	[tilespmem:s17+$0xFFFFFFF0] =	vst v11;
	vm1 =	vmand vm1, vm2;
	v8 =	vsub.f32 $1.000000000e+00, v58;
	v10 =	vmax.f32 v4, $0.0e+00  }
0x69: {  	[tilespmem:s17+$0xFFFFFFD0] =	vst v9;
	v12 =	vsub.f32 v12, v18;
	v9 =	vmax.f32 v1, $0.0e+00;
	v10 =	vmin.f32 v10, $6.300000000e+01  }
0x6a: {  	[tilespmem:s17+$0x0] =	vst v6;
	v6 =	vnsel vm1, $0x0, v8;
	v8 =	vmin.f32 v9, $6.300000000e+01;
	v9 =	vtrunc.f32 v10  }
0x6b: {  	[tilespmem:s17+$0xFFFFFFC0] =	vst v5;
	s29 =	sadd.s32 $0x80, s17;
	vm0 =	vmand vm0, vm3;
	v5 =	vnsel vm1, $0x0, v58;
	v9 =	vcvt.f32.s32 v9  }
0x6c: {  	v59 =	vadd.s32 $0x1, v15;
	v7 =	vsub.f32 $1.000000000e+00, v12;
	[tilespmem:s29+$0x30] =	vst v5;
	v11 =	vtrunc.f32 v8  }
0x6d: {  	vm1 =	vlt.s32 v59, $0x3F;
	[tilespmem:s29+$0x20] =	vst v6;
	v6 =	vcvt.f32.s32 v11;
	v5 =	vcvt.s32.f32 v9  }
0x6e: {  	v60 =	vadd.s32 $0x1, v16;
	v7 =	vnsel vm0, $0x0, v7;
	v11 =	vnsel vm1, $0x3F, v59  }
0x6f: {  	[tilespmem:s29+$0xFFFFFFE0] =	vst v7;
	vm1 =	vlt.s32 v60, $0x3F;
	v7 =	vcvt.s32.f32 v6;
	v5 =	vsub.f32 v10, v5  }
0x70: {  	v12 =	vnsel vm0, $0x0, v12;
	vm0 =	vgt.f32 v4, $-1.000000000e+00;
	v10 =	vnsel vm1, $0x3F, v60  }
0x71: {  	v7 =	vsub.f32 v8, v7;
	vm1 =	vlt.f32 v4, $6.400000000e+01;
	v4 =	vsub.f32 $1.000000000e+00, v5  }
0x72: {  	v3 =	vmul.f32 $6.250000000e-02, v3;
	vm3 =	vgt.f32 v1, $-1.000000000e+00;
	vm0 =	vmand vm0, vm1  }
0x73: {  	s17 =	sadd.s32 $0x80, s29;
	vm1 =	vlt.f32 v1, $6.400000000e+01;
	v1 =	vsub.f32 $1.000000000e+00, v7;
	v4 =	vnsel vm0, $0x0, v4  }
0x74: {  	v5 =	vnsel vm0, $0x0, v5;
	vm0 =	vmand vm3, vm1;
	[tilespmem:s17+$0x20] =	vst v4;
	v4 =	vadd.s32 $0x1, v6  }
0x75: {  	v1 =	vnsel vm0, $0x0, v1;
	vm1 =	vlt.s32 v4, $0x3F  }
0x76: {  	s19 =	simm.s32 $0x1;
	[tilespmem:s17+$0xFFFFFFE0] =	vst v1;
	v1 =	vadd.f32 $-5.000000000e-01, v2;
	v2 =	vadd.f32 $-5.000000000e-01, v3;
	v3 =	vnsel vm1, $0x3F, v4  }
0x77: {  	[tilespmem:s17+$0xFFFFFFD0] =	vst v3;
	v3 =	vmov s19  }
0x78: {  	v3 =	vshrl.u32 v3, $0x1  }
0x79: {  	v3 =	vcvt.s32.f32 v3;
	_ =	sdelay $0x1  }
0x7a: {  	s18 =	simm.s32 $0x0;
	v3 =	vadd.f32 $5.000000000e-01, v3  }
0x7b: {  	v4 =	vmov s18  }
0x7c: {  	v2 =	vsub.f32 v2, v1;
	v4 =	vshra.s32 v4, $0x1;
	v3 =	vadd.f32 $2.500000000e-01, v3  }
0x7d: {  	v4 =	vcvt.s32.f32 v4  }
0x7e: {  	v2 =	vmul.f32 $1.428571490e-01, v2;
	v3 =	vbroadcast v3, $0x0;
	_ =	sdelay $0x1  }
0x7f: {  	[tilespmem:s29+$0x10] =	vst v11;
	v11 =	vadd.s32 $0x1, v9;
	v4 =	vadd.f32 $2.500000000e-01, v4;
	v3 =	vmul.f32 v3, v2  }
0x80: {  	vm2 =	vlt.s32 v11, $0x3F  }
0x81: {  	[tilespmem:s17+$0x30] =	vst v5;
	v5 =	vnsel vm2, $0x3F, v11;
	v4 =	vbroadcast v4, $0x0;
	v3 =	vadd.f32 v3, v1  }
0x82: {  	s30 =	simm.s32 $0x3;
	[tilespmem:s17+$0x10] =	vst v5;
	v7 =	vnsel vm0, $0x0, v7  }
0x83: {  	[tilespmem:s17+$0xFFFFFFF0] =	vst v7;
	v7 =	vmov s30;
	v4 =	vmul.f32 v4, v2;
	v5 =	vmax.f32 v3, $0.0e+00  }
0x84: {  	v0 =	vtrunc.f32 v0;
	v7 =	vshrl.u32 v7, $0x1;
	v5 =	vmin.f32 v5, $6.300000000e+01  }
0x85: {  	[tilespmem:s17+$0xFFFFFFC0] =	vst v6;
	v4 =	vadd.f32 v4, v1;
	vm0 =	vgt.f32 v3, $-1.000000000e+00;
	v6 =	vtrunc.f32 v5  }
0x86: {  	vm1 =	vlt.f32 v3, $6.400000000e+01;
	v3 =	vcvt.s32.f32 v7;
	v6 =	vcvt.f32.s32 v6  }
0x87: {  	v0 =	vcvt.f32.s32 v0;
	vm2 =	vgt.f32 v4, $-1.000000000e+00;
	vm3 =	vlt.f32 v4, $6.400000000e+01  }
0x88: {  	v4 =	vmax.f32 v4, $0.0e+00;
	v3 =	vadd.f32 $5.000000000e-01, v3;
	v8 =	vcvt.s32.f32 v6  }
0x89: {  	v0 =	vshll.u32 v0, $0xF;
	[tilespmem:s17+$0x0] =	vst v9;
	v9 =	vmin.f32 v4, $6.300000000e+01  }
0x8a: {  	v3 =	vadd.f32 $2.500000000e-01, v3;
	v7 =	vadd.s32 $0x1, v6;
	v5 =	vsub.f32 v5, v8  }
0x8b: {  	vm0 =	vmand vm0, vm1;
	v6 =	vshll.u32 v6, $0x6;
	vm1 =	vlt.s32 v7, $0x3F  }
0x8c: {  	v3 =	vbroadcast v3, $0x0;
	v8 =	vsub.f32 $1.000000000e+00, v5;
	v5 =	vmul.f32 $2.500000000e-01, v5  }
0x8d: {  	v4 =	vtrunc.f32 v9;
	v6 =	vadd.s32 v0, v6;
	v7 =	vnsel vm1, $0x3F, v7  }
0x8e: {  	s31 =	simm.s32 $0x2;
	[tilespmem:s29+$0xFFFFFFD0] =	vst v10;
	v3 =	vmul.f32 v3, v2;
	v8 =	vmul.f32 $2.500000000e-01, v8;
	v10 =	vnsel vm0, $0x0, v5  }
0x8f: {  	v5 =	vcvt.f32.s32 v4;
	v4 =	vshll.u32 v7, $0x6;
	v7 =	vmov s31  }
0x90: {  	[tilespmem:s29+$0x0] =	vst v15;
	v11 =	vadd.s32 v0, v4;
	v7 =	vshra.s32 v7, $0x1;
	v4 =	vadd.f32 v3, v1  }
0x91: {  	[tilespmem:s29+$0xFFFFFFC0] =	vst v16;
	v8 =	vnsel vm0, $0x0, v8;
	vm0 =	vmand vm2, vm3;
	v61 =	vcvt.s32.f32 v5  }
0x92: {  	[tilespmem:s29+$0xFFFFFFF0] =	vst v12;
	s17 =	simm.s32 $0x10DC0;
	v7 =	vcvt.s32.f32 v7;
	v62 =	vadd.s32 $0x1, v5;
	v3 =	vshll.u32 v5, $0x6  }
0x93: {  	[tilespmem:s17+$0x0] =	vst v6;
	v5 =	vmax.f32 v4, $0.0e+00;
	vm1 =	vlt.s32 v62, $0x3F;
	v6 =	vsub.f32 v9, v61  }
0x94: {  	[tilespmem:s17+$0x30] =	vst v10;
	v9 =	vadd.f32 $2.500000000e-01, v7;
	v5 =	vmin.f32 v5, $6.300000000e+01;
	v63 =	vnsel vm1, $0x3F, v62  }
0x95: {  	[tilespmem:s17+$0x20] =	vst v8;
	v10 =	vtrunc.f32 v5;
	v7 =	vsub.f32 $1.000000000e+00, v6;
	v8 =	vmul.f32 $2.500000000e-01, v6  }
0x96: {  	s20 =	simm.s32 $0x4;
	s18 =	simm.s32 $0x10DC0;
	[tilespmem:s17+$0x10] =	vst v11;
	v9 =	vbroadcast v9, $0x0;
	v6 =	vcvt.f32.s32 v10;
	v10 =	vshll.u32 v63, $0x6  }
.LBB2_5:
0x97: {  	s21 =	sadd.s32 $0x1, s20  }
0x98: {  	vm1 =	vgt.f32 v4, $-1.000000000e+00;
	vm2 =	vlt.f32 v4, $6.400000000e+01;
	v4 =	vadd.s32 v0, v10;
	s17 =	sadd.s32 $0x80, s17;
	s22 =	smov.u32 s20;
	s19 =	sadd.s32 $0x2, s20  }
0x99: {  	p0 =	slt.u32 s20, $0xC;
	v3 =	vadd.s32 v0, v3;
	v10 =	vmov s21;
	v11 =	vcvt.s32.f32 v6;
	[tilespmem:s18+$0xFFFFFFD0] =	vst v4  }
0x9a: {  	vm1 =	vmand vm1, vm2;
	v4 =	vshrl.u32 v10, $0x1;
	[tilespmem:s18+$0xFFFFFFC0] =	vst v3;
	v3 =	vnsel vm0, $0x0, v8  }
0x9b: {  	v7 =	vmul.f32 $2.500000000e-01, v7;
	v4 =	vcvt.s32.f32 v4;
	v5 =	vsub.f32 v5, v11;
	[tilespmem:s18+$0xFFFFFFF0] =	vst v3  }
0x9c: {  	v8 =	vadd.s32 $0x1, v6;
	v6 =	vshll.u32 v6, $0x6;
	v3 =	vmul.f32 v9, v2  }
0x9d: {  	v7 =	vnsel vm0, $0x0, v7;
	v4 =	vadd.f32 $5.000000000e-01, v4;
	v9 =	vsub.f32 $1.000000000e+00, v5  }
0x9e: {  	vm0 =	vlt.s32 v8, $0x3F;
	v6 =	vadd.s32 v0, v6;
	v3 =	vadd.f32 v3, v1;
	[tilespmem:s18+$0xFFFFFFE0] =	vst v7;
	s18 =	smov.u32 s17  }
0x9f: {  	v5 =	vmul.f32 $2.500000000e-01, v5;
	v4 =	vadd.f32 $2.500000000e-01, v4;
	[tilespmem:s17+$0x0] =	vst v6;
	v6 =	vmul.f32 $2.500000000e-01, v9  }
0xa0: {  	vm2 =	vgt.f32 v3, $-1.000000000e+00;
	vm3 =	vlt.f32 v3, $6.400000000e+01;
	v3 =	vmax.f32 v3, $0.0e+00  }
0xa1: {  	v7 =	vmin.f32 v3, $6.300000000e+01;
	v4 =	vbroadcast v4, $0x0;
	v3 =	vnsel vm1, $0x0, v6  }
0xa2: {  	v8 =	vnsel vm0, $0x3F, v8;
	v6 =	vtrunc.f32 v7;
	[tilespmem:s17+$0x20] =	vst v3;
	v3 =	vnsel vm1, $0x0, v5  }
0xa3: {  	v5 =	vcvt.f32.s32 v6;
	v6 =	vshll.u32 v8, $0x6;
	v4 =	vmul.f32 v4, v2;
	[tilespmem:s17+$0x30] =	vst v3  }
0xa4: {  	vm0 =	vmand vm2, vm3;
	v3 =	vmov s22;
	v6 =	vadd.s32 v0, v6  }
0xa5: {  	v3 =	vshra.s32 v3, $0x1;
	v8 =	vcvt.s32.f32 v5;
	v4 =	vadd.f32 v4, v1;
	[tilespmem:s17+$0x10] =	vst v6  }
.Ltmp1:
0xa6: {  	v9 =	vadd.s32 $0x1, v5;
	v6 =	vcvt.s32.f32 v3;
	v3 =	vshll.u32 v5, $0x6;
	(pc) =	sbr.rel @p0 .LBB2_5-.Ltmp1, $4  }
0xa7: {  	vm1 =	vlt.s32 v9, $0x3F;
	v8 =	vsub.f32 v7, v8;
	v5 =	vmax.f32 v4, $0.0e+00  }
0xa8: {  	v10 =	vnsel vm1, $0x3F, v9;
	v6 =	vadd.f32 $2.500000000e-01, v6;
	v5 =	vmin.f32 v5, $6.300000000e+01  }
0xa9: {  	v7 =	vsub.f32 $1.000000000e+00, v8;
	v8 =	vmul.f32 $2.500000000e-01, v8;
	v11 =	vtrunc.f32 v5  }
0xaa: {  	s20 =	smov.u32 s19;
	v10 =	vshll.u32 v10, $0x6;
	v9 =	vbroadcast v6, $0x0;
	v6 =	vcvt.f32.s32 v11  }
0xab: {  	_ = 	snop  }
0xac: {  	v2 =	vmul.f32 v9, v2;
	_ =	sdelay $0x1  }
0xad: {  	v1 =	vadd.f32 v2, v1  }
0xae: {  	vm1 =	vgt.f32 v4, $-1.000000000e+00;
	v41 =	vcvt.s32.f32 v6  }
0xaf: {  	vm2 =	vlt.f32 v4, $6.400000000e+01;
	v42 =	vadd.s32 v0, v10;
	v44 =	vmax.f32 v1, $0.0e+00  }
0xb0: {  	v3 =	vadd.s32 v0, v3;
	v43 =	vsub.f32 v5, v41;
	v5 =	vmin.f32 v44, $6.300000000e+01  }
0xb1: {  	vm1 =	vmand vm1, vm2;
	v45 =	vadd.s32 $0x1, v6;
	v11 =	vtrunc.f32 v5  }
0xb2: {  	v47 =	vshll.u32 v6, $0x6;
	vm12 =	vlt.s32 v45, $0x3F;
	v49 =	vcvt.f32.s32 v11  }
0xb3: {  	s17 =	sadd.s32 $0x80, s17;
	v2 =	vadd.s32 v0, v47;
	v54 =	vnsel vm12, $0x3F, v45;
	v46 =	vsub.f32 $1.000000000e+00, v43  }
0xb4: {  	[tilespmem:s17+$0x0] =	vst v2;
	v2 =	vshll.u32 v54, $0x6;
	v4 =	vmul.f32 $2.500000000e-01, v43;
	v51 =	vcvt.s32.f32 v49  }
0xb5: {  	[tilespmem:s18+$0xFFFFFFD0] =	vst v42;
	vm13 =	vgt.f32 v1, $-1.000000000e+00;
	vm3 =	vlt.f32 v1, $6.400000000e+01;
	v50 =	vmul.f32 $2.500000000e-01, v46  }
0xb6: {  	[tilespmem:s18+$0xFFFFFFC0] =	vst v3;
	v56 =	vadd.s32 v0, v2;
	v53 =	vadd.s32 $0x1, v49;
	v5 =	vsub.f32 v5, v51  }
0xb7: {  	[tilespmem:s17+$0x10] =	vst v56;
	v55 =	vnsel vm1, $0x0, v4;
	v52 =	vnsel vm1, $0x0, v50;
	vm14 =	vlt.s32 v53, $0x3F  }
0xb8: {  	[tilespmem:s17+$0x30] =	vst v55;
	v58 =	vshll.u32 v49, $0x6;
	v3 =	vnsel vm14, $0x3F, v53;
	v57 =	vsub.f32 $1.000000000e+00, v5  }
0xb9: {  	[tilespmem:s17+$0x20] =	vst v52;
	v60 =	vadd.s32 v0, v58;
	v3 =	vshll.u32 v3, $0x6;
	v59 =	vmul.f32 $2.500000000e-01, v5  }
0xba: {  	vm15 =	vmand vm13, vm3;
	[tilespmem:s17+$0xFFFFFFC0] =	vst v60;
	v3 =	vadd.s32 v0, v3;
	v61 =	vmul.f32 $2.500000000e-01, v57  }
0xbb: {  	[tilespmem:s17+$0xFFFFFFD0] =	vst v3;
	v62 =	vnsel vm15, $0x0, v59  }
0xbc: {  	v7 =	vmul.f32 $2.500000000e-01, v7;
	s31 =	sand.u32 $0x1, s16;
	[tilespmem:s17+$0xFFFFFFF0] =	vst v62;
	v63 =	vnsel vm15, $0x0, v61  }
0xbd: {  	v8 =	vnsel vm0, $0x0, v8;
	s20 =	simm.s32 $0x0;
	p0 =	seq.s32 s31, $0x1;
	[tilespmem:s17+$0xFFFFFFE0] =	vst v63;
	s17 =	simm.s32 $0x1880  }
0xbe: {  	s24 =	simm.s32 $0xFFFFFFFE;
	s21 =	simm.s32 $0x10A00;
	[tilespmem:s18+$0xFFFFFFF0] =	vst v8;
	v48 =	vnsel vm0, $0x0, v7;
	s17 =	simm.s32 @!p0 $0x0  }
0xbf: {  	s22 =	simm.s32 $0x1;
	[tilespmem:s18+$0xFFFFFFE0] =	vst v48;
	s18 =	sadd.s32 $0x11100, s17;
	s19 =	sadd.s32 $0x11D40, s17  }
.LBB2_7:
0xc0: {  	s25 =	smul.u32 $0x25, s24;
	_ =	sdelay $0x1  }
0xc1: {  	s26 =	sadd.s32 $0x4A, s25  }
0xc2: {  	s23 =	sadd.s32 $0x2, s24;
	s26 =	sshrl.u32 s26, $0x8  }
0xc3: {  	s28 =	smulhi.u32 $0x24924925, s20;
	s29 =	ssub.s32 s23, s26  }
0xc4: {  	s29 =	sand.u32 $0xFE, s29  }
0xc5: {  	s30 =	ssub.s32 s20, s28;
	s29 =	sshrl.u32 s29, $0x1  }
0xc6: {  	s30 =	sshrl.u32 s30, $0x1;
	s26 =	sadd.s32 s26, s29  }
0xc7: {  	s28 =	sadd.s32 s28, s30;
	s26 =	sand.u32 $0xFC, s26  }
0xc8: {  	s28 =	sshrl.u32 s28, $0x2;
	s26 =	sshll.u32 s26, $0x5  }
0xc9: {  	s28 =	smul.u32 $0xFFFFF200, s28;
	v0 =	vld [tilespmem:s26+$0x10D80]  }
0xca: {  	v1 =	vld [tilespmem:s26+$0x10D90]  }
0xcb: {  	s28 =	sshra.s32 s28, $0x2;
	v2 =	vld [tilespmem:s26+$0x10DA0]  }
0xcc: {  	s28 =	sadd.s32 s28, s21;
	v3 =	vld [tilespmem:s26+$0x10DB0]  }
0xcd: {  	v4 =	vld [tilespmem:s28+$0x0]  }
0xce: {  	v5 =	vld [tilespmem:s28+$0x10]  }
0xcf: {  	v6 =	vld [tilespmem:s28+$0x20]  }
0xd0: {  	v7 =	vld [tilespmem:s28+$0x30]  }
0xd1: {  	v8 =	vld [tilespmem:s26+$0x10DC0]  }
0xd2: {  	v9 =	vld [tilespmem:s26+$0x10DD0]  }
0xd3: {  	v10 =	vld [tilespmem:s28+$0x40]  }
0xd4: {  	v23 =	vld [tilespmem:s28+$0x50];
	v41 =	vadd.s32 v0, v4  }
0xd5: {  	v25 =	vld [tilespmem:s26+$0x10DE0];
	v40 =	vadd.s32 v0, v5  }
0xd6: {  	v42 =	vld [tilespmem:s26+$0x10DF0];
	v39 =	vadd.s32 v1, v4  }
0xd7: {  	v43 =	vld [tilespmem:s28+$0x60];
	v38 =	vadd.s32 v1, v5  }
0xd8: {  	v44 =	vld [tilespmem:s28+$0x70];
	v48 =	vadd.s32 v0, v10  }
0xd9: {  	v34 =	vadd.s32 v0, v23;
	v0 =	vld.idx.msk [tilespmem:v41+s3+$0x0], $0xffff  }
0xda: {  	v51 =	vadd.s32 v1, v10;
	v45 =	vld.idx.msk [tilespmem:v40+s3+$0x0], $0xffff  }
0xdb: {  	v37 =	vadd.s32 v1, v23;
	v53 =	vld.idx.msk [tilespmem:v39+s3+$0x0], $0xffff  }
0xdc: {  	v35 =	vadd.s32 v4, v8;
	v46 =	vld.idx.msk [tilespmem:v38+s3+$0x0], $0xffff  }
0xdd: {  	v12 =	vmul.f32 v6, v2;
	v36 =	vadd.s32 v5, v8;
	v47 =	vld.idx.msk [tilespmem:v48+s3+$0x0], $0xffff  }
0xde: {  	v13 =	vmul.f32 v7, v2;
	v14 =	vmul.f32 v6, v3;
	v56 =	vadd.s32 v4, v9;
	v55 =	vld.idx.msk [tilespmem:v34+s3+$0x0], $0xffff  }
0xdf: {  	v15 =	vmul.f32 v7, v3;
	v16 =	vmul.f32 v43, v2;
	v58 =	vadd.s32 v5, v9;
	v59 =	vld.idx.msk [tilespmem:v51+s3+$0x0], $0xffff  }
0xe0: {  	v17 =	vmul.f32 v44, v2;
	v18 =	vmul.f32 v43, v3;
	v61 =	vadd.s32 v8, v10;
	v60 =	vld.idx.msk [tilespmem:v37+s3+$0x0], $0xffff  }
0xe1: {  	v19 =	vmul.f32 v44, v3;
	v20 =	vmul.f32 v25, v6;
	v31 =	vadd.s32 v9, v23;
	v62 =	vld.idx.msk [tilespmem:v35+s3+$0x0], $0xffff  }
0xe2: {  	v21 =	vmul.f32 v25, v7;
	v29 =	vadd.s32 v8, v23;
	v22 =	vmul.f32 v42, v6;
	v63 =	vld.idx.msk [tilespmem:v36+s3+$0x0], $0xffff  }
0xe3: {  	v24 =	vmul.f32 v42, v7;
	v30 =	vadd.s32 v9, v10;
	v26 =	vmul.f32 v43, v25;
	v32 =	vld.idx.msk [tilespmem:v56+s3+$0x0], $0xffff  }
0xe4: {  	v25 =	vmul.f32 v44, v25;
	v23 =	vmul.f32 v43, v42;
	v33 =	vld.idx.msk [tilespmem:v58+s3+$0x0], $0xffff  }
0xe5: {  	v11 =	vmul.f32 v44, v42;
	v50 =	vld.idx.msk [tilespmem:v61+s3+$0x0], $0xffff;
	v0 =	vmul.f32 v0, v12  }
0xe6: {  	v57 =	vld.idx.msk [tilespmem:v31+s3+$0x0], $0xffff;
	v49 =	vmul.f32 v45, v13;
	v1 =	vmul.f32 v53, v14  }
0xe7: {  	v52 =	vmul.f32 v46, v15;
	v53 =	vld.idx.msk [tilespmem:v29+s3+$0x0], $0xffff;
	v54 =	vmul.f32 v47, v16  }
0xe8: {  	v4 =	vmul.f32 v55, v17;
	v55 =	vld.idx.msk [tilespmem:v30+s3+$0x0], $0xffff;
	v2 =	vmul.f32 v59, v18  }
0xe9: {  	v3 =	vmul.f32 v60, v19;
	v5 =	vmul.f32 v62, v20  }
0xea: {  	v6 =	vmul.f32 v63, v21;
	v7 =	vmul.f32 v32, v22  }
0xeb: {  	v8 =	vmul.f32 v33, v24;
	v10 =	vmul.f32 v50, v26;
	v0 =	vadd.f32 v49, v0  }
0xec: {  	v59 =	vmul.f32 v57, v11;
	v1 =	vadd.f32 v52, v1;
	v4 =	vadd.f32 v4, v54  }
0xed: {  	v2 =	vadd.f32 v3, v2;
	v43 =	vmul.f32 v53, v25;
	v45 =	vmul.f32 v55, v23  }
0xee: {  	v60 =	vadd.f32 v6, v5;
	v62 =	vadd.f32 v8, v7  }
0xef: {  	v63 =	vadd.f32 v43, v10;
	v9 =	vadd.f32 v59, v45  }
0xf0: {  	v0 =	vadd.f32 v1, v0;
	v27 =	vadd.f32 v62, v60  }
0xf1: {  	v10 =	vadd.f32 v2, v4;
	v28 =	vadd.f32 v9, v63;
	_ =	sdelay $0x1  }
0xf2: {  	v33 =	vadd.s32 $0x1000, v41;
	v0 =	vadd.f32 v10, v0;
	v32 =	vadd.f32 v28, v27  }
0xf3: {  	v42 =	vadd.s32 $0x1000, v40  }
0xf4: {  	v43 =	vadd.s32 $0x1000, v39;
	v0 =	vadd.f32 v32, v0  }
0xf5: {  	v44 =	vadd.s32 $0x1000, v38  }
0xf6: {  	v45 =	vadd.s32 $0x1000, v48;
	[tilespmem:s19+$0xFFFFF3C0] =	vst v0  }
0xf7: {  	v46 =	vadd.s32 $0x1000, v34;
	v2 =	vld.idx.msk [tilespmem:v33+s3+$0x0], $0xffff  }
0xf8: {  	v47 =	vadd.s32 $0x1000, v51;
	v3 =	vld.idx.msk [tilespmem:v42+s3+$0x0], $0xffff  }
0xf9: {  	v49 =	vadd.s32 $0x1000, v37;
	v1 =	vld.idx.msk [tilespmem:v43+s3+$0x0], $0xffff  }
0xfa: {  	v50 =	vadd.s32 $0x1000, v35;
	v4 =	vld.idx.msk [tilespmem:v44+s3+$0x0], $0xffff  }
0xfb: {  	v52 =	vadd.s32 $0x1000, v36;
	v0 =	vld.idx.msk [tilespmem:v45+s3+$0x0], $0xffff  }
0xfc: {  	v53 =	vadd.s32 $0x1000, v56;
	v5 =	vld.idx.msk [tilespmem:v46+s3+$0x0], $0xffff  }
0xfd: {  	v54 =	vadd.s32 $0x1000, v58;
	v6 =	vld.idx.msk [tilespmem:v47+s3+$0x0], $0xffff  }
0xfe: {  	v55 =	vadd.s32 $0x1000, v61;
	v7 =	vld.idx.msk [tilespmem:v49+s3+$0x0], $0xffff  }
0xff: {  	v57 =	vadd.s32 $0x1000, v29;
	v8 =	vld.idx.msk [tilespmem:v50+s3+$0x0], $0xffff  }
0x100: {  	v59 =	vadd.s32 $0x1000, v30;
	v9 =	vld.idx.msk [tilespmem:v52+s3+$0x0], $0xffff  }
0x101: {  	v60 =	vadd.s32 $0x1000, v31;
	v10 =	vld.idx.msk [tilespmem:v53+s3+$0x0], $0xffff  }
0x102: {  	v42 =	vld.idx.msk [tilespmem:v54+s3+$0x0], $0xffff  }
0x103: {  	v43 =	vld.idx.msk [tilespmem:v55+s3+$0x0], $0xffff;
	v2 =	vmul.f32 v2, v12;
	v3 =	vmul.f32 v3, v13  }
0x104: {  	v44 =	vld.idx.msk [tilespmem:v57+s3+$0x0], $0xffff;
	v1 =	vmul.f32 v1, v14;
	v4 =	vmul.f32 v4, v15  }
0x105: {  	v45 =	vld.idx.msk [tilespmem:v59+s3+$0x0], $0xffff;
	v0 =	vmul.f32 v0, v16;
	v5 =	vmul.f32 v5, v17  }
0x106: {  	v46 =	vld.idx.msk [tilespmem:v60+s3+$0x0], $0xffff;
	v6 =	vmul.f32 v6, v18;
	v7 =	vmul.f32 v7, v19  }
0x107: {  	v8 =	vmul.f32 v8, v20;
	v9 =	vmul.f32 v9, v21  }
0x108: {  	v10 =	vmul.f32 v10, v22;
	v42 =	vmul.f32 v42, v24  }
0x109: {  	v43 =	vmul.f32 v43, v26;
	v44 =	vmul.f32 v44, v25  }
0x10a: {  	v45 =	vmul.f32 v45, v23;
	v2 =	vadd.f32 v3, v2;
	v1 =	vadd.f32 v4, v1  }
0x10b: {  	v62 =	vmul.f32 v46, v11;
	v0 =	vadd.f32 v5, v0;
	v63 =	vadd.f32 v7, v6  }
0x10c: {  	v9 =	vadd.f32 v9, v8;
	v10 =	vadd.f32 v42, v10  }
0x10d: {  	v27 =	vadd.f32 v44, v43;
	v3 =	vadd.f32 v62, v45  }
0x10e: {  	v1 =	vadd.f32 v1, v2;
	v0 =	vadd.f32 v63, v0  }
0x10f: {  	v28 =	vadd.f32 v10, v9;
	v3 =	vadd.f32 v3, v27;
	_ =	sdelay $0x1  }
0x110: {  	v33 =	vadd.s32 $0x2000, v41;
	v0 =	vadd.f32 v0, v1;
	v32 =	vadd.f32 v3, v28  }
0x111: {  	v42 =	vadd.s32 $0x2000, v40  }
0x112: {  	v43 =	vadd.s32 $0x2000, v39;
	v0 =	vadd.f32 v32, v0  }
0x113: {  	v44 =	vadd.s32 $0x2000, v38  }
0x114: {  	v45 =	vadd.s32 $0x2000, v48;
	[tilespmem:s19+$0xFFFFF6D0] =	vst v0  }
0x115: {  	v46 =	vadd.s32 $0x2000, v34;
	v2 =	vld.idx.msk [tilespmem:v33+s3+$0x0], $0xffff  }
0x116: {  	v47 =	vadd.s32 $0x2000, v51;
	v3 =	vld.idx.msk [tilespmem:v42+s3+$0x0], $0xffff  }
0x117: {  	v49 =	vadd.s32 $0x2000, v37;
	v1 =	vld.idx.msk [tilespmem:v43+s3+$0x0], $0xffff  }
0x118: {  	v50 =	vadd.s32 $0x2000, v35;
	v4 =	vld.idx.msk [tilespmem:v44+s3+$0x0], $0xffff  }
0x119: {  	v52 =	vadd.s32 $0x2000, v36;
	v0 =	vld.idx.msk [tilespmem:v45+s3+$0x0], $0xffff  }
0x11a: {  	v53 =	vadd.s32 $0x2000, v56;
	v5 =	vld.idx.msk [tilespmem:v46+s3+$0x0], $0xffff  }
0x11b: {  	v54 =	vadd.s32 $0x2000, v58;
	v6 =	vld.idx.msk [tilespmem:v47+s3+$0x0], $0xffff  }
0x11c: {  	v55 =	vadd.s32 $0x2000, v61;
	v7 =	vld.idx.msk [tilespmem:v49+s3+$0x0], $0xffff  }
0x11d: {  	v57 =	vadd.s32 $0x2000, v29;
	v8 =	vld.idx.msk [tilespmem:v50+s3+$0x0], $0xffff  }
0x11e: {  	v59 =	vadd.s32 $0x2000, v30;
	v9 =	vld.idx.msk [tilespmem:v52+s3+$0x0], $0xffff  }
0x11f: {  	v60 =	vadd.s32 $0x2000, v31;
	v10 =	vld.idx.msk [tilespmem:v53+s3+$0x0], $0xffff  }
0x120: {  	v42 =	vld.idx.msk [tilespmem:v54+s3+$0x0], $0xffff  }
0x121: {  	v43 =	vld.idx.msk [tilespmem:v55+s3+$0x0], $0xffff;
	v2 =	vmul.f32 v2, v12;
	v3 =	vmul.f32 v3, v13  }
0x122: {  	v44 =	vld.idx.msk [tilespmem:v57+s3+$0x0], $0xffff;
	v1 =	vmul.f32 v1, v14;
	v4 =	vmul.f32 v4, v15  }
0x123: {  	v45 =	vld.idx.msk [tilespmem:v59+s3+$0x0], $0xffff;
	v0 =	vmul.f32 v0, v16;
	v5 =	vmul.f32 v5, v17  }
0x124: {  	v46 =	vld.idx.msk [tilespmem:v60+s3+$0x0], $0xffff;
	v6 =	vmul.f32 v6, v18;
	v7 =	vmul.f32 v7, v19  }
0x125: {  	v8 =	vmul.f32 v8, v20;
	v9 =	vmul.f32 v9, v21  }
0x126: {  	v10 =	vmul.f32 v10, v22;
	v42 =	vmul.f32 v42, v24  }
0x127: {  	v43 =	vmul.f32 v43, v26;
	v44 =	vmul.f32 v44, v25  }
0x128: {  	v45 =	vmul.f32 v45, v23;
	v2 =	vadd.f32 v3, v2;
	v1 =	vadd.f32 v4, v1  }
0x129: {  	v62 =	vmul.f32 v46, v11;
	v0 =	vadd.f32 v5, v0;
	v63 =	vadd.f32 v7, v6  }
0x12a: {  	v9 =	vadd.f32 v9, v8;
	v27 =	vadd.f32 v42, v10  }
0x12b: {  	v28 =	vadd.f32 v44, v43;
	v3 =	vadd.f32 v62, v45  }
0x12c: {  	v1 =	vadd.f32 v1, v2;
	v0 =	vadd.f32 v63, v0  }
0x12d: {  	v32 =	vadd.f32 v27, v9;
	v3 =	vadd.f32 v3, v28;
	_ =	sdelay $0x1  }
0x12e: {  	v42 =	vadd.s32 $0x3000, v41;
	v0 =	vadd.f32 v0, v1;
	v33 =	vadd.f32 v3, v32  }
0x12f: {  	v43 =	vadd.s32 $0x3000, v40  }
0x130: {  	v44 =	vadd.s32 $0x3000, v39;
	v0 =	vadd.f32 v33, v0  }
0x131: {  	v45 =	vadd.s32 $0x3000, v38  }
0x132: {  	v46 =	vadd.s32 $0x3000, v48;
	[tilespmem:s19+$0xFFFFF9E0] =	vst v0  }
0x133: {  	v47 =	vadd.s32 $0x3000, v34;
	v2 =	vld.idx.msk [tilespmem:v42+s3+$0x0], $0xffff  }
0x134: {  	v49 =	vadd.s32 $0x3000, v51;
	v3 =	vld.idx.msk [tilespmem:v43+s3+$0x0], $0xffff  }
0x135: {  	v50 =	vadd.s32 $0x3000, v37;
	v1 =	vld.idx.msk [tilespmem:v44+s3+$0x0], $0xffff  }
0x136: {  	v52 =	vadd.s32 $0x3000, v35;
	v4 =	vld.idx.msk [tilespmem:v45+s3+$0x0], $0xffff  }
0x137: {  	v53 =	vadd.s32 $0x3000, v36;
	v0 =	vld.idx.msk [tilespmem:v46+s3+$0x0], $0xffff  }
0x138: {  	s25 =	sadd.s32 $0x6F, s25;
	v54 =	vadd.s32 $0x3000, v56;
	v5 =	vld.idx.msk [tilespmem:v47+s3+$0x0], $0xffff  }
0x139: {  	s25 =	sshrl.u32 s25, $0x8;
	s29 =	smulhi.u32 $0x24924925, s22;
	v55 =	vadd.s32 $0x3000, v58;
	v6 =	vld.idx.msk [tilespmem:v49+s3+$0x0], $0xffff  }
0x13a: {  	s28 =	ssub.s32 s24, s25;
	v57 =	vadd.s32 $0x3000, v61;
	v7 =	vld.idx.msk [tilespmem:v50+s3+$0x0], $0xffff  }
0x13b: {  	s30 =	ssub.s32 s22, s29;
	s24 =	sadd.s32 $0x3, s28;
	v59 =	vadd.s32 $0x3000, v29;
	v8 =	vld.idx.msk [tilespmem:v52+s3+$0x0], $0xffff  }
0x13c: {  	s28 =	sshrl.u32 s30, $0x1;
	s24 =	sand.u32 $0xFE, s24;
	v60 =	vadd.s32 $0x3000, v30;
	v9 =	vld.idx.msk [tilespmem:v53+s3+$0x0], $0xffff  }
0x13d: {  	s31 =	sadd.s32 s29, s28;
	s24 =	sshrl.u32 s24, $0x1;
	v62 =	vadd.s32 $0x3000, v31;
	v10 =	vld.idx.msk [tilespmem:v54+s3+$0x0], $0xffff  }
0x13e: {  	s24 =	sadd.s32 s25, s24;
	s25 =	sshrl.u32 s31, $0x2;
	v42 =	vld.idx.msk [tilespmem:v55+s3+$0x0], $0xffff  }
0x13f: {  	s25 =	smul.u32 $0xFFFFF200, s25;
	v43 =	vld.idx.msk [tilespmem:v57+s3+$0x0], $0xffff  }
0x140: {  	v44 =	vld.idx.msk [tilespmem:v59+s3+$0x0], $0xffff  }
0x141: {  	s25 =	sshra.s32 s25, $0x2;
	v45 =	vld.idx.msk [tilespmem:v60+s3+$0x0], $0xffff  }
0x142: {  	s25 =	sadd.s32 s25, s21;
	v46 =	vld.idx.msk [tilespmem:v62+s3+$0x0], $0xffff  }
0x143: {  	[tilespmem:$0x1FE30] =	vst v35;
	v49 =	vld [tilespmem:s25+$0x90]  }
0x144: {  	s24 =	sand.u32 $0xFC, s24;
	[tilespmem:$0x1FE90] =	vst v30;
	v50 =	vld [tilespmem:s25+$0xA0]  }
0x145: {  	[tilespmem:$0x1FEA0] =	vst v31;
	s24 =	sshll.u32 s24, $0x5;
	v52 =	vld [tilespmem:s25+$0xB0];
	v2 =	vmul.f32 v2, v12  }
0x146: {  	[tilespmem:$0x1FDC0] =	vst v40;
	v59 =	vld [tilespmem:s24+$0x10DC0];
	v3 =	vmul.f32 v3, v13;
	v1 =	vmul.f32 v1, v14  }
0x147: {  	[tilespmem:$0x1FEB0] =	vst v12;
	v54 =	vld [tilespmem:s24+$0x10DD0];
	v0 =	vmul.f32 v0, v16;
	v5 =	vmul.f32 v5, v17  }
0x148: {  	[tilespmem:$0x1FED0] =	vst v14;
	v57 =	vld [tilespmem:s25+$0xC0];
	v6 =	vmul.f32 v6, v18;
	v7 =	vmul.f32 v7, v19  }
0x149: {  	[tilespmem:$0x1FF30] =	vst v20;
	v60 =	vld [tilespmem:s25+$0xD0];
	v8 =	vmul.f32 v8, v20;
	v9 =	vmul.f32 v9, v21  }
0x14a: {  	[tilespmem:$0x1FD10] =	vst v21;
	v10 =	vmul.f32 v10, v22;
	v42 =	vmul.f32 v42, v24;
	v20 =	vld [tilespmem:s24+$0x10D80]  }
0x14b: {  	[tilespmem:$0x1FD50] =	vst v23;
	v43 =	vmul.f32 v43, v26;
	v45 =	vmul.f32 v45, v23;
	v23 =	vld [tilespmem:s25+$0x80]  }
0x14c: {  	[tilespmem:$0x1FD20] =	vst v22;
	v53 =	vld [tilespmem:s25+$0xE0];
	v44 =	vmul.f32 v44, v25;
	v12 =	vmul.f32 v46, v11;
	v2 =	vadd.f32 v3, v2  }
0x14d: {  	[tilespmem:$0x1FEC0] =	vst v13;
	v21 =	vld [tilespmem:s24+$0x10D90];
	v30 =	vadd.s32 v49, v54;
	v0 =	vadd.f32 v5, v0;
	v13 =	vadd.f32 v7, v6  }
0x14e: {  	[tilespmem:$0x1FEE0] =	vst v15;
	v4 =	vmul.f32 v4, v15;
	v22 =	vld [tilespmem:s24+$0x10DA0];
	v14 =	vadd.f32 v9, v8;
	v15 =	vadd.f32 v42, v10  }
0x14f: {  	[tilespmem:$0x1FEF0] =	vst v16;
	v16 =	vadd.f32 v44, v43;
	v3 =	vadd.f32 v12, v45;
	v44 =	vld [tilespmem:s24+$0x10DB0];
	v42 =	vadd.s32 v49, v59  }
0x150: {  	[tilespmem:$0x1FF10] =	vst v18;
	v1 =	vadd.f32 v4, v1;
	v4 =	vld [tilespmem:s24+$0x10DF0];
	v0 =	vadd.f32 v13, v0;
	v28 =	vadd.s32 v20, v23  }
0x151: {  	[tilespmem:$0x1FF00] =	vst v17;
	v17 =	vadd.f32 v15, v14;
	v3 =	vadd.f32 v3, v16;
	v13 =	vld [tilespmem:s24+$0x10DE0];
	v27 =	vadd.s32 v20, v49  }
0x152: {  	[tilespmem:$0x1FF50] =	vst v11;
	v55 =	vadd.s32 v21, v23;
	v15 =	vld.idx.msk [tilespmem:v30+s3+$0x0], $0xffff  }
0x153: {  	v63 =	vmovc v40;
	v40 =	vadd.s32 v59, v57;
	v31 =	vadd.s32 v21, v49;
	v18 =	vadd.f32 v3, v17;
	v3 =	vld [tilespmem:s25+$0xF0]  }
0x154: {  	v11 =	vadd.s32 v54, v57;
	v32 =	vadd.s32 v20, v57;
	v62 =	vadd.s32 v21, v57;
	v57 =	vld.idx.msk [tilespmem:v42+s3+$0x0], $0xffff  }
0x155: {  	[tilespmem:$0x1FE80] =	vst v29;
	v29 =	vadd.s32 v20, v60;
	v10 =	vld.idx.msk [tilespmem:v28+s3+$0x0], $0xffff  }
0x156: {  	[tilespmem:$0x1FDB0] =	vst v41;
	v8 =	vld.idx.msk [tilespmem:v27+s3+$0x0], $0xffff  }
0x157: {  	[tilespmem:$0x1FE40] =	vst v36;
	v33 =	vadd.s32 v21, v60;
	v43 =	vld.idx.msk [tilespmem:v55+s3+$0x0], $0xffff  }
0x158: {  	[tilespmem:$0x1FF20] =	vst v19;
	v19 =	vadd.s32 $0x4000, v41;
	v1 =	vadd.f32 v1, v2;
	v41 =	vadd.s32 v23, v59;
	v9 =	vld.idx.msk [tilespmem:v31+s3+$0x0], $0xffff  }
0x159: {  	[tilespmem:$0x1FD30] =	vst v24;
	v35 =	vmov v36;
	v36 =	vadd.s32 v23, v54;
	v12 =	vld.idx.msk [tilespmem:v32+s3+$0x0], $0xffff  }
0x15a: {  	[tilespmem:$0x1FF40] =	vst v25;
	v7 =	vmul.f32 v52, v22;
	v0 =	vadd.f32 v0, v1;
	v6 =	vld.idx.msk [tilespmem:v29+s3+$0x0], $0xffff  }
0x15b: {  	[tilespmem:$0x1FD40] =	vst v26;
	v1 =	vmul.f32 v53, v22;
	v20 =	vmul.f32 v50, v44;
	v14 =	vld.idx.msk [tilespmem:v62+s3+$0x0], $0xffff  }
0x15c: {  	v25 =	vmul.f32 v52, v44;
	v23 =	vmul.f32 v4, v52;
	v0 =	vadd.f32 v18, v0;
	v5 =	vld.idx.msk [tilespmem:v33+s3+$0x0], $0xffff  }
0x15d: {  	v26 =	vadd.s32 v59, v60;
	v46 =	vmul.f32 v53, v4;
	v18 =	vmul.f32 v53, v44;
	v17 =	vld.idx.msk [tilespmem:v41+s3+$0x0], $0xffff  }
0x15e: {  	v24 =	vmul.f32 v13, v52;
	v52 =	vmul.f32 v53, v13;
	v53 =	vadd.s32 $0x4000, v63;
	[tilespmem:s19+$0xFFFFFCF0] =	vst v0;
	v16 =	vld.idx.msk [tilespmem:v36+s3+$0x0], $0xffff  }
0x15f: {  	v0 =	vld.idx.msk [tilespmem:v19+s3+$0x0], $0xffff;
	v2 =	vmul.f32 v3, v22;
	v19 =	vmul.f32 v3, v44;
	v44 =	vmov v33  }
0x160: {  	v49 =	vmul.f32 v3, v13;
	v33 =	vadd.s32 v54, v60;
	v45 =	vmul.f32 v3, v4;
	v3 =	vld.idx.msk [tilespmem:v11+s3+$0x0], $0xffff  }
0x161: {  	[tilespmem:$0x1FDF0] =	vst v48;
	v54 =	vmov v36;
	v60 =	vadd.s32 $0x4000, v48;
	v36 =	vld [tilespmem:$0x1FE30]  }
0x162: {  	[tilespmem:$0x1FC10] =	vst v7;
	v8 =	vmul.f32 v8, v7;
	v7 =	vld.idx.msk [tilespmem:v26+s3+$0x0], $0xffff  }
0x163: {  	v47 =	vadd.s32 $0x4000, v38;
	v21 =	vmul.f32 v4, v50;
	[tilespmem:$0x1FDA0] =	vst v19;
	v5 =	vmul.f32 v5, v19;
	v19 =	vld.idx.msk [tilespmem:v53+s3+$0x0], $0xffff  }
0x164: {  	[tilespmem:$0x1FBC0] =	vst v0;
	v0 =	vmul.f32 v50, v22;
	v22 =	vmul.f32 v13, v50;
	v13 =	vld.idx.msk [tilespmem:v40+s3+$0x0], $0xffff  }
0x165: {  	[tilespmem:$0x1FC30] =	vst v25;
	v48 =	vmov v11;
	v9 =	vmul.f32 v9, v25;
	v25 =	vadd.s32 $0x4000, v39;
	v11 =	vld.idx.msk [tilespmem:v33+s3+$0x0], $0xffff  }
0x166: {  	[tilespmem:$0x1FBD0] =	vst v21;
	v16 =	vmul.f32 v16, v21;
	v21 =	vld.idx.msk [tilespmem:v60+s3+$0x0], $0xffff  }
0x167: {  	[tilespmem:$0x1FE20] =	vst v37;
	v63 =	vmov v40;
	v40 =	vmov v26;
	v26 =	vadd.s32 $0x4000, v37;
	v37 =	vld [tilespmem:$0x1FEA0]  }
0x168: {  	v12 =	vmul.f32 v12, v1;
	v50 =	vadd.s32 $0x4000, v35;
	v4 =	vmul.f32 v10, v0;
	v10 =	vld.idx.msk [tilespmem:v47+s3+$0x0], $0xffff  }
0x169: {  	v6 =	vmul.f32 v6, v2;
	[tilespmem:$0x1FC40] =	vst v22;
	v53 =	vmul.f32 v17, v22;
	v22 =	vld [tilespmem:$0x1FE80]  }
0x16a: {  	v59 =	vmul.f32 v43, v20;
	v43 =	vmov v20;
	v20 =	vld.idx.msk [tilespmem:v25+s3+$0x0], $0xffff  }
0x16b: {  	v6 =	vadd.f32 v6, v12;
	v12 =	vadd.s32 $0x4000, v51;
	v25 =	vmul.f32 v57, v24;
	v57 =	vld [tilespmem:$0x1FEB0]  }
0x16c: {  	[tilespmem:$0x1FD90] =	vst v18;
	v14 =	vmul.f32 v14, v18;
	v18 =	vadd.f32 v8, v4;
	v8 =	vadd.f32 v9, v59;
	v59 =	vld [tilespmem:$0x1FBC0]  }
0x16d: {  	[tilespmem:$0x1FE00] =	vst v34;
	v35 =	vmov v45;
	v9 =	vadd.s32 $0x4000, v34;
	v13 =	vmul.f32 v13, v52;
	v4 =	vld.idx.msk [tilespmem:v50+s3+$0x0], $0xffff  }
0x16e: {  	[tilespmem:$0x1FE60] =	vst v58;
	v34 =	vmovc v52;
	v11 =	vmul.f32 v11, v45;
	v52 =	vadd.s32 $0x4000, v58;
	v45 =	vadd.s32 $0x1000, v28;
	v58 =	vmovc v28;
	v28 =	vld [tilespmem:$0x1FED0]  }
0x16f: {  	[tilespmem:$0x1FDE0] =	vst v38;
	v47 =	vadd.s32 $0x4000, v36;
	v38 =	vadd.s32 $0x4000, v37;
	v37 =	vld [tilespmem:$0x1FF00]  }
0x170: {  	[tilespmem:$0x1FE10] =	vst v51;
	v51 =	vadd.s32 $0x4000, v56;
	v12 =	vld.idx.msk [tilespmem:v12+s3+$0x0], $0xffff  }
0x171: {  	v3 =	vmul.f32 v3, v46;
	v5 =	vadd.f32 v5, v14;
	v14 =	vadd.f32 v25, v53;
	v25 =	vld [tilespmem:$0x1FE90]  }
0x172: {  	[tilespmem:$0x1FE70] =	vst v61;
	v53 =	vadd.s32 $0x4000, v61;
	v61 =	vld [tilespmem:$0x1FEC0]  }
0x173: {  	[tilespmem:$0x1FDD0] =	vst v39;
	v3 =	vadd.f32 v11, v3;
	v11 =	vld.idx.msk [tilespmem:v26+s3+$0x0], $0xffff  }
0x174: {  	[tilespmem:$0x1FC60] =	vst v23;
	v15 =	vmul.f32 v15, v23;
	v23 =	vld.idx.msk [tilespmem:v47+s3+$0x0], $0xffff  }
0x175: {  	[tilespmem:$0x1FC50] =	vst v24;
	v7 =	vmul.f32 v7, v49;
	v24 =	vadd.s32 $0x4000, v22;
	v22 =	vld.idx.msk [tilespmem:v51+s3+$0x0], $0xffff  }
0x176: {  	[tilespmem:$0x1FE50] =	vst v56;
	v56 =	vmovc v27;
	v8 =	vadd.f32 v8, v18;
	v18 =	vadd.s32 $0x1000, v29;
	v47 =	vadd.s32 $0x1000, v27;
	v27 =	vmovc v29;
	v29 =	vld [tilespmem:$0x1FEE0]  }
0x177: {  	[tilespmem:$0x1FBE0] =	vst v41;
	v39 =	vmovc v1;
	v1 =	vadd.s32 $0x1000, v41;
	v5 =	vadd.f32 v5, v6;
	v51 =	vmov v41;
	v41 =	vld [tilespmem:$0x1FF30]  }
0x178: {  	v7 =	vadd.f32 v7, v13;
	v9 =	vld.idx.msk [tilespmem:v9+s3+$0x0], $0xffff  }
0x179: {  	v15 =	vadd.f32 v15, v16;
	v5 =	vadd.f32 v5, v8;
	v8 =	vld.idx.msk [tilespmem:v52+s3+$0x0], $0xffff  }
0x17a: {  	v3 =	vadd.f32 v3, v7;
	v7 =	vld.idx.msk [tilespmem:v38+s3+$0x0], $0xffff  }
0x17b: {  	v14 =	vadd.f32 v15, v14;
	v15 =	vadd.s32 $0x1000, v32;
	v38 =	vmov v32;
	v32 =	vld [tilespmem:$0x1FEF0]  }
0x17c: {  	v26 =	vadd.s32 $0x4000, v25;
	v13 =	vld.idx.msk [tilespmem:v53+s3+$0x0], $0xffff  }
0x17d: {  	[tilespmem:$0x1FC00] =	vst v0;
	v3 =	vadd.f32 v3, v14;
	v10 =	vmul.f32 v10, v29;
	v29 =	vld [tilespmem:$0x1FD10]  }
0x17e: {  	v20 =	vmul.f32 v20, v28;
	v23 =	vmul.f32 v23, v41;
	v41 =	vld [tilespmem:$0x1FC00]  }
0x17f: {  	v60 =	vmovc v49;
	v49 =	vadd.s32 $0x1000, v55;
	v50 =	vadd.s32 $0x1000, v31;
	v3 =	vadd.f32 v3, v5;
	v5 =	vld.idx.msk [tilespmem:v24+s3+$0x0], $0xffff  }
0x180: {  	v9 =	vmul.f32 v9, v37;
	v10 =	vadd.f32 v10, v20;
	v20 =	vadd.s32 $0x1000, v54;
	v37 =	vmovc v54;
	v54 =	vld [tilespmem:$0x1FF40]  }
0x181: {  	[tilespmem:s19+$0xFFFFF3D0] =	vst v3;
	v24 =	vld.idx.msk [tilespmem:v26+s3+$0x0], $0xffff  }
0x182: {  	v25 =	vld.idx.msk [tilespmem:v45+s3+$0x0], $0xffff  }
0x183: {  	v16 =	vld.idx.msk [tilespmem:v47+s3+$0x0], $0xffff  }
0x184: {  	v14 =	vld.idx.msk [tilespmem:v49+s3+$0x0], $0xffff  }
0x185: {  	v0 =	vadd.s32 $0x1000, v44;
	v17 =	vld.idx.msk [tilespmem:v50+s3+$0x0], $0xffff  }
0x186: {  	v50 =	vld [tilespmem:$0x1FF10]  }
0x187: {  	v47 =	vld [tilespmem:$0x1FF20]  }
0x188: {  	v15 =	vld.idx.msk [tilespmem:v15+s3+$0x0], $0xffff  }
0x189: {  	v18 =	vld.idx.msk [tilespmem:v18+s3+$0x0], $0xffff  }
0x18a: {  	v6 =	vld.idx.msk [tilespmem:v0+s3+$0x0], $0xffff  }
0x18b: {  	[tilespmem:$0x1FD80] =	vst v2;
	v2 =	vadd.s32 $0x1000, v42;
	v26 =	vmovc v31;
	v31 =	vmul.f32 v59, v57;
	v59 =	vmov v44;
	v44 =	vld [tilespmem:$0x1FD20]  }
0x18c: {  	v19 =	vmul.f32 v19, v61;
	v61 =	vadd.s32 $0x1000, v33;
	v49 =	vld [tilespmem:$0x1FD30]  }
0x18d: {  	v3 =	vld.idx.msk [tilespmem:v1+s3+$0x0], $0xffff  }
0x18e: {  	v45 =	vld [tilespmem:$0x1FD40]  }
0x18f: {  	[tilespmem:$0x1FBF0] =	vst v48;
	v21 =	vmul.f32 v21, v32;
	v32 =	vmov v48;
	v0 =	vadd.s32 $0x1000, v48;
	v48 =	vld [tilespmem:$0x1FD50]  }
0x190: {  	v2 =	vld.idx.msk [tilespmem:v2+s3+$0x0], $0xffff  }
0x191: {  	v1 =	vld.idx.msk [tilespmem:v61+s3+$0x0], $0xffff;
	v4 =	vmul.f32 v4, v29  }
0x192: {  	v61 =	vld [tilespmem:$0x1FD90]  }
0x193: {  	v4 =	vadd.f32 v4, v23;
	v23 =	vld [tilespmem:$0x1FD80]  }
0x194: {  	v53 =	vmov v42;
	v42 =	vadd.s32 $0x1000, v63;
	v24 =	vmul.f32 v24, v48;
	v48 =	vld [tilespmem:$0x1FF50]  }
0x195: {  	v13 =	vmul.f32 v13, v45;
	v45 =	vld.idx.msk [tilespmem:v20+s3+$0x0], $0xffff  }
0x196: {  	v9 =	vadd.f32 v9, v21;
	v21 =	vadd.s32 $0x1000, v30;
	v22 =	vmul.f32 v22, v44;
	v44 =	vld [tilespmem:$0x1FC30]  }
0x197: {  	v52 =	vmov v62;
	v62 =	vadd.s32 $0x1000, v62;
	v5 =	vmul.f32 v5, v54;
	v0 =	vld.idx.msk [tilespmem:v0+s3+$0x0], $0xffff  }
0x198: {  	v57 =	vadd.s32 $0x1000, v40;
	v20 =	vld [tilespmem:$0x1FDA0]  }
0x199: {  	v5 =	vadd.f32 v5, v13;
	v13 =	vld.idx.msk [tilespmem:v42+s3+$0x0], $0xffff  }
0x19a: {  	v12 =	vmul.f32 v12, v50;
	v11 =	vmul.f32 v11, v47;
	v42 =	vld [tilespmem:$0x1FC10]  }
0x19b: {  	v8 =	vmul.f32 v8, v49;
	v21 =	vld.idx.msk [tilespmem:v21+s3+$0x0], $0xffff  }
0x19c: {  	v19 =	vadd.f32 v19, v31;
	v25 =	vmul.f32 v25, v41;
	v11 =	vadd.f32 v11, v12;
	v12 =	vld.idx.msk [tilespmem:v62+s3+$0x0], $0xffff  }
0x19d: {  	v28 =	vmul.f32 v14, v43;
	v8 =	vadd.f32 v8, v22;
	v22 =	vld.idx.msk [tilespmem:v57+s3+$0x0], $0xffff;
	v7 =	vmul.f32 v7, v48  }
0x19e: {  	v62 =	vmovc v30;
	v30 =	vmov v33;
	v33 =	vld [tilespmem:$0x1FC40];
	v9 =	vadd.f32 v11, v9;
	v31 =	vmul.f32 v17, v44  }
0x19f: {  	v4 =	vadd.f32 v8, v4;
	v7 =	vadd.f32 v7, v24;
	v16 =	vmul.f32 v16, v42;
	v24 =	vld [tilespmem:$0x1FC50]  }
0x1a0: {  	v8 =	vmul.f32 v15, v39;
	v15 =	vmul.f32 v18, v23;
	v11 =	vadd.f32 v31, v28;
	v28 =	vld [tilespmem:$0x1FBD0]  }
0x1a1: {  	v5 =	vadd.f32 v7, v5;
	v7 =	vmul.f32 v12, v61;
	v12 =	vadd.f32 v16, v25;
	v25 =	vld [tilespmem:$0x1FC60]  }
0x1a2: {  	v6 =	vmul.f32 v6, v20  }
0x1a3: {  	v1 =	vmul.f32 v1, v35;
	v0 =	vmul.f32 v0, v46;
	v8 =	vadd.f32 v15, v8  }
0x1a4: {  	v3 =	vmul.f32 v3, v33;
	v13 =	vmul.f32 v13, v34;
	v6 =	vadd.f32 v6, v7  }
0x1a5: {  	v10 =	vadd.f32 v10, v19;
	v31 =	vmul.f32 v22, v60;
	v2 =	vmul.f32 v2, v24  }
0x1a6: {  	v45 =	vmul.f32 v45, v28;
	v6 =	vadd.f32 v6, v8;
	v8 =	vld [tilespmem:$0x1FDB0];
	v57 =	vmul.f32 v21, v25  }
0x1a7: {  	[tilespmem:$0x1FC90] =	vst v46;
	v22 =	vmov v46;
	v0 =	vadd.f32 v1, v0;
	v46 =	vadd.f32 v31, v13  }
0x1a8: {  	v14 =	vadd.s32 $0x2000, v27;
	v2 =	vadd.f32 v2, v3;
	v45 =	vadd.f32 v57, v45  }
0x1a9: {  	[tilespmem:$0x1FC80] =	vst v60;
	v17 =	vadd.s32 $0x2000, v51;
	v0 =	vadd.f32 v0, v46;
	v21 =	vmovc v60;
	v60 =	vadd.f32 v9, v10  }
0x1aa: {  	v51 =	vadd.s32 $0x2000, v63;
	v57 =	vadd.f32 v11, v12;
	v2 =	vadd.f32 v45, v2  }
0x1ab: {  	v4 =	vadd.f32 v5, v4;
	v9 =	vadd.s32 $0x2000, v58;
	v5 =	vadd.s32 $0x5000, v8  }
0x1ac: {  	[tilespmem:$0x1FCC0] =	vst v55;
	v10 =	vadd.s32 $0x2000, v56;
	v1 =	vadd.f32 v6, v57;
	v0 =	vadd.f32 v0, v2  }
0x1ad: {  	[tilespmem:$0x1FCE0] =	vst v27;
	v31 =	vmovc v55;
	v3 =	vadd.f32 v4, v60;
	v11 =	vadd.s32 $0x2000, v55;
	v55 =	vmovc v26;
	v12 =	vadd.s32 $0x2000, v26  }
0x1ae: {  	[tilespmem:$0x1FCD0] =	vst v38;
	v26 =	vmovc v27;
	v27 =	vadd.s32 $0x2000, v32;
	v32 =	vadd.s32 $0x2000, v30;
	v60 =	vmovc v30;
	v30 =	vld [tilespmem:$0x1FDF0];
	v0 =	vadd.f32 v0, v1  }
0x1af: {  	v13 =	vadd.s32 $0x2000, v38;
	v46 =	vmovc v63;
	v63 =	vmovc v40;
	[tilespmem:s19+$0x0] =	vst v3;
	v57 =	vmov v38;
	v38 =	vadd.s32 $0x2000, v40;
	v40 =	vld [tilespmem:$0x1FDC0]  }
0x1b0: {  	[tilespmem:s19+$0xFFFFF6E0] =	vst v0;
	v0 =	vld.idx.msk [tilespmem:v5+s3+$0x0], $0xffff  }
0x1b1: {  	v2 =	vld.idx.msk [tilespmem:v9+s3+$0x0], $0xffff  }
0x1b2: {  	v15 =	vadd.s32 $0x2000, v52;
	v4 =	vld.idx.msk [tilespmem:v10+s3+$0x0], $0xffff  }
0x1b3: {  	v16 =	vadd.s32 $0x2000, v59;
	v1 =	vld.idx.msk [tilespmem:v11+s3+$0x0], $0xffff  }
0x1b4: {  	v3 =	vld.idx.msk [tilespmem:v12+s3+$0x0], $0xffff  }
0x1b5: {  	v18 =	vadd.s32 $0x2000, v53;
	v5 =	vld.idx.msk [tilespmem:v13+s3+$0x0], $0xffff  }
0x1b6: {  	v19 =	vadd.s32 $0x2000, v37;
	v6 =	vld.idx.msk [tilespmem:v14+s3+$0x0], $0xffff  }
0x1b7: {  	v7 =	vld.idx.msk [tilespmem:v15+s3+$0x0], $0xffff  }
0x1b8: {  	v8 =	vld.idx.msk [tilespmem:v16+s3+$0x0], $0xffff  }
0x1b9: {  	v9 =	vld.idx.msk [tilespmem:v17+s3+$0x0], $0xffff  }
0x1ba: {  	v10 =	vld.idx.msk [tilespmem:v18+s3+$0x0], $0xffff  }
0x1bb: {  	v11 =	vld.idx.msk [tilespmem:v19+s3+$0x0], $0xffff  }
0x1bc: {  	v13 =	vld.idx.msk [tilespmem:v51+s3+$0x0], $0xffff  }
0x1bd: {  	v12 =	vadd.s32 $0x2000, v62;
	v51 =	vld [tilespmem:$0x1FDD0]  }
0x1be: {  	v14 =	vld.idx.msk [tilespmem:v38+s3+$0x0], $0xffff  }
0x1bf: {  	v15 =	vld.idx.msk [tilespmem:v27+s3+$0x0], $0xffff  }
0x1c0: {  	v32 =	vld.idx.msk [tilespmem:v32+s3+$0x0], $0xffff  }
0x1c1: {  	v38 =	vld [tilespmem:$0x1FE00]  }
0x1c2: {  	v12 =	vld.idx.msk [tilespmem:v12+s3+$0x0], $0xffff  }
0x1c3: {  	[tilespmem:$0x1FD70] =	vst v39;
	v5 =	vmul.f32 v5, v39;
	v39 =	vld [tilespmem:$0x1FDE0]  }
0x1c4: {  	v2 =	vmul.f32 v2, v41;
	v41 =	vld [tilespmem:$0x1FE10]  }
0x1c5: {  	[tilespmem:$0x1FC20] =	vst v43;
	v1 =	vmul.f32 v1, v43;
	v43 =	vadd.s32 $0x5000, v36;
	v36 =	vld [tilespmem:$0x1FE40]  }
0x1c6: {  	v4 =	vmul.f32 v4, v42;
	v42 =	vadd.s32 $0x5000, v40;
	v7 =	vmul.f32 v7, v61;
	v61 =	vld [tilespmem:$0x1FE50]  }
0x1c7: {  	[tilespmem:$0x1FC70] =	vst v34;
	v3 =	vmul.f32 v3, v44;
	v44 =	vadd.s32 $0x5000, v51;
	v13 =	vmul.f32 v13, v34;
	v34 =	vld [tilespmem:$0x1FE80]  }
0x1c8: {  	v8 =	vmul.f32 v8, v20;
	v9 =	vmul.f32 v9, v33;
	v33 =	vld [tilespmem:$0x1FEA0]  }
0x1c9: {  	[tilespmem:$0x1FCA0] =	vst v35;
	v20 =	vadd.s32 $0x5000, v30;
	v1 =	vadd.f32 v3, v1;
	v3 =	vmul.f32 v32, v35;
	v35 =	vld [tilespmem:$0x1FE60]  }
0x1ca: {  	v27 =	vadd.s32 $0x5000, v38;
	v32 =	vld [tilespmem:$0x1FEB0]  }
0x1cb: {  	v30 =	vadd.f32 v8, v7;
	v7 =	vld.idx.msk [tilespmem:v42+s3+$0x0], $0xffff  }
0x1cc: {  	v16 =	vld.idx.msk [tilespmem:v44+s3+$0x0], $0xffff  }
0x1cd: {  	v45 =	vmov v62;
	v62 =	vadd.s32 $0x5000, v39;
	v42 =	vld [tilespmem:$0x1FE20]  }
0x1ce: {  	v8 =	vadd.s32 $0x5000, v41;
	v20 =	vld.idx.msk [tilespmem:v20+s3+$0x0], $0xffff  }
0x1cf: {  	v2 =	vadd.f32 v4, v2;
	v4 =	vld.idx.msk [tilespmem:v27+s3+$0x0], $0xffff  }
0x1d0: {  	v6 =	vmul.f32 v6, v23;
	v44 =	vadd.s32 $0x5000, v36;
	v27 =	vld [tilespmem:$0x1FE70]  }
0x1d1: {  	v15 =	vmul.f32 v15, v22;
	v22 =	vadd.s32 $0x5000, v61;
	v41 =	vld [tilespmem:$0x1FE90]  }
0x1d2: {  	v10 =	vmul.f32 v10, v24;
	v14 =	vmul.f32 v14, v21;
	v5 =	vadd.f32 v6, v5;
	v18 =	vld.idx.msk [tilespmem:v62+s3+$0x0], $0xffff  }
0x1d3: {  	v11 =	vmul.f32 v11, v28;
	v3 =	vadd.f32 v3, v15;
	v12 =	vmul.f32 v12, v25;
	v8 =	vld.idx.msk [tilespmem:v8+s3+$0x0], $0xffff  }
0x1d4: {  	v25 =	vadd.f32 v14, v13;
	v62 =	vmov v28;
	v28 =	vadd.f32 v30, v5;
	v5 =	vld.idx.msk [tilespmem:v43+s3+$0x0], $0xffff  }
0x1d5: {  	v9 =	vadd.f32 v10, v9;
	v23 =	vadd.f32 v12, v11;
	v24 =	vadd.s32 $0x5000, v35;
	v10 =	vld.idx.msk [tilespmem:v44+s3+$0x0], $0xffff  }
0x1d6: {  	v19 =	vadd.s32 $0x3000, v55;
	v1 =	vadd.f32 v1, v2;
	v3 =	vadd.f32 v3, v25;
	v15 =	vld.idx.msk [tilespmem:v22+s3+$0x0], $0xffff  }
0x1d7: {  	v9 =	vadd.f32 v23, v9;
	v17 =	vadd.s32 $0x5000, v42;
	v14 =	vadd.s32 $0x5000, v27;
	v27 =	vmovc v55;
	v55 =	vld [tilespmem:$0x1FEF0]  }
0x1d8: {  	v12 =	vadd.s32 $0x5000, v41;
	v41 =	vld [tilespmem:$0x1FF00]  }
0x1d9: {  	v30 =	vadd.s32 $0x5000, v34;
	v22 =	vld [tilespmem:$0x1FC90];
	v43 =	vadd.f32 v3, v9;
	v1 =	vadd.f32 v28, v1  }
0x1da: {  	v3 =	vld.idx.msk [tilespmem:v24+s3+$0x0], $0xffff  }
0x1db: {  	v1 =	vadd.f32 v43, v1;
	v43 =	vld [tilespmem:$0x1FEC0]  }
0x1dc: {  	v13 =	vld.idx.msk [tilespmem:v17+s3+$0x0], $0xffff  }
0x1dd: {  	v42 =	vadd.s32 $0x5000, v33;
	v11 =	vld.idx.msk [tilespmem:v14+s3+$0x0], $0xffff  }
0x1de: {  	v2 =	vld.idx.msk [tilespmem:v30+s3+$0x0], $0xffff  }
0x1df: {  	v44 =	vadd.s32 $0x3000, v58;
	v12 =	vld.idx.msk [tilespmem:v12+s3+$0x0], $0xffff  }
0x1e0: {  	[tilespmem:$0x1FCB0] =	vst v58;
	v58 =	vadd.s32 $0x3000, v56;
	v30 =	vld [tilespmem:$0x1FF30]  }
0x1e1: {  	v24 =	vadd.s32 $0x3000, v63;
	v20 =	vmul.f32 v20, v55;
	v55 =	vmov v63;
	v63 =	vld [tilespmem:$0x1FC10]  }
0x1e2: {  	v61 =	vadd.s32 $0x3000, v31;
	[tilespmem:s19+$0xFFFFF9F0] =	vst v1;
	v1 =	vld.idx.msk [tilespmem:v42+s3+$0x0], $0xffff  }
0x1e3: {  	v42 =	vld [tilespmem:$0x1FEE0]  }
0x1e4: {  	v9 =	vld.idx.msk [tilespmem:v44+s3+$0x0], $0xffff  }
0x1e5: {  	v14 =	vld.idx.msk [tilespmem:v58+s3+$0x0], $0xffff  }
0x1e6: {  	v58 =	vld [tilespmem:$0x1FED0]  }
0x1e7: {  	v17 =	vadd.s32 $0x3000, v57;
	v6 =	vld.idx.msk [tilespmem:v61+s3+$0x0], $0xffff  }
0x1e8: {  	v19 =	vld.idx.msk [tilespmem:v19+s3+$0x0], $0xffff  }
0x1e9: {  	[tilespmem:$0x1FD00] =	vst v37;
	v31 =	vadd.s32 $0x3000, v52;
	v44 =	vmov v52;
	v52 =	vld [tilespmem:$0x1FBE0]  }
0x1ea: {  	[tilespmem:$0x1FCF0] =	vst v59;
	v61 =	vadd.s32 $0x3000, v59;
	v59 =	vadd.s32 $0x3000, v37;
	v37 =	vld [tilespmem:$0x1FD40]  }
0x1eb: {  	v4 =	vmul.f32 v4, v41;
	v3 =	vmul.f32 v3, v49;
	v49 =	vld [tilespmem:$0x1FBF0]  }
0x1ec: {  	v8 =	vmul.f32 v8, v50;
	v17 =	vld.idx.msk [tilespmem:v17+s3+$0x0], $0xffff  }
0x1ed: {  	v4 =	vadd.f32 v4, v20;
	v20 =	vadd.s32 $0x3000, v45;
	v13 =	vmul.f32 v13, v47;
	v47 =	vld [tilespmem:$0x1FD50]  }
0x1ee: {  	v1 =	vmul.f32 v1, v48;
	v48 =	vld [tilespmem:$0x1FD80]  }
0x1ef: {  	v28 =	vadd.s32 $0x3000, v26;
	v8 =	vadd.f32 v13, v8;
	v13 =	vld.idx.msk [tilespmem:v31+s3+$0x0], $0xffff  }
0x1f0: {  	v10 =	vmul.f32 v10, v29;
	v5 =	vmul.f32 v5, v30;
	v21 =	vld.idx.msk [tilespmem:v61+s3+$0x0], $0xffff  }
0x1f1: {  	v0 =	vmul.f32 v0, v32;
	v7 =	vmul.f32 v7, v43;
	v31 =	vld [tilespmem:$0x1FD20]  }
0x1f2: {  	v18 =	vmul.f32 v18, v42;
	v16 =	vmul.f32 v16, v58;
	v5 =	vadd.f32 v10, v5;
	v10 =	vld.idx.msk [tilespmem:v20+s3+$0x0], $0xffff  }
0x1f3: {  	v57 =	vadd.s32 $0x3000, v52;
	v20 =	vld [tilespmem:$0x1FD90]  }
0x1f4: {  	v0 =	vadd.f32 v7, v0;
	v58 =	vadd.s32 $0x3000, v53;
	v7 =	vadd.f32 v18, v16;
	v16 =	vld.idx.msk [tilespmem:v28+s3+$0x0], $0xffff  }
0x1f5: {  	v61 =	vadd.s32 $0x3000, v46;
	v18 =	vld.idx.msk [tilespmem:v59+s3+$0x0], $0xffff  }
0x1f6: {  	[tilespmem:$0x1FD60] =	vst v60;
	v50 =	vmov v53;
	v53 =	vadd.s32 $0x3000, v60;
	v28 =	vmov v60;
	v60 =	vld [tilespmem:$0x1FC00]  }
0x1f7: {  	v59 =	vld [tilespmem:$0x1FC60]  }
0x1f8: {  	v2 =	vmul.f32 v2, v54;
	v11 =	vmul.f32 v11, v37;
	v23 =	vld.idx.msk [tilespmem:v57+s3+$0x0], $0xffff  }
0x1f9: {  	v12 =	vmul.f32 v12, v47;
	v25 =	vld.idx.msk [tilespmem:v58+s3+$0x0], $0xffff  }
0x1fa: {  	v2 =	vadd.f32 v2, v11;
	v11 =	vld.idx.msk [tilespmem:v61+s3+$0x0], $0xffff  }
0x1fb: {  	v15 =	vmul.f32 v15, v31;
	v31 =	vadd.s32 $0x3000, v49;
	v1 =	vadd.f32 v1, v12;
	v12 =	vld.idx.msk [tilespmem:v24+s3+$0x0], $0xffff  }
0x1fc: {  	v58 =	vld [tilespmem:$0x1FC20]  }
0x1fd: {  	v61 =	vld [tilespmem:$0x1FC30]  }
0x1fe: {  	v57 =	vld [tilespmem:$0x1FC40]  }
0x1ff: {  	v3 =	vadd.f32 v3, v15;
	v15 =	vmul.f32 v16, v48;
	v16 =	vld.idx.msk [tilespmem:v53+s3+$0x0], $0xffff  }
0x200: {  	v37 =	vmul.f32 v14, v63;
	v14 =	vld.idx.msk [tilespmem:v31+s3+$0x0], $0xffff  }
0x201: {  	v54 =	vmul.f32 v9, v60;
	v31 =	vld [tilespmem:$0x1FDA0]  }
0x202: {  	v53 =	vld [tilespmem:$0x1FC50]  }
0x203: {  	v0 =	vadd.f32 v7, v0;
	v7 =	vadd.f32 v37, v54;
	v54 =	vld [tilespmem:$0x1FC80]  }
0x204: {  	v47 =	vmul.f32 v19, v61;
	v19 =	vld [tilespmem:$0x1FD70]  }
0x205: {  	v29 =	vmul.f32 v23, v57;
	v23 =	vld [tilespmem:$0x1FCA0]  }
0x206: {  	v6 =	vmul.f32 v6, v58;
	v26 =	vmul.f32 v21, v31;
	v21 =	vld [tilespmem:$0x1FC70]  }
0x207: {  	v4 =	vadd.f32 v8, v4;
	v24 =	vmul.f32 v13, v20;
	v1 =	vadd.f32 v1, v2  }
0x208: {  	v10 =	vmul.f32 v10, v59;
	v6 =	vadd.f32 v47, v6;
	v47 =	vmul.f32 v18, v62  }
0x209: {  	v3 =	vadd.f32 v3, v5;
	v37 =	vmul.f32 v25, v53;
	v12 =	vmul.f32 v12, v54  }
0x20a: {  	v8 =	vadd.f32 v10, v47;
	v5 =	vmul.f32 v17, v19;
	v18 =	vmul.f32 v14, v22  }
0x20b: {  	v47 =	vld [tilespmem:$0x1FDB0];
	v2 =	vadd.f32 v26, v24;
	v24 =	vmul.f32 v16, v23;
	v11 =	vmul.f32 v11, v21  }
0x20c: {  	v9 =	vadd.f32 v37, v29;
	v5 =	vadd.f32 v15, v5  }
0x20d: {  	v26 =	vadd.f32 v24, v18;
	v25 =	vadd.f32 v12, v11  }
0x20e: {  	v6 =	vadd.f32 v6, v7;
	v29 =	vadd.f32 v8, v9;
	v24 =	vld [tilespmem:$0x1FCE0]  }
0x20f: {  	v2 =	vadd.f32 v2, v5;
	v37 =	vadd.f32 v26, v25  }
0x210: {  	v0 =	vadd.f32 v4, v0;
	v1 =	vadd.f32 v1, v3;
	v3 =	vadd.s32 $0x6000, v47;
	v47 =	vld [tilespmem:$0x1FD00]  }
0x211: {  	v10 =	vadd.s32 $0x4000, v56;
	v2 =	vadd.f32 v2, v6;
	v26 =	vld [tilespmem:$0x1FCC0];
	v8 =	vadd.f32 v37, v29  }
0x212: {  	v0 =	vadd.f32 v1, v0;
	v12 =	vadd.s32 $0x4000, v27;
	v25 =	vld [tilespmem:$0x1FCD0]  }
0x213: {  	v14 =	vadd.s32 $0x4000, v24;
	v37 =	vld [tilespmem:$0x1FCB0];
	v2 =	vadd.f32 v8, v2  }
0x214: {  	[tilespmem:s19+$0x310] =	vst v0;
	v15 =	vadd.s32 $0x4000, v44;
	v29 =	vld [tilespmem:$0x1FCF0]  }
0x215: {  	v17 =	vadd.s32 $0x4000, v50;
	[tilespmem:s19+$0xFFFFFD00] =	vst v2;
	v2 =	vld.idx.msk [tilespmem:v3+s3+$0x0], $0xffff  }
0x216: {  	v28 =	vadd.s32 $0x4000, v28;
	v1 =	vld.idx.msk [tilespmem:v10+s3+$0x0], $0xffff  }
0x217: {  	v11 =	vadd.s32 $0x4000, v26;
	v0 =	vld.idx.msk [tilespmem:v12+s3+$0x0], $0xffff  }
0x218: {  	v13 =	vadd.s32 $0x4000, v25;
	v6 =	vld.idx.msk [tilespmem:v14+s3+$0x0], $0xffff  }
0x219: {  	v18 =	vadd.s32 $0x4000, v47;
	v7 =	vld.idx.msk [tilespmem:v15+s3+$0x0], $0xffff  }
0x21a: {  	v10 =	vld.idx.msk [tilespmem:v17+s3+$0x0], $0xffff  }
0x21b: {  	v9 =	vadd.s32 $0x4000, v37;
	v28 =	vld.idx.msk [tilespmem:v28+s3+$0x0], $0xffff  }
0x21c: {  	v8 =	vadd.s32 $0x4000, v29;
	v4 =	vld.idx.msk [tilespmem:v11+s3+$0x0], $0xffff  }
0x21d: {  	v16 =	vadd.s32 $0x4000, v52;
	v3 =	vld.idx.msk [tilespmem:v13+s3+$0x0], $0xffff  }
0x21e: {  	v12 =	vadd.s32 $0x4000, v45;
	v11 =	vld.idx.msk [tilespmem:v18+s3+$0x0], $0xffff  }
0x21f: {  	v14 =	vadd.s32 $0x4000, v55;
	v18 =	vadd.s32 $0x6000, v51;
	v51 =	vld [tilespmem:$0x1FDF0]  }
0x220: {  	v5 =	vld.idx.msk [tilespmem:v9+s3+$0x0], $0xffff  }
0x221: {  	v15 =	vadd.s32 $0x4000, v49;
	v8 =	vld.idx.msk [tilespmem:v8+s3+$0x0], $0xffff  }
0x222: {  	v13 =	vadd.s32 $0x4000, v46;
	v9 =	vld.idx.msk [tilespmem:v16+s3+$0x0], $0xffff  }
0x223: {  	v12 =	vld.idx.msk [tilespmem:v12+s3+$0x0], $0xffff  }
0x224: {  	v14 =	vld.idx.msk [tilespmem:v14+s3+$0x0], $0xffff  }
0x225: {  	v6 =	vmul.f32 v6, v48;
	v48 =	vld [tilespmem:$0x1FE20]  }
0x226: {  	v40 =	vadd.s32 $0x6000, v40;
	v15 =	vld.idx.msk [tilespmem:v15+s3+$0x0], $0xffff  }
0x227: {  	v1 =	vmul.f32 v1, v63;
	v0 =	vmul.f32 v0, v61;
	v13 =	vld.idx.msk [tilespmem:v13+s3+$0x0], $0xffff  }
0x228: {  	v7 =	vmul.f32 v7, v20;
	v3 =	vmul.f32 v3, v19;
	v19 =	vadd.s32 $0x6000, v39;
	v16 =	vld.idx.msk [tilespmem:v18+s3+$0x0], $0xffff  }
0x229: {  	v4 =	vmul.f32 v4, v58;
	v20 =	vadd.s32 $0x6000, v51;
	v51 =	vld [tilespmem:$0x1FE30];
	v8 =	vmul.f32 v8, v31  }
0x22a: {  	v11 =	vmul.f32 v11, v62;
	v31 =	vadd.s32 $0x6000, v38;
	v17 =	vadd.s32 $0x6000, v48;
	v48 =	vld [tilespmem:$0x1FE70]  }
0x22b: {  	v3 =	vadd.f32 v6, v3;
	v12 =	vmul.f32 v12, v59;
	v6 =	vadd.f32 v8, v7;
	v7 =	vld.idx.msk [tilespmem:v40+s3+$0x0], $0xffff  }
0x22c: {  	v10 =	vmul.f32 v10, v53;
	v5 =	vmul.f32 v5, v60;
	v0 =	vadd.f32 v0, v4;
	v40 =	vld [tilespmem:$0x1FE10]  }
0x22d: {  	v9 =	vmul.f32 v9, v57;
	v4 =	vmul.f32 v28, v23;
	v28 =	vadd.f32 v12, v11;
	v18 =	vld.idx.msk [tilespmem:v19+s3+$0x0], $0xffff  }
0x22e: {  	v14 =	vmul.f32 v14, v54;
	v19 =	vadd.s32 $0x6000, v51;
	v20 =	vld.idx.msk [tilespmem:v20+s3+$0x0], $0xffff;
	v13 =	vmul.f32 v13, v21  }
0x22f: {  	v38 =	vmovc v21;
	v1 =	vadd.f32 v1, v5;
	v9 =	vadd.f32 v10, v9;
	v21 =	vadd.s32 $0x6000, v36;
	v5 =	vld.idx.msk [tilespmem:v31+s3+$0x0], $0xffff  }
0x230: {  	v31 =	vadd.s32 $0x6000, v35;
	v35 =	vadd.f32 v14, v13;
	v13 =	vld.idx.msk [tilespmem:v17+s3+$0x0], $0xffff  }
0x231: {  	v9 =	vadd.f32 v28, v9;
	v17 =	vadd.s32 $0x5000, v25;
	v28 =	vmov v25;
	v25 =	vld [tilespmem:$0x1FEF0]  }
0x232: {  	v14 =	vadd.s32 $0x6000, v48;
	v8 =	vadd.s32 $0x6000, v40;
	v40 =	vmov v57;
	v57 =	vld [tilespmem:$0x1FE50]  }
0x233: {  	v51 =	vadd.f32 v6, v3;
	v3 =	vld.idx.msk [tilespmem:v19+s3+$0x0], $0xffff  }
0x234: {  	v10 =	vld.idx.msk [tilespmem:v21+s3+$0x0], $0xffff  }
0x235: {  	v19 =	vld [tilespmem:$0x1FE90]  }
0x236: {  	v18 =	vmul.f32 v18, v42;
	v42 =	vld [tilespmem:$0x1FD10]  }
0x237: {  	v39 =	vmovc v54;
	v15 =	vmul.f32 v15, v22;
	v54 =	vmov v22;
	v11 =	vld.idx.msk [tilespmem:v14+s3+$0x0], $0xffff;
	v22 =	vadd.s32 $0x6000, v57  }
0x238: {  	v5 =	vmul.f32 v5, v41;
	v41 =	vld [tilespmem:$0x1FF40]  }
0x239: {  	v4 =	vadd.f32 v4, v15;
	v36 =	vmovc v23;
	v23 =	vadd.s32 $0x5000, v37;
	v8 =	vld.idx.msk [tilespmem:v8+s3+$0x0], $0xffff;
	v57 =	vadd.s32 $0x6000, v34  }
0x23a: {  	v21 =	vadd.s32 $0x6000, v33;
	v33 =	vmovc v37;
	v37 =	vmovc v27;
	v12 =	vadd.s32 $0x6000, v19;
	v19 =	vadd.s32 $0x5000, v27;
	v27 =	vld [tilespmem:$0x1FF10]  }
0x23b: {  	v0 =	vadd.f32 v0, v1;
	v4 =	vadd.f32 v4, v35;
	v3 =	vmul.f32 v3, v30;
	v30 =	vld [tilespmem:$0x1FD60]  }
0x23c: {  	v15 =	vld.idx.msk [tilespmem:v22+s3+$0x0], $0xffff  }
0x23d: {  	v0 =	vadd.f32 v51, v0;
	v22 =	vadd.f32 v4, v9;
	v4 =	vld.idx.msk [tilespmem:v31+s3+$0x0], $0xffff  }
0x23e: {  	v48 =	vadd.s32 $0x5000, v56;
	v1 =	vld.idx.msk [tilespmem:v57+s3+$0x0], $0xffff  }
0x23f: {  	v31 =	vld [tilespmem:$0x1FF20];
	v0 =	vadd.f32 v22, v0  }
0x240: {  	v51 =	vadd.s32 $0x5000, v26;
	v12 =	vld.idx.msk [tilespmem:v12+s3+$0x0], $0xffff  }
0x241: {  	[tilespmem:s19+$0x10] =	vst v0;
	v0 =	vld.idx.msk [tilespmem:v21+s3+$0x0], $0xffff  }
0x242: {  	v35 =	vmov v26;
	v26 =	vld.idx.msk [tilespmem:v23+s3+$0x0], $0xffff  }
0x243: {  	v34 =	vmov v24;
	v57 =	vadd.s32 $0x5000, v24;
	v24 =	vadd.s32 $0x5000, v52;
	v9 =	vld.idx.msk [tilespmem:v48+s3+$0x0], $0xffff  }
0x244: {  	v2 =	vmul.f32 v2, v32;
	v32 =	vadd.s32 $0x5000, v50;
	v48 =	vld [tilespmem:$0x1FED0]  }
0x245: {  	v20 =	vmul.f32 v20, v25;
	v6 =	vld.idx.msk [tilespmem:v51+s3+$0x0], $0xffff  }
0x246: {  	v14 =	vld.idx.msk [tilespmem:v19+s3+$0x0], $0xffff  }
0x247: {  	v5 =	vadd.f32 v5, v20;
	v20 =	vadd.s32 $0x5000, v45;
	v17 =	vld.idx.msk [tilespmem:v17+s3+$0x0], $0xffff  }
0x248: {  	v23 =	vld.idx.msk [tilespmem:v24+s3+$0x0], $0xffff  }
0x249: {  	v7 =	vmul.f32 v7, v43;
	v43 =	vadd.s32 $0x5000, v44;
	v25 =	vld.idx.msk [tilespmem:v32+s3+$0x0], $0xffff  }
0x24a: {  	v10 =	vmul.f32 v10, v42;
	v1 =	vmul.f32 v1, v41;
	v41 =	vld [tilespmem:$0x1FD50]  }
0x24b: {  	v51 =	vadd.s32 $0x5000, v29;
	v32 =	vld [tilespmem:$0x1FF50]  }
0x24c: {  	v3 =	vadd.f32 v10, v3;
	v8 =	vmul.f32 v8, v27;
	v13 =	vmul.f32 v13, v31;
	v10 =	vld.idx.msk [tilespmem:v20+s3+$0x0], $0xffff  }
0x24d: {  	v31 =	vld [tilespmem:$0x1FD70]  }
0x24e: {  	v8 =	vadd.f32 v13, v8;
	v13 =	vld.idx.msk [tilespmem:v43+s3+$0x0], $0xffff  }
0x24f: {  	v24 =	vadd.s32 $0x5000, v55;
	v43 =	vld [tilespmem:$0x1FD40];
	v16 =	vmul.f32 v16, v48  }
0x250: {  	v21 =	vld.idx.msk [tilespmem:v51+s3+$0x0], $0xffff  }
0x251: {  	v2 =	vadd.f32 v7, v2;
	v7 =	vadd.f32 v18, v16;
	v16 =	vld.idx.msk [tilespmem:v57+s3+$0x0], $0xffff;
	v57 =	vadd.s32 $0x5000, v47  }
0x252: {  	v51 =	vld [tilespmem:$0x1FD20];
	v12 =	vmul.f32 v12, v41;
	v0 =	vmul.f32 v0, v32  }
0x253: {  	v22 =	vadd.s32 $0x5000, v46;
	v48 =	vld [tilespmem:$0x1FD30]  }
0x254: {  	v5 =	vadd.f32 v8, v5;
	v8 =	vmul.f32 v14, v61;
	v0 =	vadd.f32 v0, v12;
	v12 =	vld.idx.msk [tilespmem:v24+s3+$0x0], $0xffff  }
0x255: {  	v27 =	vmovc v47;
	v47 =	vadd.s32 $0x5000, v49;
	v2 =	vadd.f32 v7, v2;
	v7 =	vmul.f32 v26, v60;
	v26 =	vmovc v61;
	v61 =	vld [tilespmem:$0x1FD80]  }
0x256: {  	v11 =	vmul.f32 v11, v43;
	v18 =	vld.idx.msk [tilespmem:v57+s3+$0x0], $0xffff;
	v57 =	vadd.s32 $0x5000, v30  }
0x257: {  	v24 =	vld [tilespmem:$0x1FDA0]  }
0x258: {  	v6 =	vmul.f32 v6, v58;
	v1 =	vadd.f32 v1, v11;
	v11 =	vld.idx.msk [tilespmem:v22+s3+$0x0], $0xffff  }
0x259: {  	v22 =	vld [tilespmem:$0x1FD90];
	v15 =	vmul.f32 v15, v51;
	v4 =	vmul.f32 v4, v48  }
0x25a: {  	v9 =	vmul.f32 v9, v63;
	v10 =	vmul.f32 v10, v59;
	v14 =	vld.idx.msk [tilespmem:v47+s3+$0x0], $0xffff  }
0x25b: {  	v6 =	vadd.f32 v8, v6;
	v4 =	vadd.f32 v4, v15;
	v47 =	vmul.f32 v16, v61;
	v16 =	vld.idx.msk [tilespmem:v57+s3+$0x0], $0xffff  }
0x25c: {  	v20 =	vmovc v60;
	v60 =	vmul.f32 v25, v53;
	v7 =	vadd.f32 v9, v7;
	v9 =	vmul.f32 v23, v40  }
0x25d: {  	v12 =	vmul.f32 v12, v39;
	v3 =	vadd.f32 v4, v3;
	v4 =	vmul.f32 v17, v31  }
0x25e: {  	v0 =	vadd.f32 v0, v1;
	v1 =	vmul.f32 v13, v22;
	v32 =	vmul.f32 v18, v62  }
0x25f: {  	v13 =	vmul.f32 v21, v24;
	v21 =	vmovc v40;
	v11 =	vmul.f32 v11, v38;
	v4 =	vadd.f32 v47, v4  }
0x260: {  	v47 =	vmovc v39;
	v39 =	vmul.f32 v14, v54;
	v8 =	vadd.f32 v10, v32;
	v10 =	vld [tilespmem:$0x1FDB0];
	v40 =	vmul.f32 v16, v36  }
0x261: {  	v9 =	vadd.f32 v60, v9;
	v1 =	vadd.f32 v13, v1  }
0x262: {  	v25 =	vmov v59;
	v59 =	vadd.f32 v12, v11;
	v60 =	vadd.f32 v40, v39  }
0x263: {  	v6 =	vadd.f32 v6, v7;
	v1 =	vadd.f32 v1, v4  }
0x264: {  	v57 =	vmov v62;
	v62 =	vadd.f32 v8, v9;
	v9 =	vadd.f32 v60, v59  }
0x265: {  	v2 =	vadd.f32 v5, v2;
	v0 =	vadd.f32 v0, v3;
	v3 =	vadd.s32 $0x7000, v10  }
0x266: {  	v11 =	vadd.s32 $0x6000, v33;
	v1 =	vadd.f32 v1, v6;
	v4 =	vadd.f32 v9, v62  }
0x267: {  	v23 =	vmovc v53;
	v53 =	vmov v38;
	v38 =	vld [tilespmem:$0x1FE00];
	v12 =	vadd.s32 $0x6000, v56;
	v0 =	vadd.f32 v0, v2  }
0x268: {  	v13 =	vadd.s32 $0x6000, v35;
	v40 =	vld [tilespmem:$0x1FDC0];
	v1 =	vadd.f32 v4, v1  }
0x269: {  	v14 =	vadd.s32 $0x6000, v37;
	[tilespmem:s19+$0x620] =	vst v0;
	v62 =	vmov v37;
	v37 =	vld [tilespmem:$0x1FDF0]  }
0x26a: {  	v15 =	vadd.s32 $0x6000, v28;
	[tilespmem:s19+$0x320] =	vst v1;
	v1 =	vld.idx.msk [tilespmem:v3+s3+$0x0], $0xffff  }
0x26b: {  	v16 =	vadd.s32 $0x6000, v34;
	v5 =	vld.idx.msk [tilespmem:v11+s3+$0x0], $0xffff  }
0x26c: {  	v17 =	vadd.s32 $0x6000, v44;
	v2 =	vld.idx.msk [tilespmem:v12+s3+$0x0], $0xffff  }
0x26d: {  	v18 =	vadd.s32 $0x6000, v29;
	v4 =	vld.idx.msk [tilespmem:v13+s3+$0x0], $0xffff  }
0x26e: {  	v19 =	vadd.s32 $0x6000, v52;
	v0 =	vld.idx.msk [tilespmem:v14+s3+$0x0], $0xffff  }
0x26f: {  	v32 =	vadd.s32 $0x6000, v50;
	v3 =	vld.idx.msk [tilespmem:v15+s3+$0x0], $0xffff  }
0x270: {  	v60 =	vmov v33;
	v33 =	vadd.s32 $0x6000, v27;
	v6 =	vld.idx.msk [tilespmem:v16+s3+$0x0], $0xffff  }
0x271: {  	v59 =	vmov v34;
	v34 =	vadd.s32 $0x6000, v45;
	v7 =	vld.idx.msk [tilespmem:v17+s3+$0x0], $0xffff  }
0x272: {  	v8 =	vld.idx.msk [tilespmem:v18+s3+$0x0], $0xffff  }
0x273: {  	v9 =	vld.idx.msk [tilespmem:v19+s3+$0x0], $0xffff  }
0x274: {  	v13 =	vadd.s32 $0x6000, v46;
	v10 =	vld.idx.msk [tilespmem:v32+s3+$0x0], $0xffff  }
0x275: {  	v14 =	vadd.s32 $0x6000, v55;
	v11 =	vld.idx.msk [tilespmem:v33+s3+$0x0], $0xffff  }
0x276: {  	v15 =	vadd.s32 $0x6000, v49;
	v12 =	vld.idx.msk [tilespmem:v34+s3+$0x0], $0xffff  }
0x277: {  	v39 =	vmov v30;
	v16 =	vadd.s32 $0x6000, v30;
	v30 =	vld [tilespmem:$0x1FDD0]  }
0x278: {  	v32 =	vld [tilespmem:$0x1FDE0]  }
0x279: {  	v13 =	vld.idx.msk [tilespmem:v13+s3+$0x0], $0xffff  }
0x27a: {  	v14 =	vld.idx.msk [tilespmem:v14+s3+$0x0], $0xffff  }
0x27b: {  	v17 =	vadd.s32 $0x7000, v40;
	v5 =	vmul.f32 v5, v20;
	v15 =	vld.idx.msk [tilespmem:v15+s3+$0x0], $0xffff  }
0x27c: {  	v18 =	vadd.s32 $0x7000, v30;
	v4 =	vmul.f32 v4, v58;
	v7 =	vmul.f32 v7, v22;
	v30 =	vmovc v22;
	v22 =	vld [tilespmem:$0x1FE20]  }
0x27d: {  	v33 =	vmovc v58;
	v3 =	vmul.f32 v3, v31;
	v58 =	vmovc v31;
	v8 =	vmul.f32 v8, v24;
	v31 =	vmov v24;
	v24 =	vld [tilespmem:$0x1FE30]  }
0x27e: {  	v34 =	vmov v26;
	v2 =	vmul.f32 v2, v63;
	v0 =	vmul.f32 v0, v26;
	v26 =	vld [tilespmem:$0x1FE50]  }
0x27f: {  	v40 =	vmovc v20;
	v6 =	vmul.f32 v6, v61;
	v20 =	vadd.s32 $0x7000, v37;
	v10 =	vmul.f32 v10, v23;
	v37 =	vmovc v23;
	v23 =	vld [tilespmem:$0x1FE60]  }
0x280: {  	v19 =	vadd.s32 $0x7000, v32;
	v2 =	vadd.f32 v2, v5;
	v5 =	vld.idx.msk [tilespmem:v16+s3+$0x0], $0xffff  }
0x281: {  	v3 =	vadd.f32 v6, v3;
	v6 =	vadd.f32 v8, v7;
	v7 =	vld.idx.msk [tilespmem:v17+s3+$0x0], $0xffff  }
0x282: {  	v17 =	vld [tilespmem:$0x1FE10]  }
0x283: {  	v12 =	vmul.f32 v12, v25;
	v0 =	vadd.f32 v0, v4;
	v4 =	vadd.s32 $0x7000, v38;
	v38 =	vmovc v25;
	v25 =	vld [tilespmem:$0x1FE40]  }
0x284: {  	v9 =	vmul.f32 v9, v21;
	v11 =	vmul.f32 v11, v57;
	v16 =	vld.idx.msk [tilespmem:v18+s3+$0x0], $0xffff  }
0x285: {  	v18 =	vld.idx.msk [tilespmem:v19+s3+$0x0], $0xffff  }
0x286: {  	v9 =	vadd.f32 v10, v9;
	v10 =	vadd.f32 v12, v11;
	v19 =	vadd.s32 $0x7000, v24;
	v20 =	vld.idx.msk [tilespmem:v20+s3+$0x0], $0xffff  }
0x287: {  	v0 =	vadd.f32 v0, v2;
	v11 =	vadd.s32 $0x7000, v23;
	v23 =	vld [tilespmem:$0x1FEA0];
	v8 =	vadd.s32 $0x7000, v17  }
0x288: {  	v17 =	vadd.s32 $0x7000, v22;
	v4 =	vld.idx.msk [tilespmem:v4+s3+$0x0], $0xffff;
	v22 =	vadd.s32 $0x7000, v26;
	v26 =	vadd.f32 v6, v3  }
0x289: {  	v32 =	vmov v21;
	v21 =	vadd.s32 $0x7000, v25;
	v25 =	vld [tilespmem:$0x1FE70]  }
0x28a: {  	v0 =	vadd.f32 v26, v0;
	v26 =	vadd.s32 $0x7000, v56;
	v56 =	vadd.s32 $0x7000, v35;
	v35 =	vld [tilespmem:$0x1FED0]  }
0x28b: {  	v3 =	vld.idx.msk [tilespmem:v19+s3+$0x0], $0xffff  }
0x28c: {  	v13 =	vmul.f32 v13, v53;
	v14 =	vmul.f32 v14, v47;
	v19 =	vld [tilespmem:$0x1FE80]  }
0x28d: {  	v15 =	vmul.f32 v15, v54;
	v5 =	vmul.f32 v5, v36;
	v8 =	vld.idx.msk [tilespmem:v8+s3+$0x0], $0xffff  }
0x28e: {  	v24 =	vadd.f32 v14, v13;
	v13 =	vld.idx.msk [tilespmem:v17+s3+$0x0], $0xffff  }
0x28f: {  	v9 =	vadd.f32 v10, v9;
	v5 =	vadd.f32 v5, v15;
	v10 =	vld.idx.msk [tilespmem:v21+s3+$0x0], $0xffff  }
0x290: {  	v21 =	vld [tilespmem:$0x1FE90]  }
0x291: {  	v5 =	vadd.f32 v5, v24;
	v14 =	vadd.s32 $0x7000, v25;
	v15 =	vld.idx.msk [tilespmem:v22+s3+$0x0], $0xffff;
	v17 =	vadd.s32 $0x7000, v23  }
0x292: {  	v25 =	vadd.s32 $0x7000, v60;
	v60 =	vadd.s32 $0x7000, v62;
	v62 =	vadd.s32 $0x7000, v28;
	v28 =	vld [tilespmem:$0x1FEC0]  }
0x293: {  	v22 =	vadd.s32 $0x7000, v44;
	v44 =	vld [tilespmem:$0x1FEE0];
	v24 =	vadd.f32 v5, v9  }
0x294: {  	v23 =	vadd.s32 $0x7000, v29;
	v29 =	vld [tilespmem:$0x1FF20]  }
0x295: {  	v5 =	vld.idx.msk [tilespmem:v11+s3+$0x0], $0xffff;
	v0 =	vadd.f32 v24, v0  }
0x296: {  	v11 =	vld.idx.msk [tilespmem:v14+s3+$0x0], $0xffff  }
0x297: {  	[tilespmem:s19+$0x630] =	vst v0;
	v0 =	vld.idx.msk [tilespmem:v17+s3+$0x0], $0xffff  }
0x298: {  	v12 =	vadd.s32 $0x7000, v21;
	v21 =	vadd.s32 $0x7000, v59;
	v59 =	vld [tilespmem:$0x1FEF0]  }
0x299: {  	v7 =	vmul.f32 v7, v28;
	v28 =	vld [tilespmem:$0x1FF10]  }
0x29a: {  	v18 =	vmul.f32 v18, v44;
	v44 =	vld [tilespmem:$0x1FF30]  }
0x29b: {  	v9 =	vld.idx.msk [tilespmem:v25+s3+$0x0], $0xffff  }
0x29c: {  	v14 =	vld.idx.msk [tilespmem:v26+s3+$0x0], $0xffff  }
0x29d: {  	v26 =	vld [tilespmem:$0x1FEB0]  }
0x29e: {  	v6 =	vadd.s32 $0x7000, v19;
	v19 =	vld.idx.msk [tilespmem:v60+s3+$0x0], $0xffff  }
0x29f: {  	v60 =	vld [tilespmem:$0x1FF00]  }
0x2a0: {  	v17 =	vld.idx.msk [tilespmem:v62+s3+$0x0], $0xffff  }
0x2a1: {  	v22 =	vld.idx.msk [tilespmem:v22+s3+$0x0], $0xffff  }
0x2a2: {  	v23 =	vld.idx.msk [tilespmem:v23+s3+$0x0], $0xffff  }
0x2a3: {  	v15 =	vmul.f32 v15, v51;
	v51 =	vadd.s32 $0x7000, v46;
	v2 =	vld.idx.msk [tilespmem:v6+s3+$0x0], $0xffff  }
0x2a4: {  	v16 =	vmul.f32 v16, v35;
	v35 =	vadd.s32 $0x7000, v27;
	v6 =	vld.idx.msk [tilespmem:v56+s3+$0x0], $0xffff  }
0x2a5: {  	v55 =	vadd.s32 $0x7000, v55;
	v56 =	vadd.s32 $0x7000, v52;
	v52 =	vld [tilespmem:$0x1FF40]  }
0x2a6: {  	v13 =	vmul.f32 v13, v29;
	v10 =	vmul.f32 v10, v42;
	v62 =	vadd.s32 $0x7000, v50;
	v12 =	vld.idx.msk [tilespmem:v12+s3+$0x0], $0xffff  }
0x2a7: {  	v50 =	vadd.s32 $0x7000, v45;
	v5 =	vmul.f32 v5, v48;
	v20 =	vmul.f32 v20, v59;
	v21 =	vld.idx.msk [tilespmem:v21+s3+$0x0], $0xffff  }
0x2a8: {  	v16 =	vadd.f32 v18, v16;
	v8 =	vmul.f32 v8, v28;
	v3 =	vmul.f32 v3, v44;
	v42 =	vld.idx.msk [tilespmem:v51+s3+$0x0], $0xffff  }
0x2a9: {  	v5 =	vadd.f32 v5, v15;
	v11 =	vmul.f32 v11, v43;
	v4 =	vmul.f32 v4, v60;
	v60 =	vld.idx.msk [tilespmem:v35+s3+$0x0], $0xffff  }
0x2aa: {  	v59 =	vadd.s32 $0x7000, v49;
	v1 =	vmul.f32 v1, v26;
	v9 =	vmul.f32 v9, v40;
	v24 =	vld.idx.msk [tilespmem:v56+s3+$0x0], $0xffff  }
0x2ab: {  	v43 =	vmul.f32 v19, v34;
	v45 =	vmul.f32 v17, v58;
	v56 =	vld.idx.msk [tilespmem:v62+s3+$0x0], $0xffff;
	v62 =	vadd.s32 $0x7000, v39  }
0x2ac: {  	v35 =	vld [tilespmem:$0x1FF50];
	v49 =	vmul.f32 v22, v30;
	v8 =	vadd.f32 v13, v8;
	v3 =	vadd.f32 v10, v3  }
0x2ad: {  	v44 =	vld.idx.msk [tilespmem:v55+s3+$0x0], $0xffff;
	v2 =	vmul.f32 v2, v52;
	v1 =	vadd.f32 v7, v1;
	v4 =	vadd.f32 v4, v20  }
0x2ae: {  	v39 =	vld.idx.msk [tilespmem:v50+s3+$0x0], $0xffff;
	v6 =	vmul.f32 v6, v33;
	v50 =	vmul.f32 v23, v31;
	v3 =	vadd.f32 v5, v3  }
0x2af: {  	v12 =	vmul.f32 v12, v41;
	v41 =	vmul.f32 v14, v63;
	v2 =	vadd.f32 v2, v11;
	v48 =	vld.idx.msk [tilespmem:v59+s3+$0x0], $0xffff  }
0x2b0: {  	v46 =	vmul.f32 v21, v61;
	v1 =	vadd.f32 v16, v1;
	v4 =	vadd.f32 v8, v4;
	v20 =	vld.idx.msk [tilespmem:v62+s3+$0x0], $0xffff  }
0x2b1: {  	v55 =	vmul.f32 v42, v53;
	v6 =	vadd.f32 v43, v6;
	v0 =	vmul.f32 v0, v35  }
0x2b2: {  	v59 =	vadd.f32 v50, v49;
	v52 =	vmul.f32 v60, v57;
	v9 =	vadd.f32 v41, v9  }
0x2b3: {  	v0 =	vadd.f32 v0, v12;
	v51 =	vmul.f32 v24, v32;
	v7 =	vmul.f32 v56, v37  }
0x2b4: {  	v10 =	vmul.f32 v39, v38;
	v56 =	vmul.f32 v44, v47;
	v12 =	vadd.f32 v46, v45  }
0x2b5: {  	v0 =	vadd.f32 v0, v2;
	v57 =	vmul.f32 v48, v54;
	v58 =	vmul.f32 v20, v36  }
0x2b6: {  	v7 =	vadd.f32 v7, v51;
	v5 =	vadd.f32 v10, v52  }
0x2b7: {  	v2 =	vadd.f32 v56, v55;
	v60 =	vadd.f32 v58, v57  }
0x2b8: {  	v6 =	vadd.f32 v6, v9;
	v61 =	vadd.f32 v59, v12  }
0x2b9: {  	v5 =	vadd.f32 v5, v7;
	v2 =	vadd.f32 v60, v2  }
0x2ba: {  	p0 =	slt.u32 s23, $0x2E;
	v1 =	vadd.f32 v4, v1;
	v0 =	vadd.f32 v0, v3  }
.Ltmp2:
0x2bb: {  	v62 =	vadd.f32 v61, v6;
	v2 =	vadd.f32 v2, v5;
	(pc) =	sbr.rel @p0 .LBB2_7-.Ltmp2, $4  }
0x2bc: {  	v0 =	vadd.f32 v0, v1  }
0x2bd: {  	v63 =	vadd.f32 v2, v62  }
0x2be: {  	s20 =	sadd.s32 $0x2, s20;
	s22 =	sadd.s32 $0x2, s22;
	[tilespmem:s19+$0x930] =	vst v0  }
0x2bf: {  	s21 =	sadd.s32 $0x100, s21;
	s24 =	smov.u32 s23;
	[tilespmem:s19+$0x940] =	vst v63;
	s19 =	sadd.s32 $0x20, s19  }
0x2c0: {  	v0 =	vld [tilespmem:$0x11080]  }
0x2c1: {  	v1 =	vld [tilespmem:$0x11090]  }
0x2c2: {  	v5 =	vld [tilespmem:$0x110A0]  }
0x2c3: {  	v7 =	vld [tilespmem:$0x110B0]  }
0x2c4: {  	v4 =	vld [tilespmem:$0x10D00]  }
0x2c5: {  	v6 =	vld [tilespmem:$0x10D10]  }
0x2c6: {  	v10 =	vld [tilespmem:$0x10D20]  }
0x2c7: {  	v11 =	vld [tilespmem:$0x10D30]  }
0x2c8: {  	v12 =	vld [tilespmem:$0x110C0]  }
0x2c9: {  	v13 =	vld [tilespmem:$0x110D0]  }
0x2ca: {  	v14 =	vld [tilespmem:$0x10D40]  }
0x2cb: {  	v15 =	vld [tilespmem:$0x10D50];
	v16 =	vadd.s32 v0, v4  }
0x2cc: {  	v32 =	vld [tilespmem:$0x110E0];
	v17 =	vadd.s32 v0, v6  }
0x2cd: {  	v33 =	vld [tilespmem:$0x110F0];
	v18 =	vadd.s32 v1, v4  }
0x2ce: {  	v34 =	vld [tilespmem:$0x10D60];
	v23 =	vadd.s32 v1, v6  }
0x2cf: {  	v35 =	vld [tilespmem:$0x10D70];
	v24 =	vadd.s32 v0, v14  }
0x2d0: {  	v19 =	vadd.s32 v0, v15;
	v36 =	vld.idx.msk [tilespmem:v16+s3+$0x0], $0xffff  }
0x2d1: {  	v20 =	vadd.s32 v1, v14;
	v37 =	vld.idx.msk [tilespmem:v17+s3+$0x0], $0xffff  }
0x2d2: {  	v21 =	vadd.s32 v1, v15;
	v38 =	vld.idx.msk [tilespmem:v18+s3+$0x0], $0xffff  }
0x2d3: {  	v22 =	vadd.s32 v4, v12;
	v39 =	vld.idx.msk [tilespmem:v23+s3+$0x0], $0xffff  }
0x2d4: {  	v0 =	vmul.f32 v10, v5;
	v1 =	vmul.f32 v11, v5;
	v25 =	vadd.s32 v6, v12;
	v40 =	vld.idx.msk [tilespmem:v24+s3+$0x0], $0xffff  }
0x2d5: {  	v2 =	vmul.f32 v10, v7;
	v3 =	vmul.f32 v11, v7;
	v26 =	vadd.s32 v4, v13;
	v41 =	vld.idx.msk [tilespmem:v19+s3+$0x0], $0xffff  }
0x2d6: {  	v4 =	vmul.f32 v34, v5;
	v5 =	vmul.f32 v35, v5;
	v27 =	vadd.s32 v6, v13;
	v42 =	vld.idx.msk [tilespmem:v20+s3+$0x0], $0xffff  }
0x2d7: {  	v6 =	vmul.f32 v34, v7;
	v7 =	vmul.f32 v35, v7;
	v28 =	vadd.s32 v12, v14;
	v43 =	vld.idx.msk [tilespmem:v21+s3+$0x0], $0xffff  }
0x2d8: {  	v8 =	vmul.f32 v32, v10;
	v9 =	vmul.f32 v32, v11;
	v29 =	vadd.s32 v12, v15;
	v44 =	vld.idx.msk [tilespmem:v22+s3+$0x0], $0xffff  }
0x2d9: {  	v10 =	vmul.f32 v33, v10;
	v11 =	vmul.f32 v33, v11;
	v30 =	vadd.s32 v13, v14;
	v45 =	vld.idx.msk [tilespmem:v25+s3+$0x0], $0xffff  }
0x2da: {  	v31 =	vadd.s32 v13, v15;
	v13 =	vmul.f32 v34, v32;
	v14 =	vmul.f32 v35, v32;
	v49 =	vld.idx.msk [tilespmem:v26+s3+$0x0], $0xffff  }
0x2db: {  	v15 =	vmul.f32 v34, v33;
	v12 =	vmul.f32 v35, v33;
	v50 =	vld.idx.msk [tilespmem:v27+s3+$0x0], $0xffff  }
0x2dc: {  	v53 =	vld.idx.msk [tilespmem:v28+s3+$0x0], $0xffff;
	v51 =	vmul.f32 v36, v0;
	v52 =	vmul.f32 v37, v1  }
0x2dd: {  	v56 =	vld.idx.msk [tilespmem:v29+s3+$0x0], $0xffff;
	v54 =	vmul.f32 v38, v2;
	v55 =	vmul.f32 v39, v3  }
0x2de: {  	v46 =	vld.idx.msk [tilespmem:v30+s3+$0x0], $0xffff;
	v40 =	vmul.f32 v40, v4;
	v41 =	vmul.f32 v41, v5  }
0x2df: {  	v47 =	vld.idx.msk [tilespmem:v31+s3+$0x0], $0xffff;
	v42 =	vmul.f32 v42, v6;
	v43 =	vmul.f32 v43, v7  }
0x2e0: {  	v44 =	vmul.f32 v44, v8;
	v45 =	vmul.f32 v45, v9  }
0x2e1: {  	v32 =	vmul.f32 v49, v10;
	v33 =	vmul.f32 v50, v11  }
0x2e2: {  	v36 =	vmul.f32 v53, v13;
	v39 =	vmul.f32 v56, v14  }
0x2e3: {  	v46 =	vmul.f32 v46, v15;
	v34 =	vadd.f32 v52, v51;
	v57 =	vadd.f32 v55, v54  }
0x2e4: {  	v58 =	vmul.f32 v47, v12;
	v59 =	vadd.f32 v41, v40;
	v60 =	vadd.f32 v43, v42  }
0x2e5: {  	v61 =	vadd.f32 v45, v44;
	v32 =	vadd.f32 v33, v32  }
0x2e6: {  	v62 =	vadd.f32 v39, v36;
	v63 =	vadd.f32 v58, v46  }
0x2e7: {  	v34 =	vadd.f32 v57, v34;
	v42 =	vadd.f32 v60, v59  }
0x2e8: {  	v32 =	vadd.f32 v32, v61;
	v33 =	vadd.f32 v63, v62;
	_ =	sdelay $0x1  }
0x2e9: {  	v43 =	vadd.s32 $0x1000, v16;
	v34 =	vadd.f32 v42, v34;
	v32 =	vadd.f32 v33, v32  }
0x2ea: {  	v44 =	vadd.s32 $0x1000, v17  }
0x2eb: {  	v45 =	vadd.s32 $0x1000, v18;
	v32 =	vadd.f32 v32, v34  }
0x2ec: {  	v46 =	vadd.s32 $0x1000, v23  }
0x2ed: {  	v47 =	vadd.s32 $0x1000, v24;
	[tilespmem:s17+$0x11400] =	vst v32  }
0x2ee: {  	v48 =	vadd.s32 $0x1000, v19;
	v33 =	vld.idx.msk [tilespmem:v43+s3+$0x0], $0xffff  }
0x2ef: {  	v49 =	vadd.s32 $0x1000, v20;
	v35 =	vld.idx.msk [tilespmem:v44+s3+$0x0], $0xffff  }
0x2f0: {  	v50 =	vadd.s32 $0x1000, v21;
	v34 =	vld.idx.msk [tilespmem:v45+s3+$0x0], $0xffff  }
0x2f1: {  	v51 =	vadd.s32 $0x1000, v22;
	v36 =	vld.idx.msk [tilespmem:v46+s3+$0x0], $0xffff  }
0x2f2: {  	v52 =	vadd.s32 $0x1000, v25;
	v32 =	vld.idx.msk [tilespmem:v47+s3+$0x0], $0xffff  }
0x2f3: {  	v53 =	vadd.s32 $0x1000, v26;
	v37 =	vld.idx.msk [tilespmem:v48+s3+$0x0], $0xffff  }
0x2f4: {  	v54 =	vadd.s32 $0x1000, v27;
	v38 =	vld.idx.msk [tilespmem:v49+s3+$0x0], $0xffff  }
0x2f5: {  	v55 =	vadd.s32 $0x1000, v28;
	v39 =	vld.idx.msk [tilespmem:v50+s3+$0x0], $0xffff  }
0x2f6: {  	v56 =	vadd.s32 $0x1000, v29;
	v40 =	vld.idx.msk [tilespmem:v51+s3+$0x0], $0xffff  }
0x2f7: {  	v57 =	vadd.s32 $0x1000, v30;
	v41 =	vld.idx.msk [tilespmem:v52+s3+$0x0], $0xffff  }
0x2f8: {  	v58 =	vadd.s32 $0x1000, v31;
	v42 =	vld.idx.msk [tilespmem:v53+s3+$0x0], $0xffff  }
0x2f9: {  	v43 =	vld.idx.msk [tilespmem:v54+s3+$0x0], $0xffff  }
0x2fa: {  	v44 =	vld.idx.msk [tilespmem:v55+s3+$0x0], $0xffff;
	v33 =	vmul.f32 v33, v0;
	v35 =	vmul.f32 v35, v1  }
0x2fb: {  	v45 =	vld.idx.msk [tilespmem:v56+s3+$0x0], $0xffff;
	v34 =	vmul.f32 v34, v2;
	v36 =	vmul.f32 v36, v3  }
0x2fc: {  	v46 =	vld.idx.msk [tilespmem:v57+s3+$0x0], $0xffff;
	v32 =	vmul.f32 v32, v4;
	v37 =	vmul.f32 v37, v5  }
0x2fd: {  	v47 =	vld.idx.msk [tilespmem:v58+s3+$0x0], $0xffff;
	v38 =	vmul.f32 v38, v6;
	v39 =	vmul.f32 v39, v7  }
0x2fe: {  	v40 =	vmul.f32 v40, v8;
	v41 =	vmul.f32 v41, v9  }
0x2ff: {  	v42 =	vmul.f32 v42, v10;
	v43 =	vmul.f32 v43, v11  }
0x300: {  	v44 =	vmul.f32 v44, v13;
	v45 =	vmul.f32 v45, v14  }
0x301: {  	v46 =	vmul.f32 v46, v15;
	v33 =	vadd.f32 v35, v33;
	v34 =	vadd.f32 v36, v34  }
0x302: {  	v59 =	vmul.f32 v47, v12;
	v32 =	vadd.f32 v37, v32;
	v60 =	vadd.f32 v39, v38  }
0x303: {  	v61 =	vadd.f32 v41, v40;
	v62 =	vadd.f32 v43, v42  }
0x304: {  	v63 =	vadd.f32 v45, v44;
	v35 =	vadd.f32 v59, v46  }
0x305: {  	v33 =	vadd.f32 v34, v33;
	v32 =	vadd.f32 v60, v32  }
0x306: {  	v41 =	vadd.f32 v62, v61;
	v35 =	vadd.f32 v35, v63;
	_ =	sdelay $0x1  }
0x307: {  	v43 =	vadd.s32 $0x2000, v16;
	v32 =	vadd.f32 v32, v33;
	v42 =	vadd.f32 v35, v41  }
0x308: {  	v44 =	vadd.s32 $0x2000, v17  }
0x309: {  	v45 =	vadd.s32 $0x2000, v18;
	v32 =	vadd.f32 v42, v32  }
0x30a: {  	v46 =	vadd.s32 $0x2000, v23  }
0x30b: {  	v47 =	vadd.s32 $0x2000, v24;
	[tilespmem:s17+$0x11710] =	vst v32  }
0x30c: {  	v48 =	vadd.s32 $0x2000, v19;
	v34 =	vld.idx.msk [tilespmem:v43+s3+$0x0], $0xffff  }
0x30d: {  	v49 =	vadd.s32 $0x2000, v20;
	v35 =	vld.idx.msk [tilespmem:v44+s3+$0x0], $0xffff  }
0x30e: {  	v50 =	vadd.s32 $0x2000, v21;
	v33 =	vld.idx.msk [tilespmem:v45+s3+$0x0], $0xffff  }
0x30f: {  	v51 =	vadd.s32 $0x2000, v22;
	v36 =	vld.idx.msk [tilespmem:v46+s3+$0x0], $0xffff  }
0x310: {  	v52 =	vadd.s32 $0x2000, v25;
	v32 =	vld.idx.msk [tilespmem:v47+s3+$0x0], $0xffff  }
0x311: {  	v53 =	vadd.s32 $0x2000, v26;
	v37 =	vld.idx.msk [tilespmem:v48+s3+$0x0], $0xffff  }
0x312: {  	v54 =	vadd.s32 $0x2000, v27;
	v38 =	vld.idx.msk [tilespmem:v49+s3+$0x0], $0xffff  }
0x313: {  	v55 =	vadd.s32 $0x2000, v28;
	v39 =	vld.idx.msk [tilespmem:v50+s3+$0x0], $0xffff  }
0x314: {  	v56 =	vadd.s32 $0x2000, v29;
	v40 =	vld.idx.msk [tilespmem:v51+s3+$0x0], $0xffff  }
0x315: {  	v57 =	vadd.s32 $0x2000, v30;
	v41 =	vld.idx.msk [tilespmem:v52+s3+$0x0], $0xffff  }
0x316: {  	v58 =	vadd.s32 $0x2000, v31;
	v42 =	vld.idx.msk [tilespmem:v53+s3+$0x0], $0xffff  }
0x317: {  	v43 =	vld.idx.msk [tilespmem:v54+s3+$0x0], $0xffff  }
0x318: {  	v44 =	vld.idx.msk [tilespmem:v55+s3+$0x0], $0xffff;
	v34 =	vmul.f32 v34, v0;
	v35 =	vmul.f32 v35, v1  }
0x319: {  	v45 =	vld.idx.msk [tilespmem:v56+s3+$0x0], $0xffff;
	v33 =	vmul.f32 v33, v2;
	v36 =	vmul.f32 v36, v3  }
0x31a: {  	v46 =	vld.idx.msk [tilespmem:v57+s3+$0x0], $0xffff;
	v32 =	vmul.f32 v32, v4;
	v37 =	vmul.f32 v37, v5  }
0x31b: {  	v47 =	vld.idx.msk [tilespmem:v58+s3+$0x0], $0xffff;
	v38 =	vmul.f32 v38, v6;
	v39 =	vmul.f32 v39, v7  }
0x31c: {  	v40 =	vmul.f32 v40, v8;
	v41 =	vmul.f32 v41, v9  }
0x31d: {  	v42 =	vmul.f32 v42, v10;
	v43 =	vmul.f32 v43, v11  }
0x31e: {  	v44 =	vmul.f32 v44, v13;
	v45 =	vmul.f32 v45, v14  }
0x31f: {  	v46 =	vmul.f32 v46, v15;
	v34 =	vadd.f32 v35, v34;
	v33 =	vadd.f32 v36, v33  }
0x320: {  	v59 =	vmul.f32 v47, v12;
	v32 =	vadd.f32 v37, v32;
	v60 =	vadd.f32 v39, v38  }
0x321: {  	v61 =	vadd.f32 v41, v40;
	v62 =	vadd.f32 v43, v42  }
0x322: {  	v63 =	vadd.f32 v45, v44;
	v35 =	vadd.f32 v59, v46  }
0x323: {  	v33 =	vadd.f32 v33, v34;
	v32 =	vadd.f32 v60, v32  }
0x324: {  	v41 =	vadd.f32 v62, v61;
	v35 =	vadd.f32 v35, v63;
	_ =	sdelay $0x1  }
0x325: {  	v43 =	vadd.s32 $0x3000, v16;
	v32 =	vadd.f32 v32, v33;
	v42 =	vadd.f32 v35, v41  }
0x326: {  	v44 =	vadd.s32 $0x3000, v17  }
0x327: {  	v45 =	vadd.s32 $0x3000, v18;
	v32 =	vadd.f32 v42, v32  }
0x328: {  	v46 =	vadd.s32 $0x3000, v23  }
0x329: {  	v47 =	vadd.s32 $0x3000, v24;
	[tilespmem:s17+$0x11A20] =	vst v32  }
0x32a: {  	v48 =	vadd.s32 $0x3000, v19;
	v34 =	vld.idx.msk [tilespmem:v43+s3+$0x0], $0xffff  }
0x32b: {  	v49 =	vadd.s32 $0x3000, v20;
	v35 =	vld.idx.msk [tilespmem:v44+s3+$0x0], $0xffff  }
0x32c: {  	v50 =	vadd.s32 $0x3000, v21;
	v33 =	vld.idx.msk [tilespmem:v45+s3+$0x0], $0xffff  }
0x32d: {  	v51 =	vadd.s32 $0x3000, v22;
	v36 =	vld.idx.msk [tilespmem:v46+s3+$0x0], $0xffff  }
0x32e: {  	v52 =	vadd.s32 $0x3000, v25;
	v32 =	vld.idx.msk [tilespmem:v47+s3+$0x0], $0xffff  }
0x32f: {  	v53 =	vadd.s32 $0x3000, v26;
	v37 =	vld.idx.msk [tilespmem:v48+s3+$0x0], $0xffff  }
0x330: {  	v54 =	vadd.s32 $0x3000, v27;
	v38 =	vld.idx.msk [tilespmem:v49+s3+$0x0], $0xffff  }
0x331: {  	v55 =	vadd.s32 $0x3000, v28;
	v39 =	vld.idx.msk [tilespmem:v50+s3+$0x0], $0xffff  }
0x332: {  	v56 =	vadd.s32 $0x3000, v29;
	v40 =	vld.idx.msk [tilespmem:v51+s3+$0x0], $0xffff  }
0x333: {  	v57 =	vadd.s32 $0x3000, v30;
	v41 =	vld.idx.msk [tilespmem:v52+s3+$0x0], $0xffff  }
0x334: {  	v58 =	vadd.s32 $0x3000, v31;
	v42 =	vld.idx.msk [tilespmem:v53+s3+$0x0], $0xffff  }
0x335: {  	v43 =	vld.idx.msk [tilespmem:v54+s3+$0x0], $0xffff  }
0x336: {  	v44 =	vld.idx.msk [tilespmem:v55+s3+$0x0], $0xffff;
	v34 =	vmul.f32 v34, v0;
	v35 =	vmul.f32 v35, v1  }
0x337: {  	v45 =	vld.idx.msk [tilespmem:v56+s3+$0x0], $0xffff;
	v33 =	vmul.f32 v33, v2;
	v36 =	vmul.f32 v36, v3  }
0x338: {  	v46 =	vld.idx.msk [tilespmem:v57+s3+$0x0], $0xffff;
	v32 =	vmul.f32 v32, v4;
	v37 =	vmul.f32 v37, v5  }
0x339: {  	v47 =	vld.idx.msk [tilespmem:v58+s3+$0x0], $0xffff;
	v38 =	vmul.f32 v38, v6;
	v39 =	vmul.f32 v39, v7  }
0x33a: {  	v40 =	vmul.f32 v40, v8;
	v41 =	vmul.f32 v41, v9  }
0x33b: {  	v42 =	vmul.f32 v42, v10;
	v43 =	vmul.f32 v43, v11  }
0x33c: {  	v44 =	vmul.f32 v44, v13;
	v45 =	vmul.f32 v45, v14  }
0x33d: {  	v46 =	vmul.f32 v46, v15;
	v34 =	vadd.f32 v35, v34;
	v33 =	vadd.f32 v36, v33  }
0x33e: {  	v59 =	vmul.f32 v47, v12;
	v32 =	vadd.f32 v37, v32;
	v60 =	vadd.f32 v39, v38  }
0x33f: {  	v61 =	vadd.f32 v41, v40;
	v62 =	vadd.f32 v43, v42  }
0x340: {  	v63 =	vadd.f32 v45, v44;
	v35 =	vadd.f32 v59, v46  }
0x341: {  	v33 =	vadd.f32 v33, v34;
	v32 =	vadd.f32 v60, v32  }
0x342: {  	v41 =	vadd.f32 v62, v61;
	v35 =	vadd.f32 v35, v63;
	_ =	sdelay $0x1  }
0x343: {  	v43 =	vadd.s32 $0x4000, v16;
	v32 =	vadd.f32 v32, v33;
	v42 =	vadd.f32 v35, v41  }
0x344: {  	v44 =	vadd.s32 $0x4000, v17  }
0x345: {  	v45 =	vadd.s32 $0x4000, v18;
	v32 =	vadd.f32 v42, v32  }
0x346: {  	v46 =	vadd.s32 $0x4000, v23  }
0x347: {  	v47 =	vadd.s32 $0x4000, v24;
	[tilespmem:s17+$0x11D30] =	vst v32  }
0x348: {  	v48 =	vadd.s32 $0x4000, v19;
	v34 =	vld.idx.msk [tilespmem:v43+s3+$0x0], $0xffff  }
0x349: {  	v49 =	vadd.s32 $0x4000, v20;
	v35 =	vld.idx.msk [tilespmem:v44+s3+$0x0], $0xffff  }
0x34a: {  	v50 =	vadd.s32 $0x4000, v21;
	v33 =	vld.idx.msk [tilespmem:v45+s3+$0x0], $0xffff  }
0x34b: {  	v51 =	vadd.s32 $0x4000, v22;
	v36 =	vld.idx.msk [tilespmem:v46+s3+$0x0], $0xffff  }
0x34c: {  	v52 =	vadd.s32 $0x4000, v25;
	v32 =	vld.idx.msk [tilespmem:v47+s3+$0x0], $0xffff  }
0x34d: {  	v53 =	vadd.s32 $0x4000, v26;
	v37 =	vld.idx.msk [tilespmem:v48+s3+$0x0], $0xffff  }
0x34e: {  	v54 =	vadd.s32 $0x4000, v27;
	v38 =	vld.idx.msk [tilespmem:v49+s3+$0x0], $0xffff  }
0x34f: {  	v55 =	vadd.s32 $0x4000, v28;
	v39 =	vld.idx.msk [tilespmem:v50+s3+$0x0], $0xffff  }
0x350: {  	v56 =	vadd.s32 $0x4000, v29;
	v40 =	vld.idx.msk [tilespmem:v51+s3+$0x0], $0xffff  }
0x351: {  	v57 =	vadd.s32 $0x4000, v30;
	v41 =	vld.idx.msk [tilespmem:v52+s3+$0x0], $0xffff  }
0x352: {  	v58 =	vadd.s32 $0x4000, v31;
	v42 =	vld.idx.msk [tilespmem:v53+s3+$0x0], $0xffff  }
0x353: {  	v43 =	vld.idx.msk [tilespmem:v54+s3+$0x0], $0xffff  }
0x354: {  	v44 =	vld.idx.msk [tilespmem:v55+s3+$0x0], $0xffff;
	v34 =	vmul.f32 v34, v0;
	v35 =	vmul.f32 v35, v1  }
0x355: {  	v45 =	vld.idx.msk [tilespmem:v56+s3+$0x0], $0xffff;
	v33 =	vmul.f32 v33, v2;
	v36 =	vmul.f32 v36, v3  }
0x356: {  	v46 =	vld.idx.msk [tilespmem:v57+s3+$0x0], $0xffff;
	v32 =	vmul.f32 v32, v4;
	v37 =	vmul.f32 v37, v5  }
0x357: {  	v47 =	vld.idx.msk [tilespmem:v58+s3+$0x0], $0xffff;
	v38 =	vmul.f32 v38, v6;
	v39 =	vmul.f32 v39, v7  }
0x358: {  	v40 =	vmul.f32 v40, v8;
	v41 =	vmul.f32 v41, v9  }
0x359: {  	v42 =	vmul.f32 v42, v10;
	v43 =	vmul.f32 v43, v11  }
0x35a: {  	v44 =	vmul.f32 v44, v13;
	v45 =	vmul.f32 v45, v14  }
0x35b: {  	v46 =	vmul.f32 v46, v15;
	v34 =	vadd.f32 v35, v34;
	v33 =	vadd.f32 v36, v33  }
0x35c: {  	v59 =	vmul.f32 v47, v12;
	v32 =	vadd.f32 v37, v32;
	v60 =	vadd.f32 v39, v38  }
0x35d: {  	v61 =	vadd.f32 v41, v40;
	v62 =	vadd.f32 v43, v42  }
0x35e: {  	v63 =	vadd.f32 v45, v44;
	v35 =	vadd.f32 v59, v46  }
0x35f: {  	v33 =	vadd.f32 v33, v34;
	v32 =	vadd.f32 v60, v32  }
0x360: {  	v42 =	vadd.f32 v62, v61;
	v35 =	vadd.f32 v35, v63;
	_ =	sdelay $0x1  }
0x361: {  	v44 =	vadd.s32 $0x5000, v16;
	v32 =	vadd.f32 v32, v33;
	v43 =	vadd.f32 v35, v42  }
0x362: {  	v45 =	vadd.s32 $0x5000, v17  }
0x363: {  	v46 =	vadd.s32 $0x5000, v18;
	v32 =	vadd.f32 v43, v32  }
0x364: {  	v47 =	vadd.s32 $0x5000, v23  }
0x365: {  	v48 =	vadd.s32 $0x5000, v24;
	[tilespmem:s17+$0x12040] =	vst v32  }
0x366: {  	v49 =	vadd.s32 $0x5000, v19;
	v34 =	vld.idx.msk [tilespmem:v44+s3+$0x0], $0xffff  }
0x367: {  	v50 =	vadd.s32 $0x5000, v20;
	v35 =	vld.idx.msk [tilespmem:v45+s3+$0x0], $0xffff  }
0x368: {  	v51 =	vadd.s32 $0x5000, v21;
	v33 =	vld.idx.msk [tilespmem:v46+s3+$0x0], $0xffff  }
0x369: {  	v52 =	vadd.s32 $0x5000, v22;
	v36 =	vld.idx.msk [tilespmem:v47+s3+$0x0], $0xffff  }
0x36a: {  	v53 =	vadd.s32 $0x5000, v25;
	v32 =	vld.idx.msk [tilespmem:v48+s3+$0x0], $0xffff  }
0x36b: {  	v54 =	vadd.s32 $0x5000, v26;
	v37 =	vld.idx.msk [tilespmem:v49+s3+$0x0], $0xffff  }
0x36c: {  	v55 =	vadd.s32 $0x5000, v27;
	v38 =	vld.idx.msk [tilespmem:v50+s3+$0x0], $0xffff  }
0x36d: {  	v56 =	vadd.s32 $0x5000, v28;
	v39 =	vld.idx.msk [tilespmem:v51+s3+$0x0], $0xffff  }
0x36e: {  	v57 =	vadd.s32 $0x5000, v29;
	v40 =	vld.idx.msk [tilespmem:v52+s3+$0x0], $0xffff  }
0x36f: {  	v58 =	vadd.s32 $0x5000, v30;
	v41 =	vld.idx.msk [tilespmem:v53+s3+$0x0], $0xffff  }
0x370: {  	v59 =	vadd.s32 $0x5000, v31;
	v42 =	vld.idx.msk [tilespmem:v54+s3+$0x0], $0xffff  }
0x371: {  	v43 =	vld.idx.msk [tilespmem:v55+s3+$0x0], $0xffff  }
0x372: {  	v44 =	vld.idx.msk [tilespmem:v56+s3+$0x0], $0xffff;
	v34 =	vmul.f32 v34, v0;
	v35 =	vmul.f32 v35, v1  }
0x373: {  	v45 =	vld.idx.msk [tilespmem:v57+s3+$0x0], $0xffff;
	v33 =	vmul.f32 v33, v2;
	v36 =	vmul.f32 v36, v3  }
0x374: {  	v46 =	vld.idx.msk [tilespmem:v58+s3+$0x0], $0xffff;
	v32 =	vmul.f32 v32, v4;
	v37 =	vmul.f32 v37, v5  }
0x375: {  	v47 =	vld.idx.msk [tilespmem:v59+s3+$0x0], $0xffff;
	v38 =	vmul.f32 v38, v6;
	v39 =	vmul.f32 v39, v7  }
0x376: {  	v40 =	vmul.f32 v40, v8;
	v41 =	vmul.f32 v41, v9  }
0x377: {  	v42 =	vmul.f32 v42, v10;
	v43 =	vmul.f32 v43, v11  }
0x378: {  	v44 =	vmul.f32 v44, v13;
	v45 =	vmul.f32 v45, v14  }
0x379: {  	v46 =	vmul.f32 v46, v15;
	v34 =	vadd.f32 v35, v34;
	v33 =	vadd.f32 v36, v33  }
0x37a: {  	v60 =	vmul.f32 v47, v12;
	v32 =	vadd.f32 v37, v32;
	v61 =	vadd.f32 v39, v38  }
0x37b: {  	v62 =	vadd.f32 v41, v40;
	v63 =	vadd.f32 v43, v42  }
0x37c: {  	v42 =	vadd.f32 v45, v44;
	v35 =	vadd.f32 v60, v46  }
0x37d: {  	v33 =	vadd.f32 v33, v34;
	v32 =	vadd.f32 v61, v32  }
0x37e: {  	v43 =	vadd.f32 v63, v62;
	v35 =	vadd.f32 v35, v42;
	_ =	sdelay $0x1  }
0x37f: {  	v45 =	vadd.s32 $0x6000, v16;
	v32 =	vadd.f32 v32, v33;
	v44 =	vadd.f32 v35, v43  }
0x380: {  	v46 =	vadd.s32 $0x6000, v17  }
0x381: {  	v47 =	vadd.s32 $0x6000, v18;
	v32 =	vadd.f32 v44, v32  }
0x382: {  	v48 =	vadd.s32 $0x6000, v23  }
0x383: {  	v49 =	vadd.s32 $0x6000, v24;
	[tilespmem:s17+$0x12350] =	vst v32  }
0x384: {  	v50 =	vadd.s32 $0x6000, v19;
	v34 =	vld.idx.msk [tilespmem:v45+s3+$0x0], $0xffff  }
0x385: {  	v51 =	vadd.s32 $0x6000, v20;
	v35 =	vld.idx.msk [tilespmem:v46+s3+$0x0], $0xffff  }
0x386: {  	v52 =	vadd.s32 $0x6000, v21;
	v33 =	vld.idx.msk [tilespmem:v47+s3+$0x0], $0xffff  }
0x387: {  	v53 =	vadd.s32 $0x6000, v22;
	v36 =	vld.idx.msk [tilespmem:v48+s3+$0x0], $0xffff  }
0x388: {  	v54 =	vadd.s32 $0x6000, v25;
	v32 =	vld.idx.msk [tilespmem:v49+s3+$0x0], $0xffff  }
0x389: {  	v55 =	vadd.s32 $0x6000, v26;
	v37 =	vld.idx.msk [tilespmem:v50+s3+$0x0], $0xffff  }
0x38a: {  	v56 =	vadd.s32 $0x6000, v27;
	v38 =	vld.idx.msk [tilespmem:v51+s3+$0x0], $0xffff  }
0x38b: {  	v57 =	vadd.s32 $0x6000, v28;
	v39 =	vld.idx.msk [tilespmem:v52+s3+$0x0], $0xffff  }
0x38c: {  	v58 =	vadd.s32 $0x6000, v29;
	v40 =	vld.idx.msk [tilespmem:v53+s3+$0x0], $0xffff  }
0x38d: {  	v59 =	vadd.s32 $0x6000, v30;
	v41 =	vld.idx.msk [tilespmem:v54+s3+$0x0], $0xffff  }
0x38e: {  	v60 =	vadd.s32 $0x6000, v31;
	v42 =	vld.idx.msk [tilespmem:v55+s3+$0x0], $0xffff  }
0x38f: {  	v43 =	vld.idx.msk [tilespmem:v56+s3+$0x0], $0xffff  }
0x390: {  	v44 =	vld.idx.msk [tilespmem:v57+s3+$0x0], $0xffff;
	v34 =	vmul.f32 v34, v0;
	v35 =	vmul.f32 v35, v1  }
0x391: {  	v45 =	vld.idx.msk [tilespmem:v58+s3+$0x0], $0xffff;
	v33 =	vmul.f32 v33, v2;
	v36 =	vmul.f32 v36, v3  }
0x392: {  	v46 =	vld.idx.msk [tilespmem:v59+s3+$0x0], $0xffff;
	v32 =	vmul.f32 v32, v4;
	v37 =	vmul.f32 v37, v5  }
0x393: {  	v47 =	vld.idx.msk [tilespmem:v60+s3+$0x0], $0xffff;
	v38 =	vmul.f32 v38, v6;
	v39 =	vmul.f32 v39, v7  }
0x394: {  	v40 =	vmul.f32 v40, v8;
	v41 =	vmul.f32 v41, v9  }
0x395: {  	v42 =	vmul.f32 v42, v10;
	v43 =	vmul.f32 v43, v11  }
0x396: {  	v44 =	vmul.f32 v44, v13;
	v45 =	vmul.f32 v45, v14  }
0x397: {  	v46 =	vmul.f32 v46, v15;
	v34 =	vadd.f32 v35, v34;
	v33 =	vadd.f32 v36, v33  }
0x398: {  	v61 =	vmul.f32 v47, v12;
	v32 =	vadd.f32 v37, v32;
	v62 =	vadd.f32 v39, v38  }
0x399: {  	v63 =	vadd.f32 v41, v40;
	v43 =	vadd.f32 v43, v42  }
0x39a: {  	v47 =	vadd.f32 v45, v44;
	v35 =	vadd.f32 v61, v46  }
0x39b: {  	v33 =	vadd.f32 v33, v34;
	v32 =	vadd.f32 v62, v32  }
0x39c: {  	v48 =	vadd.f32 v43, v63;
	v35 =	vadd.f32 v35, v47;
	_ =	sdelay $0x1  }
0x39d: {  	v16 =	vadd.s32 $0x7000, v16;
	v32 =	vadd.f32 v32, v33;
	v49 =	vadd.f32 v35, v48  }
0x39e: {  	v17 =	vadd.s32 $0x7000, v17  }
0x39f: {  	v18 =	vadd.s32 $0x7000, v18;
	v32 =	vadd.f32 v49, v32  }
0x3a0: {  	v23 =	vadd.s32 $0x7000, v23  }
0x3a1: {  	v24 =	vadd.s32 $0x7000, v24;
	[tilespmem:s17+$0x12660] =	vst v32  }
0x3a2: {  	v19 =	vadd.s32 $0x7000, v19;
	v16 =	vld.idx.msk [tilespmem:v16+s3+$0x0], $0xffff  }
0x3a3: {  	v20 =	vadd.s32 $0x7000, v20;
	v17 =	vld.idx.msk [tilespmem:v17+s3+$0x0], $0xffff  }
0x3a4: {  	v21 =	vadd.s32 $0x7000, v21;
	v18 =	vld.idx.msk [tilespmem:v18+s3+$0x0], $0xffff  }
0x3a5: {  	v22 =	vadd.s32 $0x7000, v22;
	v23 =	vld.idx.msk [tilespmem:v23+s3+$0x0], $0xffff  }
0x3a6: {  	v25 =	vadd.s32 $0x7000, v25;
	v24 =	vld.idx.msk [tilespmem:v24+s3+$0x0], $0xffff  }
0x3a7: {  	v26 =	vadd.s32 $0x7000, v26;
	v19 =	vld.idx.msk [tilespmem:v19+s3+$0x0], $0xffff  }
0x3a8: {  	v27 =	vadd.s32 $0x7000, v27;
	v20 =	vld.idx.msk [tilespmem:v20+s3+$0x0], $0xffff  }
0x3a9: {  	v28 =	vadd.s32 $0x7000, v28;
	v21 =	vld.idx.msk [tilespmem:v21+s3+$0x0], $0xffff  }
0x3aa: {  	v29 =	vadd.s32 $0x7000, v29;
	v22 =	vld.idx.msk [tilespmem:v22+s3+$0x0], $0xffff  }
0x3ab: {  	v30 =	vadd.s32 $0x7000, v30;
	v25 =	vld.idx.msk [tilespmem:v25+s3+$0x0], $0xffff  }
0x3ac: {  	v31 =	vadd.s32 $0x7000, v31;
	v26 =	vld.idx.msk [tilespmem:v26+s3+$0x0], $0xffff  }
0x3ad: {  	v27 =	vld.idx.msk [tilespmem:v27+s3+$0x0], $0xffff  }
0x3ae: {  	v50 =	vld.idx.msk [tilespmem:v28+s3+$0x0], $0xffff;
	v0 =	vmul.f32 v16, v0;
	v1 =	vmul.f32 v17, v1  }
0x3af: {  	v51 =	vld.idx.msk [tilespmem:v29+s3+$0x0], $0xffff;
	v2 =	vmul.f32 v18, v2;
	v3 =	vmul.f32 v23, v3  }
0x3b0: {  	v52 =	vld.idx.msk [tilespmem:v30+s3+$0x0], $0xffff;
	v4 =	vmul.f32 v24, v4;
	v5 =	vmul.f32 v19, v5  }
0x3b1: {  	v53 =	vld.idx.msk [tilespmem:v31+s3+$0x0], $0xffff;
	v6 =	vmul.f32 v20, v6;
	v7 =	vmul.f32 v21, v7  }
0x3b2: {  	v8 =	vmul.f32 v22, v8;
	v9 =	vmul.f32 v25, v9  }
0x3b3: {  	v10 =	vmul.f32 v26, v10;
	v11 =	vmul.f32 v27, v11  }
0x3b4: {  	v13 =	vmul.f32 v50, v13;
	v14 =	vmul.f32 v51, v14  }
0x3b5: {  	v15 =	vmul.f32 v52, v15;
	v0 =	vadd.f32 v1, v0;
	v54 =	vadd.f32 v3, v2  }
0x3b6: {  	v55 =	vmul.f32 v53, v12;
	v56 =	vadd.f32 v5, v4;
	v57 =	vadd.f32 v7, v6  }
0x3b7: {  	v58 =	vadd.f32 v9, v8;
	v59 =	vadd.f32 v11, v10  }
0x3b8: {  	v60 =	vadd.f32 v14, v13;
	v2 =	vadd.f32 v55, v15  }
0x3b9: {  	v0 =	vadd.f32 v54, v0;
	v61 =	vadd.f32 v57, v56  }
0x3ba: {  	v62 =	vadd.f32 v59, v58;
	v2 =	vadd.f32 v2, v60  }
0x3bb: {  	s19 =	sshll.u32 s16, $0x4;
	s16 =	sadd.s32 $0x1, s16  }
0x3bc: {  	p0 =	sne.s32 s16, $0x20;
	v0 =	vadd.f32 v61, v0;
	v63 =	vadd.f32 v2, v62  }
.Ltmp3:
0x3bd: {  	_ = 	snop;
	(pc) =	sbr.rel @p0 .LBB2_2-.Ltmp3, $4  }
0x3be: {  	s19 =	sadd.s32 s7, s19;
	v0 =	vadd.f32 v63, v0  }
0x3bf: {  	s19 =	sshrl.u32 s19, $0x3  }
0x3c0: {  	s31 =	sadd.s32 s2, s19;
	[tilespmem:s17+$0x12970] =	vst v0  }
0x3c1: {  	[hbm4b:s31+s12] =	stream.strided.scatter [tilespmem:s18], [sflag:$0x2], $0x1880, s13, s12, $0x38;
	[tilespmem:$0x14200] =	vst v63  }
0x3c2: {  	s15 =	sadd.s32 $0x1, s15  }
0x3c3: {  	_ =	swait.ge [sflag:s14], $0x1880;
	p0 =	sne.s32 s15, s8  }
.Ltmp4:
0x3c4: {  	[sflag:s14] =	ssyncset.done $0x0;
	(pc) =	sbr.rel @p0 .LBB2_1-.Ltmp4, $4  }
0x3c5: {  	[sflag:s14] =	ssyncadd.s32 $0xFFFFE780  }
0x3c6: {  	_ =	swait.ge [sflag:s14], $0x1880  }
0x3c7: {  	[sflag:s14] =	ssyncset.done $0x0  }
0x3c8: {  	[sflag:s14] =	ssyncadd.s32 $0xFFFFE780  }
0x3c9: {  	_ =	sfence.sel $0x180000  }
0x3ca: {  	[bflag:$0x0] =	sbarrier.arrive $0xFFFF  }
0x3cb: {  	p0 =	sne.s32 s1, $0x0;
	_ =	strace $0x90000047  }
0x3cc: {  	s0 =	sadd.s32 @!p0 $0x100000, s0;
	[bflag:$0x2] =	sbarrier.arrive $0xFFFF  }
0x3cd: {  	[sflag:s0] =	ssyncadd.tile.s32 @!p0 $0x1;
	_ =	shalt  }
.Lfunc_end2:
_tile_overlayer_lowered:
.L_overlay_start_2:
0x3ce: {  	(tag) =	ssettag $0x2  }
0x3cf: {  	s0 =	rddreg [dreg:$0x0];
	s2 =	stileid.u32  }
0x3d0: {  	s1 =	rddreg [dreg:$0x1];
	p0 =	sne.s32 s2, $0x0  }
0x3d1: {  	s3 =	rddreg [dreg:$0x2];
	[bflag:$0x3] =	sbarrier.arrive $0xFFFF;
	s2 =	simm.s32 @!p0 $0x1C03  }
0x3d2: {  	[timem:s3], [sflag:s2] =	dma.local @!p0 [hbm:s0], s1  }
0x3d3: {  	s0 =	simm.s32 @!p0 $0x3  }
0x3d4: {  	_ =	swait.ge @!p0 [sflag:s0], s1  }
0x3d5: {  	s1 =	ssub.s32 @!p0 $0x0, s1;
	[sflag:s0] =	ssyncset.done @!p0 $0x0  }
0x3d6: {  	[sflag:s0] =	ssyncadd.s32 @!p0 s1  }
0x3d7: {  	[bflag:$0x3] =	sbarrier.arrive $0xFFFF  }
0x3d8: {  	_ =	shalt  }

</sc_bundles>
